<compile_context>
chip_gen: v7x
topology: tpu7x:2x2x1
jax: 0.10.2.dev20260603
libtpu: 0.0.44.dev20260713+nightly
codegen_flags: <defaults>
</compile_context>

<pallas_src>
import functools

import jax
import jax.numpy as jnp
from jax import lax
from jax.experimental import pallas as pl
from jax.experimental.pallas import tpu as pltpu
from jax.experimental.pallas import tpu_sc as plsc

N_NODES = 10000
N_PAD = 10240
N_EDGES = 320000

NUM_CORES = 2
NUM_SUBCORES = 16
NUM_WORKERS = NUM_CORES * NUM_SUBCORES

CHUNK = 80
CHUNKS_PER_WORKER = N_EDGES // CHUNK // NUM_WORKERS
ROWS_PER_TILE = N_PAD // NUM_SUBCORES
ZCOPIES = ROWS_PER_TILE // CHUNK


NBUF = 2


def _sc_agg_kernel(feat_hbm, src_hbm, dst4_hbm, zrows_hbm, ones_hbm,
                   out_hbm, deg_hbm,
                   acc_sh, src_all, dst3_v, rows, sg, ss,
                   *, d, with_deg):
    cid = lax.axis_index("c")
    sid = lax.axis_index("s")
    wid = cid * NUM_SUBCORES + sid

    r0 = sid * ROWS_PER_TILE
    pltpu.sync_copy(zrows_hbm, rows[0])
    for k in range(ZCOPIES):
        pltpu.sync_copy(rows[0],
                        acc_sh.at[pl.ds(r0 + k * CHUNK, CHUNK), :])

    e0 = wid * CHUNKS_PER_WORKER * CHUNK
    pltpu.sync_copy(src_hbm.at[pl.ds(e0, CHUNKS_PER_WORKER * CHUNK)],
                    src_all)
    pltpu.sync_copy(dst4_hbm.at[wid], dst3_v)
    plsc.subcore_barrier()

    nsteps = CHUNKS_PER_WORKER // NBUF

    def body(t, _):
        j0 = NBUF * t
        gs = [pltpu.async_copy(
                  feat_hbm.at[src_all.at[pl.ds((j0 + b) * CHUNK, CHUNK)]],
                  rows[b], sg[b])
              for b in range(NBUF)]
        scs = []
        for b in range(NBUF):
            gs[b].wait()
            scs.append(pltpu.async_copy(
                rows[b], acc_sh.at[dst3_v.at[j0 + b]], ss[b], add=True))
        for s in scs:
            s.wait()
        return 0

    lax.fori_loop(0, nsteps, body, 0)
    for j in range(nsteps * NBUF, CHUNKS_PER_WORKER):
        pltpu.async_copy(
            feat_hbm.at[src_all.at[pl.ds(j * CHUNK, CHUNK)]],
            rows[0], sg[0]).wait()
        pltpu.async_copy(rows[0], acc_sh.at[dst3_v.at[j]], ss[0],
                         add=True).wait()
    plsc.subcore_barrier()
    r0 = sid * ROWS_PER_TILE

    o0 = cid * N_PAD + r0
    for k in range(ZCOPIES):
        pltpu.sync_copy(acc_sh.at[pl.ds(r0 + k * CHUNK, CHUNK), :],
                        rows[k % NBUF])
        pltpu.sync_copy(rows[k % NBUF],
                        out_hbm.at[pl.ds(o0 + k * CHUNK, CHUNK), :])

    if with_deg:
        pltpu.sync_copy(zrows_hbm, rows[0])
        for k in range(ZCOPIES):
            pltpu.sync_copy(rows[0],
                            acc_sh.at[pl.ds(r0 + k * CHUNK, CHUNK), :])
        pltpu.sync_copy(ones_hbm, rows[1])
        plsc.subcore_barrier()

        def dbody(t, _):
            j0 = NBUF * t
            scs = [pltpu.async_copy(
                       rows[1], acc_sh.at[dst3_v.at[j0 + b]], ss[b],
                       add=True)
                   for b in range(NBUF)]
            for s in scs:
                s.wait()
            return 0

        lax.fori_loop(0, nsteps, dbody, 0)
        for j in range(nsteps * NBUF, CHUNKS_PER_WORKER):
            pltpu.async_copy(rows[1], acc_sh.at[dst3_v.at[j]], ss[0],
                             add=True).wait()
        plsc.subcore_barrier()

        for k in range(ZCOPIES):
            pltpu.sync_copy(acc_sh.at[pl.ds(r0 + k * CHUNK, CHUNK), :],
                            rows[k % NBUF])
            pltpu.sync_copy(rows[k % NBUF],
                            deg_hbm.at[pl.ds(o0 + k * CHUNK, CHUNK), :])


def _make_sc_agg(d, with_deg):
    mesh = plsc.VectorSubcoreMesh(core_axis_name="c", subcore_axis_name="s")
    out_type = [
        jax.ShapeDtypeStruct((NUM_CORES * N_PAD, d), jnp.float32),
        jax.ShapeDtypeStruct((NUM_CORES * N_PAD, d), jnp.float32),
    ]
    scratch = [
        pltpu.VMEM_SHARED((N_PAD, d), jnp.float32),
        pltpu.VMEM((CHUNKS_PER_WORKER * CHUNK,), jnp.int32),
        pltpu.VMEM((CHUNKS_PER_WORKER, CHUNK), jnp.int32),
        [pltpu.VMEM((CHUNK, d), jnp.float32) for _ in range(NBUF)],
        [pltpu.SemaphoreType.DMA for _ in range(NBUF)],
        [pltpu.SemaphoreType.DMA for _ in range(NBUF)],
    ]
    return pl.kernel(
        functools.partial(_sc_agg_kernel, d=d, with_deg=with_deg),
        out_type=out_type,
        mesh=mesh,
        scratch_types=scratch,
    )


def _tc1_kernel(x_ref, s1a_ref, s1b_ref, da_ref, db_ref, w1_ref, b1_ref,
                h_ref):
    rdeg = 1.0 / jnp.maximum(da_ref[...] + db_ref[...], 1.0)
    a1 = (s1a_ref[...] + s1b_ref[...]) * rdeg
    x = x_ref[...]
    h = (jnp.dot(x, w1_ref[:128, :], preferred_element_type=jnp.float32)
         + jnp.dot(a1, w1_ref[128:, :], preferred_element_type=jnp.float32)
         + b1_ref[...])
    h_ref[...] = jnp.maximum(h, 0.0)


def _tc2_kernel(h_ref, s2a_ref, s2b_ref, da_ref, db_ref, w2_ref, b2_ref,
                out_ref):
    rdeg = 1.0 / jnp.maximum(da_ref[...] + db_ref[...], 1.0)
    a2 = (s2a_ref[...] + s2b_ref[...]) * rdeg
    out_ref[...] = (
        jnp.dot(h_ref[...], w2_ref[:128, :], preferred_element_type=jnp.float32)
        + jnp.dot(a2, w2_ref[128:, :], preferred_element_type=jnp.float32)
        + b2_ref[...])


_TC_BLOCK = 1024


def _row_spec(d):
    return pl.BlockSpec((_TC_BLOCK, d), lambda i: (i, 0))


def _full_spec(shape):
    return pl.BlockSpec(shape, lambda i: tuple(0 for _ in shape))


def kernel(X, edge_index, W1, b1, W2, b2):
    src = edge_index[0]
    dst = edge_index[1]
    z128 = jnp.zeros((CHUNK, 128), jnp.float32)

    ones128 = jnp.ones((CHUNK, 128), jnp.float32)
    dst4 = dst.reshape(NUM_WORKERS, CHUNKS_PER_WORKER, CHUNK)

    s1, degp = _make_sc_agg(128, True)(X, src, dst4, z128, ones128)
    s1 = s1.reshape(NUM_CORES, N_PAD, 128)
    degp = degp.reshape(NUM_CORES, N_PAD, 128)
    da = degp[0, :N_NODES, 0:1]
    db = degp[1, :N_NODES, 0:1]

    grid = pl.cdiv(N_NODES, _TC_BLOCK)
    h = pl.pallas_call(
        _tc1_kernel,
        grid=(grid,),
        in_specs=[
            _row_spec(128), _row_spec(128), _row_spec(128), _row_spec(1),
            _row_spec(1),
            _full_spec((256, 128)), _full_spec((1, 128)),
        ],
        out_specs=_row_spec(128),
        out_shape=jax.ShapeDtypeStruct((N_NODES, 128), jnp.float32),
    )(X, s1[0], s1[1], da, db, W1, b1.reshape(1, 128))

    s2, _ = _make_sc_agg(128, False)(h, src, dst4, z128, ones128)
    s2 = s2.reshape(NUM_CORES, N_PAD, 128)

    out = pl.pallas_call(
        _tc2_kernel,
        grid=(grid,),
        in_specs=[
            _row_spec(128), _row_spec(128), _row_spec(128), _row_spec(1),
            _row_spec(1),
            _full_spec((256, 64)), _full_spec((1, 64)),
        ],
        out_specs=_row_spec(64),
        out_shape=jax.ShapeDtypeStruct((N_NODES, 64), jnp.float32),
    )(h, s2[0], s2[1], da, db, W2, b2.reshape(1, 64))

    return out

# --- scband reference (transcript-rebuilt; emitter-appended) ---
"""Pipeline reference for scband-graph-sage-69123203662124 (READ-ONLY COPY).

The authoritative reference and input builder live on the scoring server;
editing this copy changes nothing except your own understanding.
"""

import jax, jax.numpy as jnp
import numpy as np

N = 10000
E = 320000
D_IN = 128
D_HID = 128
N_CLS = 64


def setup_inputs(seed: int = 0) -> dict:
    key = jax.random.key(seed)
    k1, k2, k3, k4, k5, k6 = jax.random.split(key, 6)
    X = jax.random.normal(k1, (N, D_IN), dtype=jnp.float32)
    edge_index = jax.random.randint(k2, (2, E), 0, N, dtype=jnp.int32)
    # Layer 1: Linear(2*D_IN -> D_HID) operating on concat([self, nbr_mean])
    s1 = 1.0 / np.sqrt(2 * D_IN)
    W1 = jax.random.uniform(k3, (2 * D_IN, D_HID), dtype=jnp.float32, minval=-s1, maxval=s1)
    b1 = jax.random.uniform(k4, (D_HID,), dtype=jnp.float32, minval=-s1, maxval=s1)
    # Layer 2: Linear(2*D_HID -> N_CLS)
    s2 = 1.0 / np.sqrt(2 * D_HID)
    W2 = jax.random.uniform(k5, (2 * D_HID, N_CLS), dtype=jnp.float32, minval=-s2, maxval=s2)
    b2 = jax.random.uniform(k6, (N_CLS,), dtype=jnp.float32, minval=-s2, maxval=s2)
    return {"X": X, "edge_index": edge_index, "W1": W1, "b1": b1, "W2": W2, "b2": b2}


def _mean_agg(H, src, dst, n):
    # g.v2v(X, aggr='mean'): mean of neighbor (src) features scattered to dst
    summed = jax.ops.segment_sum(jnp.take(H, src, axis=0), dst, num_segments=n)
    deg = jax.ops.segment_sum(jnp.ones((src.shape[0],), dtype=H.dtype), dst, num_segments=n)
    return summed / jnp.maximum(deg, 1.0)[:, None]


def reference(X, edge_index, W1, b1, W2, b2):
    src = edge_index[0]
    dst = edge_index[1]
    # Layer 1: GraphSAGEConv (concat self + mean-aggregated nbrs, linear, relu; dropout=identity at eval)
    H = jnp.concatenate([X, _mean_agg(X, src, dst, N)], axis=1)
    H = H @ W1 + b1
    H = jax.nn.relu(H)
    # Layer 2: GraphSAGEConv (is_last=True -> no activation)
    H2 = jnp.concatenate([H, _mean_agg(H, src, dst, N)], axis=1)
    out = H2 @ W2 + b2
    return out

if __name__ == "__main__":
    import jax
    _d = setup_inputs()
    print(jax.jit(kernel)(*tuple(_d.values())))

</pallas_src>

<mosaic_0001>
#map = affine_map<(d0, d1) -> (0, 0)>
#map1 = affine_map<(d0, d1) -> (0)>
#map2 = affine_map<(d0, d1) -> (0, 0, 0)>
module attributes {stable_mosaic.version = 14 : i64} {
  func.func @_sc_agg_kernel(%arg0: i32, %arg1: i32, %arg2: memref<10000x128xf32, #tpu.memory_space<hbm>>, %arg3: memref<320000xi32, #tpu.memory_space<hbm>>, %arg4: memref<32x125x80xi32, #tpu.memory_space<hbm>>, %arg5: memref<80x128xf32, #tpu.memory_space<hbm>>, %arg6: memref<80x128xf32, #tpu.memory_space<hbm>>, %arg7: memref<20480x128xf32, #tpu.memory_space<hbm>>, %arg8: memref<20480x128xf32, #tpu.memory_space<hbm>>, %arg9: memref<10240x128xf32, #tpu.memory_space<vmem_shared>>, %arg10: memref<10000xi32, #tpu.memory_space<vmem>>, %arg11: memref<125x80xi32, #tpu.memory_space<vmem>>, %arg12: memref<80x128xf32, #tpu.memory_space<vmem>>, %arg13: memref<80x128xf32, #tpu.memory_space<vmem>>, %arg14: memref<!tpu.dma_semaphore, #tpu.memory_space<semaphore_mem>>, %arg15: memref<!tpu.dma_semaphore, #tpu.memory_space<semaphore_mem>>, %arg16: memref<!tpu.dma_semaphore, #tpu.memory_space<semaphore_mem>>, %arg17: memref<!tpu.dma_semaphore, #tpu.memory_space<semaphore_mem>>) attributes {dimension_semantics = [#tpu.dimension_semantics<core_parallel>, #tpu.dimension_semantics<subcore_parallel>], iteration_bounds = array<i64: 2, 16>, scalar_prefetch = 0 : i64, scratch_operands = 9 : i64, tpu.core_type = #tpu.core_type<sc_vector_subcore>, window_params = [{transform_indices = #map}, {transform_indices = #map1}, {transform_indices = #map2}, {transform_indices = #map}, {transform_indices = #map}, {transform_indices = #map}, {transform_indices = #map}]} {
    %mul3A = arith.constant 16 : i32
    %mul3A_0 = arith.muli %arg0, %mul3A : i32
    %add3A = arith.addi %mul3A_0, %arg1 : i32
    %mul3A_1 = arith.constant 640 : i32
    %mul3A_2 = arith.muli %arg1, %mul3A_1 : i32
    "tpu.region"() ({
      %run_scoped3A = tpu.sem_alloc : memref<!tpu.dma_semaphore, #tpu.memory_space<semaphore_mem>>
      tpu.enqueue_dma source(%arg5 : memref<80x128xf32, #tpu.memory_space<hbm>>) target(%arg12 : memref<80x128xf32, #tpu.memory_space<vmem>>) target_semaphore(%run_scoped3A : memref<!tpu.dma_semaphore, #tpu.memory_space<semaphore_mem>>)
      tpu.wait_dma2 semaphore(%run_scoped3A : memref<!tpu.dma_semaphore, #tpu.memory_space<semaphore_mem>>) src(%arg5 : memref<80x128xf32, #tpu.memory_space<hbm>>) dst(%arg12 : memref<80x128xf32, #tpu.memory_space<vmem>>)
      tpu.yield
    }) : () -> ()
    %add3A_3 = arith.constant 0 : i32
    %add3A_4 = arith.addi %mul3A_2, %add3A_3 : i32
    "tpu.region"() ({
      %run_scoped3A = tpu.sem_alloc : memref<!tpu.dma_semaphore, #tpu.memory_space<semaphore_mem>>
      %dma_start3A_160 = arith.constant 0 : i32
      %dma_start3A_161 = tpu.memref_slice %arg9[%add3A_4, %dma_start3A_160] : memref<10240x128xf32, #tpu.memory_space<vmem_shared>> -> memref<80x128xf32, #tpu.memory_space<vmem_shared>>
      %dma_start3A_162 = arith.constant 0 : i32
      %dma_start3A_163 = tpu.memref_slice %arg9[%add3A_4, %dma_start3A_162] : memref<10240x128xf32, #tpu.memory_space<vmem_shared>> -> memref<80x128xf32, #tpu.memory_space<vmem_shared>>
      tpu.enqueue_dma source(%arg12 : memref<80x128xf32, #tpu.memory_space<vmem>>) target(%dma_start3A_163 : memref<80x128xf32, #tpu.memory_space<vmem_shared>>) target_semaphore(%run_scoped3A : memref<!tpu.dma_semaphore, #tpu.memory_space<semaphore_mem>>)
      %dma_wait3A_164 = arith.constant 0 : i32
      %dma_wait3A_165 = tpu.memref_slice %arg9[%add3A_4, %dma_wait3A_164] : memref<10240x128xf32, #tpu.memory_space<vmem_shared>> -> memref<80x128xf32, #tpu.memory_space<vmem_shared>>
      %dma_wait3A_166 = arith.constant 0 : i32
      %dma_wait3A_167 = tpu.memref_slice %arg9[%add3A_4, %dma_wait3A_166] : memref<10240x128xf32, #tpu.memory_space<vmem_shared>> -> memref<80x128xf32, #tpu.memory_space<vmem_shared>>
      tpu.wait_dma2 semaphore(%run_scoped3A : memref<!tpu.dma_semaphore, #tpu.memory_space<semaphore_mem>>) src(%arg12 : memref<80x128xf32, #tpu.memory_space<vmem>>) dst(%dma_wait3A_167 : memref<80x128xf32, #tpu.memory_space<vmem_shared>>)
      tpu.yield
    }) : () -> ()
    %add3A_5 = arith.constant 80 : i32
    %add3A_6 = arith.addi %mul3A_2, %add3A_5 : i32
    "tpu.region"() ({
      %run_scoped3A = tpu.sem_alloc : memref<!tpu.dma_semaphore, #tpu.memory_space<semaphore_mem>>
      %dma_start3A_160 = arith.constant 0 : i32
      %dma_start3A_161 = tpu.memref_slice %arg9[%add3A_6, %dma_start3A_160] : memref<10240x128xf32, #tpu.memory_space<vmem_shared>> -> memref<80x128xf32, #tpu.memory_space<vmem_shared>>
      %dma_start3A_162 = arith.constant 0 : i32
      %dma_start3A_163 = tpu.memref_slice %arg9[%add3A_6, %dma_start3A_162] : memref<10240x128xf32, #tpu.memory_space<vmem_shared>> -> memref<80x128xf32, #tpu.memory_space<vmem_shared>>
      tpu.enqueue_dma source(%arg12 : memref<80x128xf32, #tpu.memory_space<vmem>>) target(%dma_start3A_163 : memref<80x128xf32, #tpu.memory_space<vmem_shared>>) target_semaphore(%run_scoped3A : memref<!tpu.dma_semaphore, #tpu.memory_space<semaphore_mem>>)
      %dma_wait3A_164 = arith.constant 0 : i32
      %dma_wait3A_165 = tpu.memref_slice %arg9[%add3A_6, %dma_wait3A_164] : memref<10240x128xf32, #tpu.memory_space<vmem_shared>> -> memref<80x128xf32, #tpu.memory_space<vmem_shared>>
      %dma_wait3A_166 = arith.constant 0 : i32
      %dma_wait3A_167 = tpu.memref_slice %arg9[%add3A_6, %dma_wait3A_166] : memref<10240x128xf32, #tpu.memory_space<vmem_shared>> -> memref<80x128xf32, #tpu.memory_space<vmem_shared>>
      tpu.wait_dma2 semaphore(%run_scoped3A : memref<!tpu.dma_semaphore, #tpu.memory_space<semaphore_mem>>) src(%arg12 : memref<80x128xf32, #tpu.memory_space<vmem>>) dst(%dma_wait3A_167 : memref<80x128xf32, #tpu.memory_space<vmem_shared>>)
      tpu.yield
    }) : () -> ()
    %add3A_7 = arith.constant 160 : i32
    %add3A_8 = arith.addi %mul3A_2, %add3A_7 : i32
    "tpu.region"() ({
      %run_scoped3A = tpu.sem_alloc : memref<!tpu.dma_semaphore, #tpu.memory_space<semaphore_mem>>
      %dma_start3A_160 = arith.constant 0 : i32
      %dma_start3A_161 = tpu.memref_slice %arg9[%add3A_8, %dma_start3A_160] : memref<10240x128xf32, #tpu.memory_space<vmem_shared>> -> memref<80x128xf32, #tpu.memory_space<vmem_shared>>
      %dma_start3A_162 = arith.constant 0 : i32
      %dma_start3A_163 = tpu.memref_slice %arg9[%add3A_8, %dma_start3A_162] : memref<10240x128xf32, #tpu.memory_space<vmem_shared>> -> memref<80x128xf32, #tpu.memory_space<vmem_shared>>
      tpu.enqueue_dma source(%arg12 : memref<80x128xf32, #tpu.memory_space<vmem>>) target(%dma_start3A_163 : memref<80x128xf32, #tpu.memory_space<vmem_shared>>) target_semaphore(%run_scoped3A : memref<!tpu.dma_semaphore, #tpu.memory_space<semaphore_mem>>)
      %dma_wait3A_164 = arith.constant 0 : i32
      %dma_wait3A_165 = tpu.memref_slice %arg9[%add3A_8, %dma_wait3A_164] : memref<10240x128xf32, #tpu.memory_space<vmem_shared>> -> memref<80x128xf32, #tpu.memory_space<vmem_shared>>
      %dma_wait3A_166 = arith.constant 0 : i32
      %dma_wait3A_167 = tpu.memref_slice %arg9[%add3A_8, %dma_wait3A_166] : memref<10240x128xf32, #tpu.memory_space<vmem_shared>> -> memref<80x128xf32, #tpu.memory_space<vmem_shared>>
      tpu.wait_dma2 semaphore(%run_scoped3A : memref<!tpu.dma_semaphore, #tpu.memory_space<semaphore_mem>>) src(%arg12 : memref<80x128xf32, #tpu.memory_space<vmem>>) dst(%dma_wait3A_167 : memref<80x128xf32, #tpu.memory_space<vmem_shared>>)
      tpu.yield
    }) : () -> ()
    %add3A_9 = arith.constant 240 : i32
    %add3A_10 = arith.addi %mul3A_2, %add3A_9 : i32
    "tpu.region"() ({
      %run_scoped3A = tpu.sem_alloc : memref<!tpu.dma_semaphore, #tpu.memory_space<semaphore_mem>>
      %dma_start3A_160 = arith.constant 0 : i32
      %dma_start3A_161 = tpu.memref_slice %arg9[%add3A_10, %dma_start3A_160] : memref<10240x128xf32, #tpu.memory_space<vmem_shared>> -> memref<80x128xf32, #tpu.memory_space<vmem_shared>>
      %dma_start3A_162 = arith.constant 0 : i32
      %dma_start3A_163 = tpu.memref_slice %arg9[%add3A_10, %dma_start3A_162] : memref<10240x128xf32, #tpu.memory_space<vmem_shared>> -> memref<80x128xf32, #tpu.memory_space<vmem_shared>>
      tpu.enqueue_dma source(%arg12 : memref<80x128xf32, #tpu.memory_space<vmem>>) target(%dma_start3A_163 : memref<80x128xf32, #tpu.memory_space<vmem_shared>>) target_semaphore(%run_scoped3A : memref<!tpu.dma_semaphore, #tpu.memory_space<semaphore_mem>>)
      %dma_wait3A_164 = arith.constant 0 : i32
      %dma_wait3A_165 = tpu.memref_slice %arg9[%add3A_10, %dma_wait3A_164] : memref<10240x128xf32, #tpu.memory_space<vmem_shared>> -> memref<80x128xf32, #tpu.memory_space<vmem_shared>>
      %dma_wait3A_166 = arith.constant 0 : i32
      %dma_wait3A_167 = tpu.memref_slice %arg9[%add3A_10, %dma_wait3A_166] : memref<10240x128xf32, #tpu.memory_space<vmem_shared>> -> memref<80x128xf32, #tpu.memory_space<vmem_shared>>
      tpu.wait_dma2 semaphore(%run_scoped3A : memref<!tpu.dma_semaphore, #tpu.memory_space<semaphore_mem>>) src(%arg12 : memref<80x128xf32, #tpu.memory_space<vmem>>) dst(%dma_wait3A_167 : memref<80x128xf32, #tpu.memory_space<vmem_shared>>)
      tpu.yield
    }) : () -> ()
    %add3A_11 = arith.constant 320 : i32
    %add3A_12 = arith.addi %mul3A_2, %add3A_11 : i32
    "tpu.region"() ({
      %run_scoped3A = tpu.sem_alloc : memref<!tpu.dma_semaphore, #tpu.memory_space<semaphore_mem>>
      %dma_start3A_160 = arith.constant 0 : i32
      %dma_start3A_161 = tpu.memref_slice %arg9[%add3A_12, %dma_start3A_160] : memref<10240x128xf32, #tpu.memory_space<vmem_shared>> -> memref<80x128xf32, #tpu.memory_space<vmem_shared>>
      %dma_start3A_162 = arith.constant 0 : i32
      %dma_start3A_163 = tpu.memref_slice %arg9[%add3A_12, %dma_start3A_162] : memref<10240x128xf32, #tpu.memory_space<vmem_shared>> -> memref<80x128xf32, #tpu.memory_space<vmem_shared>>
      tpu.enqueue_dma source(%arg12 : memref<80x128xf32, #tpu.memory_space<vmem>>) target(%dma_start3A_163 : memref<80x128xf32, #tpu.memory_space<vmem_shared>>) target_semaphore(%run_scoped3A : memref<!tpu.dma_semaphore, #tpu.memory_space<semaphore_mem>>)
      %dma_wait3A_164 = arith.constant 0 : i32
      %dma_wait3A_165 = tpu.memref_slice %arg9[%add3A_12, %dma_wait3A_164] : memref<10240x128xf32, #tpu.memory_space<vmem_shared>> -> memref<80x128xf32, #tpu.memory_space<vmem_shared>>
      %dma_wait3A_166 = arith.constant 0 : i32
      %dma_wait3A_167 = tpu.memref_slice %arg9[%add3A_12, %dma_wait3A_166] : memref<10240x128xf32, #tpu.memory_space<vmem_shared>> -> memref<80x128xf32, #tpu.memory_space<vmem_shared>>
      tpu.wait_dma2 semaphore(%run_scoped3A : memref<!tpu.dma_semaphore, #tpu.memory_space<semaphore_mem>>) src(%arg12 : memref<80x128xf32, #tpu.memory_space<vmem>>) dst(%dma_wait3A_167 : memref<80x128xf32, #tpu.memory_space<vmem_shared>>)
      tpu.yield
    }) : () -> ()
    %add3A_13 = arith.constant 400 : i32
    %add3A_14 = arith.addi %mul3A_2, %add3A_13 : i32
    "tpu.region"() ({
      %run_scoped3A = tpu.sem_alloc : memref<!tpu.dma_semaphore, #tpu.memory_space<semaphore_mem>>
      %dma_start3A_160 = arith.constant 0 : i32
      %dma_start3A_161 = tpu.memref_slice %arg9[%add3A_14, %dma_start3A_160] : memref<10240x128xf32, #tpu.memory_space<vmem_shared>> -> memref<80x128xf32, #tpu.memory_space<vmem_shared>>
      %dma_start3A_162 = arith.constant 0 : i32
      %dma_start3A_163 = tpu.memref_slice %arg9[%add3A_14, %dma_start3A_162] : memref<10240x128xf32, #tpu.memory_space<vmem_shared>> -> memref<80x128xf32, #tpu.memory_space<vmem_shared>>
      tpu.enqueue_dma source(%arg12 : memref<80x128xf32, #tpu.memory_space<vmem>>) target(%dma_start3A_163 : memref<80x128xf32, #tpu.memory_space<vmem_shared>>) target_semaphore(%run_scoped3A : memref<!tpu.dma_semaphore, #tpu.memory_space<semaphore_mem>>)
      %dma_wait3A_164 = arith.constant 0 : i32
      %dma_wait3A_165 = tpu.memref_slice %arg9[%add3A_14, %dma_wait3A_164] : memref<10240x128xf32, #tpu.memory_space<vmem_shared>> -> memref<80x128xf32, #tpu.memory_space<vmem_shared>>
      %dma_wait3A_166 = arith.constant 0 : i32
      %dma_wait3A_167 = tpu.memref_slice %arg9[%add3A_14, %dma_wait3A_166] : memref<10240x128xf32, #tpu.memory_space<vmem_shared>> -> memref<80x128xf32, #tpu.memory_space<vmem_shared>>
      tpu.wait_dma2 semaphore(%run_scoped3A : memref<!tpu.dma_semaphore, #tpu.memory_space<semaphore_mem>>) src(%arg12 : memref<80x128xf32, #tpu.memory_space<vmem>>) dst(%dma_wait3A_167 : memref<80x128xf32, #tpu.memory_space<vmem_shared>>)
      tpu.yield
    }) : () -> ()
    %add3A_15 = arith.constant 480 : i32
    %add3A_16 = arith.addi %mul3A_2, %add3A_15 : i32
    "tpu.region"() ({
      %run_scoped3A = tpu.sem_alloc : memref<!tpu.dma_semaphore, #tpu.memory_space<semaphore_mem>>
      %dma_start3A_160 = arith.constant 0 : i32
      %dma_start3A_161 = tpu.memref_slice %arg9[%add3A_16, %dma_start3A_160] : memref<10240x128xf32, #tpu.memory_space<vmem_shared>> -> memref<80x128xf32, #tpu.memory_space<vmem_shared>>
      %dma_start3A_162 = arith.constant 0 : i32
      %dma_start3A_163 = tpu.memref_slice %arg9[%add3A_16, %dma_start3A_162] : memref<10240x128xf32, #tpu.memory_space<vmem_shared>> -> memref<80x128xf32, #tpu.memory_space<vmem_shared>>
      tpu.enqueue_dma source(%arg12 : memref<80x128xf32, #tpu.memory_space<vmem>>) target(%dma_start3A_163 : memref<80x128xf32, #tpu.memory_space<vmem_shared>>) target_semaphore(%run_scoped3A : memref<!tpu.dma_semaphore, #tpu.memory_space<semaphore_mem>>)
      %dma_wait3A_164 = arith.constant 0 : i32
      %dma_wait3A_165 = tpu.memref_slice %arg9[%add3A_16, %dma_wait3A_164] : memref<10240x128xf32, #tpu.memory_space<vmem_shared>> -> memref<80x128xf32, #tpu.memory_space<vmem_shared>>
      %dma_wait3A_166 = arith.constant 0 : i32
      %dma_wait3A_167 = tpu.memref_slice %arg9[%add3A_16, %dma_wait3A_166] : memref<10240x128xf32, #tpu.memory_space<vmem_shared>> -> memref<80x128xf32, #tpu.memory_space<vmem_shared>>
      tpu.wait_dma2 semaphore(%run_scoped3A : memref<!tpu.dma_semaphore, #tpu.memory_space<semaphore_mem>>) src(%arg12 : memref<80x128xf32, #tpu.memory_space<vmem>>) dst(%dma_wait3A_167 : memref<80x128xf32, #tpu.memory_space<vmem_shared>>)
      tpu.yield
    }) : () -> ()
    %add3A_17 = arith.constant 560 : i32
    %add3A_18 = arith.addi %mul3A_2, %add3A_17 : i32
    "tpu.region"() ({
      %run_scoped3A = tpu.sem_alloc : memref<!tpu.dma_semaphore, #tpu.memory_space<semaphore_mem>>
      %dma_start3A_160 = arith.constant 0 : i32
      %dma_start3A_161 = tpu.memref_slice %arg9[%add3A_18, %dma_start3A_160] : memref<10240x128xf32, #tpu.memory_space<vmem_shared>> -> memref<80x128xf32, #tpu.memory_space<vmem_shared>>
      %dma_start3A_162 = arith.constant 0 : i32
      %dma_start3A_163 = tpu.memref_slice %arg9[%add3A_18, %dma_start3A_162] : memref<10240x128xf32, #tpu.memory_space<vmem_shared>> -> memref<80x128xf32, #tpu.memory_space<vmem_shared>>
      tpu.enqueue_dma source(%arg12 : memref<80x128xf32, #tpu.memory_space<vmem>>) target(%dma_start3A_163 : memref<80x128xf32, #tpu.memory_space<vmem_shared>>) target_semaphore(%run_scoped3A : memref<!tpu.dma_semaphore, #tpu.memory_space<semaphore_mem>>)
      %dma_wait3A_164 = arith.constant 0 : i32
      %dma_wait3A_165 = tpu.memref_slice %arg9[%add3A_18, %dma_wait3A_164] : memref<10240x128xf32, #tpu.memory_space<vmem_shared>> -> memref<80x128xf32, #tpu.memory_space<vmem_shared>>
      %dma_wait3A_166 = arith.constant 0 : i32
      %dma_wait3A_167 = tpu.memref_slice %arg9[%add3A_18, %dma_wait3A_166] : memref<10240x128xf32, #tpu.memory_space<vmem_shared>> -> memref<80x128xf32, #tpu.memory_space<vmem_shared>>
      tpu.wait_dma2 semaphore(%run_scoped3A : memref<!tpu.dma_semaphore, #tpu.memory_space<semaphore_mem>>) src(%arg12 : memref<80x128xf32, #tpu.memory_space<vmem>>) dst(%dma_wait3A_167 : memref<80x128xf32, #tpu.memory_space<vmem_shared>>)
      tpu.yield
    }) : () -> ()
    %mul3A_19 = arith.constant 125 : i32
    %mul3A_20 = arith.muli %add3A, %mul3A_19 : i32
    %mul3A_21 = arith.constant 80 : i32
    %mul3A_22 = arith.muli %mul3A_20, %mul3A_21 : i32
    "tpu.region"() ({
      %run_scoped3A = tpu.sem_alloc : memref<!tpu.dma_semaphore, #tpu.memory_space<semaphore_mem>>
      %dma_start3A_160 = tpu.memref_slice %arg3[%mul3A_22] : memref<320000xi32, #tpu.memory_space<hbm>> -> memref<10000xi32, #tpu.memory_space<hbm>>
      %dma_start3A_161 = tpu.memref_slice %arg3[%mul3A_22] : memref<320000xi32, #tpu.memory_space<hbm>> -> memref<10000xi32, #tpu.memory_space<hbm>>
      tpu.enqueue_dma source(%dma_start3A_161 : memref<10000xi32, #tpu.memory_space<hbm>>) target(%arg10 : memref<10000xi32, #tpu.memory_space<vmem>>) target_semaphore(%run_scoped3A : memref<!tpu.dma_semaphore, #tpu.memory_space<semaphore_mem>>)
      %dma_wait3A_162 = tpu.memref_slice %arg3[%mul3A_22] : memref<320000xi32, #tpu.memory_space<hbm>> -> memref<10000xi32, #tpu.memory_space<hbm>>
      %dma_wait3A_163 = tpu.memref_slice %arg3[%mul3A_22] : memref<320000xi32, #tpu.memory_space<hbm>> -> memref<10000xi32, #tpu.memory_space<hbm>>
      tpu.wait_dma2 semaphore(%run_scoped3A : memref<!tpu.dma_semaphore, #tpu.memory_space<semaphore_mem>>) src(%dma_wait3A_163 : memref<10000xi32, #tpu.memory_space<hbm>>) dst(%arg10 : memref<10000xi32, #tpu.memory_space<vmem>>)
      tpu.yield
    }) : () -> ()
    "tpu.region"() ({
      %run_scoped3A = tpu.sem_alloc : memref<!tpu.dma_semaphore, #tpu.memory_space<semaphore_mem>>
      %dma_start3A_160 = arith.constant 0 : i32
      %dma_start3A_161 = arith.constant 0 : i32
      %dma_start3A_162 = tpu.memref_slice %arg4[%add3A, %dma_start3A_160, %dma_start3A_161] : memref<32x125x80xi32, #tpu.memory_space<hbm>> -> memref<1x125x80xi32, #tpu.memory_space<hbm>>
      %dma_start3A_163 = tpu.memref_squeeze %dma_start3A_162 : memref<1x125x80xi32, #tpu.memory_space<hbm>> -> memref<125x80xi32, #tpu.memory_space<hbm>>
      %dma_start3A_164 = arith.constant 0 : i32
      %dma_start3A_165 = arith.constant 0 : i32
      %dma_start3A_166 = tpu.memref_slice %arg4[%add3A, %dma_start3A_164, %dma_start3A_165] : memref<32x125x80xi32, #tpu.memory_space<hbm>> -> memref<1x125x80xi32, #tpu.memory_space<hbm>>
      %dma_start3A_167 = tpu.memref_squeeze %dma_start3A_166 : memref<1x125x80xi32, #tpu.memory_space<hbm>> -> memref<125x80xi32, #tpu.memory_space<hbm>>
      tpu.enqueue_dma source(%dma_start3A_167 : memref<125x80xi32, #tpu.memory_space<hbm>>) target(%arg11 : memref<125x80xi32, #tpu.memory_space<vmem>>) target_semaphore(%run_scoped3A : memref<!tpu.dma_semaphore, #tpu.memory_space<semaphore_mem>>)
      %dma_wait3A_168 = arith.constant 0 : i32
      %dma_wait3A_169 = arith.constant 0 : i32
      %dma_wait3A_170 = tpu.memref_slice %arg4[%add3A, %dma_wait3A_168, %dma_wait3A_169] : memref<32x125x80xi32, #tpu.memory_space<hbm>> -> memref<1x125x80xi32, #tpu.memory_space<hbm>>
      %dma_wait3A_171 = tpu.memref_squeeze %dma_wait3A_170 : memref<1x125x80xi32, #tpu.memory_space<hbm>> -> memref<125x80xi32, #tpu.memory_space<hbm>>
      %dma_wait3A_172 = arith.constant 0 : i32
      %dma_wait3A_173 = arith.constant 0 : i32
      %dma_wait3A_174 = tpu.memref_slice %arg4[%add3A, %dma_wait3A_172, %dma_wait3A_173] : memref<32x125x80xi32, #tpu.memory_space<hbm>> -> memref<1x125x80xi32, #tpu.memory_space<hbm>>
      %dma_wait3A_175 = tpu.memref_squeeze %dma_wait3A_174 : memref<1x125x80xi32, #tpu.memory_space<hbm>> -> memref<125x80xi32, #tpu.memory_space<hbm>>
      tpu.wait_dma2 semaphore(%run_scoped3A : memref<!tpu.dma_semaphore, #tpu.memory_space<semaphore_mem>>) src(%dma_wait3A_175 : memref<125x80xi32, #tpu.memory_space<hbm>>) dst(%arg11 : memref<125x80xi32, #tpu.memory_space<vmem>>)
      tpu.yield
    }) : () -> ()
    %barrier3A = arith.constant 0 : index
    tpu.barrier barrier_id(%barrier3A)
    %scan3A = arith.constant 0 : i32
    %scan3A_23 = arith.constant 0 : i32
    %scan3A_24 = arith.constant 62 : i32
    %scan3A_25 = arith.addi %scan3A_23, %scan3A_24 : i32
    %scan3A_26 = arith.constant 1 : i32
    %scan3A_27 = scf.for %scan3A_160 = %scan3A_23 to %scan3A_25 step %scan3A_26 iter_args(%scan3A_161 = %scan3A) -> (i32)  : i32 {
      %mul3A_162 = arith.constant 2 : i32
      %mul3A_163 = arith.muli %mul3A_162, %scan3A_160 : i32
      %add3A_164 = arith.constant 0 : i32
      %add3A_165 = arith.addi %mul3A_163, %add3A_164 : i32
      %mul3A_166 = arith.constant 80 : i32
      %mul3A_167 = arith.muli %add3A_165, %mul3A_166 : i32
      %dma_start3A_168 = tpu.memref_slice %arg10[%mul3A_167] : memref<10000xi32, #tpu.memory_space<vmem>> -> memref<80xi32, #tpu.memory_space<vmem>>
      %dma_start3A_169 = arith.constant 0 : i32
      %dma_start3A_170 = arith.constant 0 : i32
      %dma_start3A_171 = tpu.memref_slice %arg2[%dma_start3A_169, %dma_start3A_170] : memref<10000x128xf32, #tpu.memory_space<hbm>> -> memref<10000x128xf32, #tpu.memory_space<hbm>>
      tpu.enqueue_indirect_dma source(%dma_start3A_171 : memref<10000x128xf32, #tpu.memory_space<hbm>>) target(%arg12 : memref<80x128xf32, #tpu.memory_space<vmem>>) offsets(%dma_start3A_168 : memref<80xi32, #tpu.memory_space<vmem>>) semaphore(%arg14 : memref<!tpu.dma_semaphore, #tpu.memory_space<semaphore_mem>>)
      %add3A_172 = arith.constant 1 : i32
      %add3A_173 = arith.addi %mul3A_163, %add3A_172 : i32
      %mul3A_174 = arith.constant 80 : i32
      %mul3A_175 = arith.muli %add3A_173, %mul3A_174 : i32
      %dma_start3A_176 = tpu.memref_slice %arg10[%mul3A_175] : memref<10000xi32, #tpu.memory_space<vmem>> -> memref<80xi32, #tpu.memory_space<vmem>>
      %dma_start3A_177 = arith.constant 0 : i32
      %dma_start3A_178 = arith.constant 0 : i32
      %dma_start3A_179 = tpu.memref_slice %arg2[%dma_start3A_177, %dma_start3A_178] : memref<10000x128xf32, #tpu.memory_space<hbm>> -> memref<10000x128xf32, #tpu.memory_space<hbm>>
      tpu.enqueue_indirect_dma source(%dma_start3A_179 : memref<10000x128xf32, #tpu.memory_space<hbm>>) target(%arg13 : memref<80x128xf32, #tpu.memory_space<vmem>>) offsets(%dma_start3A_176 : memref<80xi32, #tpu.memory_space<vmem>>) semaphore(%arg15 : memref<!tpu.dma_semaphore, #tpu.memory_space<semaphore_mem>>)
      %dma_wait3A_180 = tpu.memref_slice %arg10[%mul3A_167] : memref<10000xi32, #tpu.memory_space<vmem>> -> memref<80xi32, #tpu.memory_space<vmem>>
      %dma_wait3A_181 = arith.constant 0 : i32
      %dma_wait3A_182 = arith.constant 0 : i32
      %dma_wait3A_183 = tpu.memref_slice %arg2[%dma_wait3A_181, %dma_wait3A_182] : memref<10000x128xf32, #tpu.memory_space<hbm>> -> memref<10000x128xf32, #tpu.memory_space<hbm>>
      tpu.wait_indirect_dma semaphore(%arg14 : memref<!tpu.dma_semaphore, #tpu.memory_space<semaphore_mem>>) src(%dma_wait3A_183 : memref<10000x128xf32, #tpu.memory_space<hbm>>) dst(%arg12 : memref<80x128xf32, #tpu.memory_space<vmem>>)
      %add3A_184 = arith.constant 0 : i32
      %add3A_185 = arith.addi %mul3A_163, %add3A_184 : i32
      %dma_start3A_186 = arith.constant 0 : i32
      %dma_start3A_187 = tpu.memref_slice %arg11[%add3A_185, %dma_start3A_186] : memref<125x80xi32, #tpu.memory_space<vmem>> -> memref<1x80xi32, #tpu.memory_space<vmem>>
      %dma_start3A_188 = tpu.memref_squeeze %dma_start3A_187 : memref<1x80xi32, #tpu.memory_space<vmem>> -> memref<80xi32, #tpu.memory_space<vmem>>
      %dma_start3A_189 = arith.constant 0 : i32
      %dma_start3A_190 = arith.constant 0 : i32
      %dma_start3A_191 = tpu.memref_slice %arg9[%dma_start3A_189, %dma_start3A_190] : memref<10240x128xf32, #tpu.memory_space<vmem_shared>> -> memref<10240x128xf32, #tpu.memory_space<vmem_shared>>
      tpu.enqueue_indirect_dma source(%arg12 : memref<80x128xf32, #tpu.memory_space<vmem>>) target(%dma_start3A_191 : memref<10240x128xf32, #tpu.memory_space<vmem_shared>>) offsets(%dma_start3A_188 : memref<80xi32, #tpu.memory_space<vmem>>) semaphore(%arg16 : memref<!tpu.dma_semaphore, #tpu.memory_space<semaphore_mem>>) {add = true}
      %dma_wait3A_192 = tpu.memref_slice %arg10[%mul3A_175] : memref<10000xi32, #tpu.memory_space<vmem>> -> memref<80xi32, #tpu.memory_space<vmem>>
      %dma_wait3A_193 = arith.constant 0 : i32
      %dma_wait3A_194 = arith.constant 0 : i32
      %dma_wait3A_195 = tpu.memref_slice %arg2[%dma_wait3A_193, %dma_wait3A_194] : memref<10000x128xf32, #tpu.memory_space<hbm>> -> memref<10000x128xf32, #tpu.memory_space<hbm>>
      tpu.wait_indirect_dma semaphore(%arg15 : memref<!tpu.dma_semaphore, #tpu.memory_space<semaphore_mem>>) src(%dma_wait3A_195 : memref<10000x128xf32, #tpu.memory_space<hbm>>) dst(%arg13 : memref<80x128xf32, #tpu.memory_space<vmem>>)
      %add3A_196 = arith.constant 1 : i32
      %add3A_197 = arith.addi %mul3A_163, %add3A_196 : i32
      %dma_start3A_198 = arith.constant 0 : i32
      %dma_start3A_199 = tpu.memref_slice %arg11[%add3A_197, %dma_start3A_198] : memref<125x80xi32, #tpu.memory_space<vmem>> -> memref<1x80xi32, #tpu.memory_space<vmem>>
      %dma_start3A_200 = tpu.memref_squeeze %dma_start3A_199 : memref<1x80xi32, #tpu.memory_space<vmem>> -> memref<80xi32, #tpu.memory_space<vmem>>
      %dma_start3A_201 = arith.constant 0 : i32
      %dma_start3A_202 = arith.constant 0 : i32
      %dma_start3A_203 = tpu.memref_slice %arg9[%dma_start3A_201, %dma_start3A_202] : memref<10240x128xf32, #tpu.memory_space<vmem_shared>> -> memref<10240x128xf32, #tpu.memory_space<vmem_shared>>
      tpu.enqueue_indirect_dma source(%arg13 : memref<80x128xf32, #tpu.memory_space<vmem>>) target(%dma_start3A_203 : memref<10240x128xf32, #tpu.memory_space<vmem_shared>>) offsets(%dma_start3A_200 : memref<80xi32, #tpu.memory_space<vmem>>) semaphore(%arg17 : memref<!tpu.dma_semaphore, #tpu.memory_space<semaphore_mem>>) {add = true}
      %dma_wait3A_204 = arith.constant 0 : i32
      %dma_wait3A_205 = tpu.memref_slice %arg11[%add3A_185, %dma_wait3A_204] : memref<125x80xi32, #tpu.memory_space<vmem>> -> memref<1x80xi32, #tpu.memory_space<vmem>>
      %dma_wait3A_206 = tpu.memref_squeeze %dma_wait3A_205 : memref<1x80xi32, #tpu.memory_space<vmem>> -> memref<80xi32, #tpu.memory_space<vmem>>
      %dma_wait3A_207 = arith.constant 0 : i32
      %dma_wait3A_208 = arith.constant 0 : i32
      %dma_wait3A_209 = tpu.memref_slice %arg9[%dma_wait3A_207, %dma_wait3A_208] : memref<10240x128xf32, #tpu.memory_space<vmem_shared>> -> memref<10240x128xf32, #tpu.memory_space<vmem_shared>>
      tpu.wait_indirect_dma semaphore(%arg16 : memref<!tpu.dma_semaphore, #tpu.memory_space<semaphore_mem>>) src(%arg12 : memref<80x128xf32, #tpu.memory_space<vmem>>) dst(%dma_wait3A_209 : memref<10240x128xf32, #tpu.memory_space<vmem_shared>>)
      %dma_wait3A_210 = arith.constant 0 : i32
      %dma_wait3A_211 = tpu.memref_slice %arg11[%add3A_197, %dma_wait3A_210] : memref<125x80xi32, #tpu.memory_space<vmem>> -> memref<1x80xi32, #tpu.memory_space<vmem>>
      %dma_wait3A_212 = tpu.memref_squeeze %dma_wait3A_211 : memref<1x80xi32, #tpu.memory_space<vmem>> -> memref<80xi32, #tpu.memory_space<vmem>>
      %dma_wait3A_213 = arith.constant 0 : i32
      %dma_wait3A_214 = arith.constant 0 : i32
      %dma_wait3A_215 = tpu.memref_slice %arg9[%dma_wait3A_213, %dma_wait3A_214] : memref<10240x128xf32, #tpu.memory_space<vmem_shared>> -> memref<10240x128xf32, #tpu.memory_space<vmem_shared>>
      tpu.wait_indirect_dma semaphore(%arg17 : memref<!tpu.dma_semaphore, #tpu.memory_space<semaphore_mem>>) src(%arg13 : memref<80x128xf32, #tpu.memory_space<vmem>>) dst(%dma_wait3A_215 : memref<10240x128xf32, #tpu.memory_space<vmem_shared>>)
      %scan3A_216 = arith.constant 0 : i32
      scf.yield %scan3A_216 : i32
    }
    %scan3A_28 = arith.constant 62 : i32
    %dma_start3A = arith.constant 9920 : i32
    %dma_start3A_29 = tpu.memref_slice %arg10[%dma_start3A] : memref<10000xi32, #tpu.memory_space<vmem>> -> memref<80xi32, #tpu.memory_space<vmem>>
    %dma_start3A_30 = arith.constant 0 : i32
    %dma_start3A_31 = arith.constant 0 : i32
    %dma_start3A_32 = tpu.memref_slice %arg2[%dma_start3A_30, %dma_start3A_31] : memref<10000x128xf32, #tpu.memory_space<hbm>> -> memref<10000x128xf32, #tpu.memory_space<hbm>>
    tpu.enqueue_indirect_dma source(%dma_start3A_32 : memref<10000x128xf32, #tpu.memory_space<hbm>>) target(%arg12 : memref<80x128xf32, #tpu.memory_space<vmem>>) offsets(%dma_start3A_29 : memref<80xi32, #tpu.memory_space<vmem>>) semaphore(%arg14 : memref<!tpu.dma_semaphore, #tpu.memory_space<semaphore_mem>>)
    %dma_wait3A = arith.constant 9920 : i32
    %dma_wait3A_33 = tpu.memref_slice %arg10[%dma_wait3A] : memref<10000xi32, #tpu.memory_space<vmem>> -> memref<80xi32, #tpu.memory_space<vmem>>
    %dma_wait3A_34 = arith.constant 0 : i32
    %dma_wait3A_35 = arith.constant 0 : i32
    %dma_wait3A_36 = tpu.memref_slice %arg2[%dma_wait3A_34, %dma_wait3A_35] : memref<10000x128xf32, #tpu.memory_space<hbm>> -> memref<10000x128xf32, #tpu.memory_space<hbm>>
    tpu.wait_indirect_dma semaphore(%arg14 : memref<!tpu.dma_semaphore, #tpu.memory_space<semaphore_mem>>) src(%dma_wait3A_36 : memref<10000x128xf32, #tpu.memory_space<hbm>>) dst(%arg12 : memref<80x128xf32, #tpu.memory_space<vmem>>)
    %dma_start3A_37 = arith.constant 124 : i32
    %dma_start3A_38 = arith.constant 0 : i32
    %dma_start3A_39 = tpu.memref_slice %arg11[%dma_start3A_37, %dma_start3A_38] : memref<125x80xi32, #tpu.memory_space<vmem>> -> memref<1x80xi32, #tpu.memory_space<vmem>>
    %dma_start3A_40 = tpu.memref_squeeze %dma_start3A_39 : memref<1x80xi32, #tpu.memory_space<vmem>> -> memref<80xi32, #tpu.memory_space<vmem>>
    %dma_start3A_41 = arith.constant 0 : i32
    %dma_start3A_42 = arith.constant 0 : i32
    %dma_start3A_43 = tpu.memref_slice %arg9[%dma_start3A_41, %dma_start3A_42] : memref<10240x128xf32, #tpu.memory_space<vmem_shared>> -> memref<10240x128xf32, #tpu.memory_space<vmem_shared>>
    tpu.enqueue_indirect_dma source(%arg12 : memref<80x128xf32, #tpu.memory_space<vmem>>) target(%dma_start3A_43 : memref<10240x128xf32, #tpu.memory_space<vmem_shared>>) offsets(%dma_start3A_40 : memref<80xi32, #tpu.memory_space<vmem>>) semaphore(%arg16 : memref<!tpu.dma_semaphore, #tpu.memory_space<semaphore_mem>>) {add = true}
    %dma_wait3A_44 = arith.constant 124 : i32
    %dma_wait3A_45 = arith.constant 0 : i32
    %dma_wait3A_46 = tpu.memref_slice %arg11[%dma_wait3A_44, %dma_wait3A_45] : memref<125x80xi32, #tpu.memory_space<vmem>> -> memref<1x80xi32, #tpu.memory_space<vmem>>
    %dma_wait3A_47 = tpu.memref_squeeze %dma_wait3A_46 : memref<1x80xi32, #tpu.memory_space<vmem>> -> memref<80xi32, #tpu.memory_space<vmem>>
    %dma_wait3A_48 = arith.constant 0 : i32
    %dma_wait3A_49 = arith.constant 0 : i32
    %dma_wait3A_50 = tpu.memref_slice %arg9[%dma_wait3A_48, %dma_wait3A_49] : memref<10240x128xf32, #tpu.memory_space<vmem_shared>> -> memref<10240x128xf32, #tpu.memory_space<vmem_shared>>
    tpu.wait_indirect_dma semaphore(%arg16 : memref<!tpu.dma_semaphore, #tpu.memory_space<semaphore_mem>>) src(%arg12 : memref<80x128xf32, #tpu.memory_space<vmem>>) dst(%dma_wait3A_50 : memref<10240x128xf32, #tpu.memory_space<vmem_shared>>)
    %barrier3A_51 = arith.constant 0 : index
    tpu.barrier barrier_id(%barrier3A_51)
    %mul3A_52 = arith.constant 640 : i32
    %mul3A_53 = arith.muli %arg1, %mul3A_52 : i32
    %mul3A_54 = arith.constant 10240 : i32
    %mul3A_55 = arith.muli %arg0, %mul3A_54 : i32
    %add3A_56 = arith.addi %mul3A_55, %mul3A_53 : i32
    %add3A_57 = arith.constant 0 : i32
    %add3A_58 = arith.addi %mul3A_53, %add3A_57 : i32
    "tpu.region"() ({
      %run_scoped3A = tpu.sem_alloc : memref<!tpu.dma_semaphore, #tpu.memory_space<semaphore_mem>>
      %dma_start3A_160 = arith.constant 0 : i32
      %dma_start3A_161 = tpu.memref_slice %arg9[%add3A_58, %dma_start3A_160] : memref<10240x128xf32, #tpu.memory_space<vmem_shared>> -> memref<80x128xf32, #tpu.memory_space<vmem_shared>>
      %dma_start3A_162 = arith.constant 0 : i32
      %dma_start3A_163 = tpu.memref_slice %arg9[%add3A_58, %dma_start3A_162] : memref<10240x128xf32, #tpu.memory_space<vmem_shared>> -> memref<80x128xf32, #tpu.memory_space<vmem_shared>>
      tpu.enqueue_dma source(%dma_start3A_163 : memref<80x128xf32, #tpu.memory_space<vmem_shared>>) target(%arg12 : memref<80x128xf32, #tpu.memory_space<vmem>>) target_semaphore(%run_scoped3A : memref<!tpu.dma_semaphore, #tpu.memory_space<semaphore_mem>>)
      %dma_wait3A_164 = arith.constant 0 : i32
      %dma_wait3A_165 = tpu.memref_slice %arg9[%add3A_58, %dma_wait3A_164] : memref<10240x128xf32, #tpu.memory_space<vmem_shared>> -> memref<80x128xf32, #tpu.memory_space<vmem_shared>>
      %dma_wait3A_166 = arith.constant 0 : i32
      %dma_wait3A_167 = tpu.memref_slice %arg9[%add3A_58, %dma_wait3A_166] : memref<10240x128xf32, #tpu.memory_space<vmem_shared>> -> memref<80x128xf32, #tpu.memory_space<vmem_shared>>
      tpu.wait_dma2 semaphore(%run_scoped3A : memref<!tpu.dma_semaphore, #tpu.memory_space<semaphore_mem>>) src(%dma_wait3A_167 : memref<80x128xf32, #tpu.memory_space<vmem_shared>>) dst(%arg12 : memref<80x128xf32, #tpu.memory_space<vmem>>)
      tpu.yield
    }) : () -> ()
    %add3A_59 = arith.constant 0 : i32
    %add3A_60 = arith.addi %add3A_56, %add3A_59 : i32
    "tpu.region"() ({
      %run_scoped3A = tpu.sem_alloc : memref<!tpu.dma_semaphore, #tpu.memory_space<semaphore_mem>>
      %dma_start3A_160 = arith.constant 0 : i32
      %dma_start3A_161 = tpu.memref_slice %arg7[%add3A_60, %dma_start3A_160] : memref<20480x128xf32, #tpu.memory_space<hbm>> -> memref<80x128xf32, #tpu.memory_space<hbm>>
      %dma_start3A_162 = arith.constant 0 : i32
      %dma_start3A_163 = tpu.memref_slice %arg7[%add3A_60, %dma_start3A_162] : memref<20480x128xf32, #tpu.memory_space<hbm>> -> memref<80x128xf32, #tpu.memory_space<hbm>>
      tpu.enqueue_dma source(%arg12 : memref<80x128xf32, #tpu.memory_space<vmem>>) target(%dma_start3A_163 : memref<80x128xf32, #tpu.memory_space<hbm>>) target_semaphore(%run_scoped3A : memref<!tpu.dma_semaphore, #tpu.memory_space<semaphore_mem>>)
      %dma_wait3A_164 = arith.constant 0 : i32
      %dma_wait3A_165 = tpu.memref_slice %arg7[%add3A_60, %dma_wait3A_164] : memref<20480x128xf32, #tpu.memory_space<hbm>> -> memref<80x128xf32, #tpu.memory_space<hbm>>
      %dma_wait3A_166 = arith.constant 0 : i32
      %dma_wait3A_167 = tpu.memref_slice %arg7[%add3A_60, %dma_wait3A_166] : memref<20480x128xf32, #tpu.memory_space<hbm>> -> memref<80x128xf32, #tpu.memory_space<hbm>>
      tpu.wait_dma2 semaphore(%run_scoped3A : memref<!tpu.dma_semaphore, #tpu.memory_space<semaphore_mem>>) src(%arg12 : memref<80x128xf32, #tpu.memory_space<vmem>>) dst(%dma_wait3A_167 : memref<80x128xf32, #tpu.memory_space<hbm>>)
      tpu.yield
    }) : () -> ()
    %add3A_61 = arith.constant 80 : i32
    %add3A_62 = arith.addi %mul3A_53, %add3A_61 : i32
    "tpu.region"() ({
      %run_scoped3A = tpu.sem_alloc : memref<!tpu.dma_semaphore, #tpu.memory_space<semaphore_mem>>
      %dma_start3A_160 = arith.constant 0 : i32
      %dma_start3A_161 = tpu.memref_slice %arg9[%add3A_62, %dma_start3A_160] : memref<10240x128xf32, #tpu.memory_space<vmem_shared>> -> memref<80x128xf32, #tpu.memory_space<vmem_shared>>
      %dma_start3A_162 = arith.constant 0 : i32
      %dma_start3A_163 = tpu.memref_slice %arg9[%add3A_62, %dma_start3A_162] : memref<10240x128xf32, #tpu.memory_space<vmem_shared>> -> memref<80x128xf32, #tpu.memory_space<vmem_shared>>
      tpu.enqueue_dma source(%dma_start3A_163 : memref<80x128xf32, #tpu.memory_space<vmem_shared>>) target(%arg13 : memref<80x128xf32, #tpu.memory_space<vmem>>) target_semaphore(%run_scoped3A : memref<!tpu.dma_semaphore, #tpu.memory_space<semaphore_mem>>)
      %dma_wait3A_164 = arith.constant 0 : i32
      %dma_wait3A_165 = tpu.memref_slice %arg9[%add3A_62, %dma_wait3A_164] : memref<10240x128xf32, #tpu.memory_space<vmem_shared>> -> memref<80x128xf32, #tpu.memory_space<vmem_shared>>
      %dma_wait3A_166 = arith.constant 0 : i32
      %dma_wait3A_167 = tpu.memref_slice %arg9[%add3A_62, %dma_wait3A_166] : memref<10240x128xf32, #tpu.memory_space<vmem_shared>> -> memref<80x128xf32, #tpu.memory_space<vmem_shared>>
      tpu.wait_dma2 semaphore(%run_scoped3A : memref<!tpu.dma_semaphore, #tpu.memory_space<semaphore_mem>>) src(%dma_wait3A_167 : memref<80x128xf32, #tpu.memory_space<vmem_shared>>) dst(%arg13 : memref<80x128xf32, #tpu.memory_space<vmem>>)
      tpu.yield
    }) : () -> ()
    %add3A_63 = arith.constant 80 : i32
    %add3A_64 = arith.addi %add3A_56, %add3A_63 : i32
    "tpu.region"() ({
      %run_scoped3A = tpu.sem_alloc : memref<!tpu.dma_semaphore, #tpu.memory_space<semaphore_mem>>
      %dma_start3A_160 = arith.constant 0 : i32
      %dma_start3A_161 = tpu.memref_slice %arg7[%add3A_64, %dma_start3A_160] : memref<20480x128xf32, #tpu.memory_space<hbm>> -> memref<80x128xf32, #tpu.memory_space<hbm>>
      %dma_start3A_162 = arith.constant 0 : i32
      %dma_start3A_163 = tpu.memref_slice %arg7[%add3A_64, %dma_start3A_162] : memref<20480x128xf32, #tpu.memory_space<hbm>> -> memref<80x128xf32, #tpu.memory_space<hbm>>
      tpu.enqueue_dma source(%arg13 : memref<80x128xf32, #tpu.memory_space<vmem>>) target(%dma_start3A_163 : memref<80x128xf32, #tpu.memory_space<hbm>>) target_semaphore(%run_scoped3A : memref<!tpu.dma_semaphore, #tpu.memory_space<semaphore_mem>>)
      %dma_wait3A_164 = arith.constant 0 : i32
      %dma_wait3A_165 = tpu.memref_slice %arg7[%add3A_64, %dma_wait3A_164] : memref<20480x128xf32, #tpu.memory_space<hbm>> -> memref<80x128xf32, #tpu.memory_space<hbm>>
      %dma_wait3A_166 = arith.constant 0 : i32
      %dma_wait3A_167 = tpu.memref_slice %arg7[%add3A_64, %dma_wait3A_166] : memref<20480x128xf32, #tpu.memory_space<hbm>> -> memref<80x128xf32, #tpu.memory_space<hbm>>
      tpu.wait_dma2 semaphore(%run_scoped3A : memref<!tpu.dma_semaphore, #tpu.memory_space<semaphore_mem>>) src(%arg13 : memref<80x128xf32, #tpu.memory_space<vmem>>) dst(%dma_wait3A_167 : memref<80x128xf32, #tpu.memory_space<hbm>>)
      tpu.yield
    }) : () -> ()
    %add3A_65 = arith.constant 160 : i32
    %add3A_66 = arith.addi %mul3A_53, %add3A_65 : i32
    "tpu.region"() ({
      %run_scoped3A = tpu.sem_alloc : memref<!tpu.dma_semaphore, #tpu.memory_space<semaphore_mem>>
      %dma_start3A_160 = arith.constant 0 : i32
      %dma_start3A_161 = tpu.memref_slice %arg9[%add3A_66, %dma_start3A_160] : memref<10240x128xf32, #tpu.memory_space<vmem_shared>> -> memref<80x128xf32, #tpu.memory_space<vmem_shared>>
      %dma_start3A_162 = arith.constant 0 : i32
      %dma_start3A_163 = tpu.memref_slice %arg9[%add3A_66, %dma_start3A_162] : memref<10240x128xf32, #tpu.memory_space<vmem_shared>> -> memref<80x128xf32, #tpu.memory_space<vmem_shared>>
      tpu.enqueue_dma source(%dma_start3A_163 : memref<80x128xf32, #tpu.memory_space<vmem_shared>>) target(%arg12 : memref<80x128xf32, #tpu.memory_space<vmem>>) target_semaphore(%run_scoped3A : memref<!tpu.dma_semaphore, #tpu.memory_space<semaphore_mem>>)
      %dma_wait3A_164 = arith.constant 0 : i32
      %dma_wait3A_165 = tpu.memref_slice %arg9[%add3A_66, %dma_wait3A_164] : memref<10240x128xf32, #tpu.memory_space<vmem_shared>> -> memref<80x128xf32, #tpu.memory_space<vmem_shared>>
      %dma_wait3A_166 = arith.constant 0 : i32
      %dma_wait3A_167 = tpu.memref_slice %arg9[%add3A_66, %dma_wait3A_166] : memref<10240x128xf32, #tpu.memory_space<vmem_shared>> -> memref<80x128xf32, #tpu.memory_space<vmem_shared>>
      tpu.wait_dma2 semaphore(%run_scoped3A : memref<!tpu.dma_semaphore, #tpu.memory_space<semaphore_mem>>) src(%dma_wait3A_167 : memref<80x128xf32, #tpu.memory_space<vmem_shared>>) dst(%arg12 : memref<80x128xf32, #tpu.memory_space<vmem>>)
      tpu.yield
    }) : () -> ()
    %add3A_67 = arith.constant 160 : i32
    %add3A_68 = arith.addi %add3A_56, %add3A_67 : i32
    "tpu.region"() ({
      %run_scoped3A = tpu.sem_alloc : memref<!tpu.dma_semaphore, #tpu.memory_space<semaphore_mem>>
      %dma_start3A_160 = arith.constant 0 : i32
      %dma_start3A_161 = tpu.memref_slice %arg7[%add3A_68, %dma_start3A_160] : memref<20480x128xf32, #tpu.memory_space<hbm>> -> memref<80x128xf32, #tpu.memory_space<hbm>>
      %dma_start3A_162 = arith.constant 0 : i32
      %dma_start3A_163 = tpu.memref_slice %arg7[%add3A_68, %dma_start3A_162] : memref<20480x128xf32, #tpu.memory_space<hbm>> -> memref<80x128xf32, #tpu.memory_space<hbm>>
      tpu.enqueue_dma source(%arg12 : memref<80x128xf32, #tpu.memory_space<vmem>>) target(%dma_start3A_163 : memref<80x128xf32, #tpu.memory_space<hbm>>) target_semaphore(%run_scoped3A : memref<!tpu.dma_semaphore, #tpu.memory_space<semaphore_mem>>)
      %dma_wait3A_164 = arith.constant 0 : i32
      %dma_wait3A_165 = tpu.memref_slice %arg7[%add3A_68, %dma_wait3A_164] : memref<20480x128xf32, #tpu.memory_space<hbm>> -> memref<80x128xf32, #tpu.memory_space<hbm>>
      %dma_wait3A_166 = arith.constant 0 : i32
      %dma_wait3A_167 = tpu.memref_slice %arg7[%add3A_68, %dma_wait3A_166] : memref<20480x128xf32, #tpu.memory_space<hbm>> -> memref<80x128xf32, #tpu.memory_space<hbm>>
      tpu.wait_dma2 semaphore(%run_scoped3A : memref<!tpu.dma_semaphore, #tpu.memory_space<semaphore_mem>>) src(%arg12 : memref<80x128xf32, #tpu.memory_space<vmem>>) dst(%dma_wait3A_167 : memref<80x128xf32, #tpu.memory_space<hbm>>)
      tpu.yield
    }) : () -> ()
    %add3A_69 = arith.constant 240 : i32
    %add3A_70 = arith.addi %mul3A_53, %add3A_69 : i32
    "tpu.region"() ({
      %run_scoped3A = tpu.sem_alloc : memref<!tpu.dma_semaphore, #tpu.memory_space<semaphore_mem>>
      %dma_start3A_160 = arith.constant 0 : i32
      %dma_start3A_161 = tpu.memref_slice %arg9[%add3A_70, %dma_start3A_160] : memref<10240x128xf32, #tpu.memory_space<vmem_shared>> -> memref<80x128xf32, #tpu.memory_space<vmem_shared>>
      %dma_start3A_162 = arith.constant 0 : i32
      %dma_start3A_163 = tpu.memref_slice %arg9[%add3A_70, %dma_start3A_162] : memref<10240x128xf32, #tpu.memory_space<vmem_shared>> -> memref<80x128xf32, #tpu.memory_space<vmem_shared>>
      tpu.enqueue_dma source(%dma_start3A_163 : memref<80x128xf32, #tpu.memory_space<vmem_shared>>) target(%arg13 : memref<80x128xf32, #tpu.memory_space<vmem>>) target_semaphore(%run_scoped3A : memref<!tpu.dma_semaphore, #tpu.memory_space<semaphore_mem>>)
      %dma_wait3A_164 = arith.constant 0 : i32
      %dma_wait3A_165 = tpu.memref_slice %arg9[%add3A_70, %dma_wait3A_164] : memref<10240x128xf32, #tpu.memory_space<vmem_shared>> -> memref<80x128xf32, #tpu.memory_space<vmem_shared>>
      %dma_wait3A_166 = arith.constant 0 : i32
      %dma_wait3A_167 = tpu.memref_slice %arg9[%add3A_70, %dma_wait3A_166] : memref<10240x128xf32, #tpu.memory_space<vmem_shared>> -> memref<80x128xf32, #tpu.memory_space<vmem_shared>>
      tpu.wait_dma2 semaphore(%run_scoped3A : memref<!tpu.dma_semaphore, #tpu.memory_space<semaphore_mem>>) src(%dma_wait3A_167 : memref<80x128xf32, #tpu.memory_space<vmem_shared>>) dst(%arg13 : memref<80x128xf32, #tpu.memory_space<vmem>>)
      tpu.yield
    }) : () -> ()
    %add3A_71 = arith.constant 240 : i32
    %add3A_72 = arith.addi %add3A_56, %add3A_71 : i32
    "tpu.region"() ({
      %run_scoped3A = tpu.sem_alloc : memref<!tpu.dma_semaphore, #tpu.memory_space<semaphore_mem>>
      %dma_start3A_160 = arith.constant 0 : i32
      %dma_start3A_161 = tpu.memref_slice %arg7[%add3A_72, %dma_start3A_160] : memref<20480x128xf32, #tpu.memory_space<hbm>> -> memref<80x128xf32, #tpu.memory_space<hbm>>
      %dma_start3A_162 = arith.constant 0 : i32
      %dma_start3A_163 = tpu.memref_slice %arg7[%add3A_72, %dma_start3A_162] : memref<20480x128xf32, #tpu.memory_space<hbm>> -> memref<80x128xf32, #tpu.memory_space<hbm>>
      tpu.enqueue_dma source(%arg13 : memref<80x128xf32, #tpu.memory_space<vmem>>) target(%dma_start3A_163 : memref<80x128xf32, #tpu.memory_space<hbm>>) target_semaphore(%run_scoped3A : memref<!tpu.dma_semaphore, #tpu.memory_space<semaphore_mem>>)
      %dma_wait3A_164 = arith.constant 0 : i32
      %dma_wait3A_165 = tpu.memref_slice %arg7[%add3A_72, %dma_wait3A_164] : memref<20480x128xf32, #tpu.memory_space<hbm>> -> memref<80x128xf32, #tpu.memory_space<hbm>>
      %dma_wait3A_166 = arith.constant 0 : i32
      %dma_wait3A_167 = tpu.memref_slice %arg7[%add3A_72, %dma_wait3A_166] : memref<20480x128xf32, #tpu.memory_space<hbm>> -> memref<80x128xf32, #tpu.memory_space<hbm>>
      tpu.wait_dma2 semaphore(%run_scoped3A : memref<!tpu.dma_semaphore, #tpu.memory_space<semaphore_mem>>) src(%arg13 : memref<80x128xf32, #tpu.memory_space<vmem>>) dst(%dma_wait3A_167 : memref<80x128xf32, #tpu.memory_space<hbm>>)
      tpu.yield
    }) : () -> ()
    %add3A_73 = arith.constant 320 : i32
    %add3A_74 = arith.addi %mul3A_53, %add3A_73 : i32
    "tpu.region"() ({
      %run_scoped3A = tpu.sem_alloc : memref<!tpu.dma_semaphore, #tpu.memory_space<semaphore_mem>>
      %dma_start3A_160 = arith.constant 0 : i32
      %dma_start3A_161 = tpu.memref_slice %arg9[%add3A_74, %dma_start3A_160] : memref<10240x128xf32, #tpu.memory_space<vmem_shared>> -> memref<80x128xf32, #tpu.memory_space<vmem_shared>>
      %dma_start3A_162 = arith.constant 0 : i32
      %dma_start3A_163 = tpu.memref_slice %arg9[%add3A_74, %dma_start3A_162] : memref<10240x128xf32, #tpu.memory_space<vmem_shared>> -> memref<80x128xf32, #tpu.memory_space<vmem_shared>>
      tpu.enqueue_dma source(%dma_start3A_163 : memref<80x128xf32, #tpu.memory_space<vmem_shared>>) target(%arg12 : memref<80x128xf32, #tpu.memory_space<vmem>>) target_semaphore(%run_scoped3A : memref<!tpu.dma_semaphore, #tpu.memory_space<semaphore_mem>>)
      %dma_wait3A_164 = arith.constant 0 : i32
      %dma_wait3A_165 = tpu.memref_slice %arg9[%add3A_74, %dma_wait3A_164] : memref<10240x128xf32, #tpu.memory_space<vmem_shared>> -> memref<80x128xf32, #tpu.memory_space<vmem_shared>>
      %dma_wait3A_166 = arith.constant 0 : i32
      %dma_wait3A_167 = tpu.memref_slice %arg9[%add3A_74, %dma_wait3A_166] : memref<10240x128xf32, #tpu.memory_space<vmem_shared>> -> memref<80x128xf32, #tpu.memory_space<vmem_shared>>
      tpu.wait_dma2 semaphore(%run_scoped3A : memref<!tpu.dma_semaphore, #tpu.memory_space<semaphore_mem>>) src(%dma_wait3A_167 : memref<80x128xf32, #tpu.memory_space<vmem_shared>>) dst(%arg12 : memref<80x128xf32, #tpu.memory_space<vmem>>)
      tpu.yield
    }) : () -> ()
    %add3A_75 = arith.constant 320 : i32
    %add3A_76 = arith.addi %add3A_56, %add3A_75 : i32
    "tpu.region"() ({
      %run_scoped3A = tpu.sem_alloc : memref<!tpu.dma_semaphore, #tpu.memory_space<semaphore_mem>>
      %dma_start3A_160 = arith.constant 0 : i32
      %dma_start3A_161 = tpu.memref_slice %arg7[%add3A_76, %dma_start3A_160] : memref<20480x128xf32, #tpu.memory_space<hbm>> -> memref<80x128xf32, #tpu.memory_space<hbm>>
      %dma_start3A_162 = arith.constant 0 : i32
      %dma_start3A_163 = tpu.memref_slice %arg7[%add3A_76, %dma_start3A_162] : memref<20480x128xf32, #tpu.memory_space<hbm>> -> memref<80x128xf32, #tpu.memory_space<hbm>>
      tpu.enqueue_dma source(%arg12 : memref<80x128xf32, #tpu.memory_space<vmem>>) target(%dma_start3A_163 : memref<80x128xf32, #tpu.memory_space<hbm>>) target_semaphore(%run_scoped3A : memref<!tpu.dma_semaphore, #tpu.memory_space<semaphore_mem>>)
      %dma_wait3A_164 = arith.constant 0 : i32
      %dma_wait3A_165 = tpu.memref_slice %arg7[%add3A_76, %dma_wait3A_164] : memref<20480x128xf32, #tpu.memory_space<hbm>> -> memref<80x128xf32, #tpu.memory_space<hbm>>
      %dma_wait3A_166 = arith.constant 0 : i32
      %dma_wait3A_167 = tpu.memref_slice %arg7[%add3A_76, %dma_wait3A_166] : memref<20480x128xf32, #tpu.memory_space<hbm>> -> memref<80x128xf32, #tpu.memory_space<hbm>>
      tpu.wait_dma2 semaphore(%run_scoped3A : memref<!tpu.dma_semaphore, #tpu.memory_space<semaphore_mem>>) src(%arg12 : memref<80x128xf32, #tpu.memory_space<vmem>>) dst(%dma_wait3A_167 : memref<80x128xf32, #tpu.memory_space<hbm>>)
      tpu.yield
    }) : () -> ()
    %add3A_77 = arith.constant 400 : i32
    %add3A_78 = arith.addi %mul3A_53, %add3A_77 : i32
    "tpu.region"() ({
      %run_scoped3A = tpu.sem_alloc : memref<!tpu.dma_semaphore, #tpu.memory_space<semaphore_mem>>
      %dma_start3A_160 = arith.constant 0 : i32
      %dma_start3A_161 = tpu.memref_slice %arg9[%add3A_78, %dma_start3A_160] : memref<10240x128xf32, #tpu.memory_space<vmem_shared>> -> memref<80x128xf32, #tpu.memory_space<vmem_shared>>
      %dma_start3A_162 = arith.constant 0 : i32
      %dma_start3A_163 = tpu.memref_slice %arg9[%add3A_78, %dma_start3A_162] : memref<10240x128xf32, #tpu.memory_space<vmem_shared>> -> memref<80x128xf32, #tpu.memory_space<vmem_shared>>
      tpu.enqueue_dma source(%dma_start3A_163 : memref<80x128xf32, #tpu.memory_space<vmem_shared>>) target(%arg13 : memref<80x128xf32, #tpu.memory_space<vmem>>) target_semaphore(%run_scoped3A : memref<!tpu.dma_semaphore, #tpu.memory_space<semaphore_mem>>)
      %dma_wait3A_164 = arith.constant 0 : i32
      %dma_wait3A_165 = tpu.memref_slice %arg9[%add3A_78, %dma_wait3A_164] : memref<10240x128xf32, #tpu.memory_space<vmem_shared>> -> memref<80x128xf32, #tpu.memory_space<vmem_shared>>
      %dma_wait3A_166 = arith.constant 0 : i32
      %dma_wait3A_167 = tpu.memref_slice %arg9[%add3A_78, %dma_wait3A_166] : memref<10240x128xf32, #tpu.memory_space<vmem_shared>> -> memref<80x128xf32, #tpu.memory_space<vmem_shared>>
      tpu.wait_dma2 semaphore(%run_scoped3A : memref<!tpu.dma_semaphore, #tpu.memory_space<semaphore_mem>>) src(%dma_wait3A_167 : memref<80x128xf32, #tpu.memory_space<vmem_shared>>) dst(%arg13 : memref<80x128xf32, #tpu.memory_space<vmem>>)
      tpu.yield
    }) : () -> ()
    %add3A_79 = arith.constant 400 : i32
    %add3A_80 = arith.addi %add3A_56, %add3A_79 : i32
    "tpu.region"() ({
      %run_scoped3A = tpu.sem_alloc : memref<!tpu.dma_semaphore, #tpu.memory_space<semaphore_mem>>
      %dma_start3A_160 = arith.constant 0 : i32
      %dma_start3A_161 = tpu.memref_slice %arg7[%add3A_80, %dma_start3A_160] : memref<20480x128xf32, #tpu.memory_space<hbm>> -> memref<80x128xf32, #tpu.memory_space<hbm>>
      %dma_start3A_162 = arith.constant 0 : i32
      %dma_start3A_163 = tpu.memref_slice %arg7[%add3A_80, %dma_start3A_162] : memref<20480x128xf32, #tpu.memory_space<hbm>> -> memref<80x128xf32, #tpu.memory_space<hbm>>
      tpu.enqueue_dma source(%arg13 : memref<80x128xf32, #tpu.memory_space<vmem>>) target(%dma_start3A_163 : memref<80x128xf32, #tpu.memory_space<hbm>>) target_semaphore(%run_scoped3A : memref<!tpu.dma_semaphore, #tpu.memory_space<semaphore_mem>>)
      %dma_wait3A_164 = arith.constant 0 : i32
      %dma_wait3A_165 = tpu.memref_slice %arg7[%add3A_80, %dma_wait3A_164] : memref<20480x128xf32, #tpu.memory_space<hbm>> -> memref<80x128xf32, #tpu.memory_space<hbm>>
      %dma_wait3A_166 = arith.constant 0 : i32
      %dma_wait3A_167 = tpu.memref_slice %arg7[%add3A_80, %dma_wait3A_166] : memref<20480x128xf32, #tpu.memory_space<hbm>> -> memref<80x128xf32, #tpu.memory_space<hbm>>
      tpu.wait_dma2 semaphore(%run_scoped3A : memref<!tpu.dma_semaphore, #tpu.memory_space<semaphore_mem>>) src(%arg13 : memref<80x128xf32, #tpu.memory_space<vmem>>) dst(%dma_wait3A_167 : memref<80x128xf32, #tpu.memory_space<hbm>>)
      tpu.yield
    }) : () -> ()
    %add3A_81 = arith.constant 480 : i32
    %add3A_82 = arith.addi %mul3A_53, %add3A_81 : i32
    "tpu.region"() ({
      %run_scoped3A = tpu.sem_alloc : memref<!tpu.dma_semaphore, #tpu.memory_space<semaphore_mem>>
      %dma_start3A_160 = arith.constant 0 : i32
      %dma_start3A_161 = tpu.memref_slice %arg9[%add3A_82, %dma_start3A_160] : memref<10240x128xf32, #tpu.memory_space<vmem_shared>> -> memref<80x128xf32, #tpu.memory_space<vmem_shared>>
      %dma_start3A_162 = arith.constant 0 : i32
      %dma_start3A_163 = tpu.memref_slice %arg9[%add3A_82, %dma_start3A_162] : memref<10240x128xf32, #tpu.memory_space<vmem_shared>> -> memref<80x128xf32, #tpu.memory_space<vmem_shared>>
      tpu.enqueue_dma source(%dma_start3A_163 : memref<80x128xf32, #tpu.memory_space<vmem_shared>>) target(%arg12 : memref<80x128xf32, #tpu.memory_space<vmem>>) target_semaphore(%run_scoped3A : memref<!tpu.dma_semaphore, #tpu.memory_space<semaphore_mem>>)
      %dma_wait3A_164 = arith.constant 0 : i32
      %dma_wait3A_165 = tpu.memref_slice %arg9[%add3A_82, %dma_wait3A_164] : memref<10240x128xf32, #tpu.memory_space<vmem_shared>> -> memref<80x128xf32, #tpu.memory_space<vmem_shared>>
      %dma_wait3A_166 = arith.constant 0 : i32
      %dma_wait3A_167 = tpu.memref_slice %arg9[%add3A_82, %dma_wait3A_166] : memref<10240x128xf32, #tpu.memory_space<vmem_shared>> -> memref<80x128xf32, #tpu.memory_space<vmem_shared>>
      tpu.wait_dma2 semaphore(%run_scoped3A : memref<!tpu.dma_semaphore, #tpu.memory_space<semaphore_mem>>) src(%dma_wait3A_167 : memref<80x128xf32, #tpu.memory_space<vmem_shared>>) dst(%arg12 : memref<80x128xf32, #tpu.memory_space<vmem>>)
      tpu.yield
    }) : () -> ()
    %add3A_83 = arith.constant 480 : i32
    %add3A_84 = arith.addi %add3A_56, %add3A_83 : i32
    "tpu.region"() ({
      %run_scoped3A = tpu.sem_alloc : memref<!tpu.dma_semaphore, #tpu.memory_space<semaphore_mem>>
      %dma_start3A_160 = arith.constant 0 : i32
      %dma_start3A_161 = tpu.memref_slice %arg7[%add3A_84, %dma_start3A_160] : memref<20480x128xf32, #tpu.memory_space<hbm>> -> memref<80x128xf32, #tpu.memory_space<hbm>>
      %dma_start3A_162 = arith.constant 0 : i32
      %dma_start3A_163 = tpu.memref_slice %arg7[%add3A_84, %dma_start3A_162] : memref<20480x128xf32, #tpu.memory_space<hbm>> -> memref<80x128xf32, #tpu.memory_space<hbm>>
      tpu.enqueue_dma source(%arg12 : memref<80x128xf32, #tpu.memory_space<vmem>>) target(%dma_start3A_163 : memref<80x128xf32, #tpu.memory_space<hbm>>) target_semaphore(%run_scoped3A : memref<!tpu.dma_semaphore, #tpu.memory_space<semaphore_mem>>)
      %dma_wait3A_164 = arith.constant 0 : i32
      %dma_wait3A_165 = tpu.memref_slice %arg7[%add3A_84, %dma_wait3A_164] : memref<20480x128xf32, #tpu.memory_space<hbm>> -> memref<80x128xf32, #tpu.memory_space<hbm>>
      %dma_wait3A_166 = arith.constant 0 : i32
      %dma_wait3A_167 = tpu.memref_slice %arg7[%add3A_84, %dma_wait3A_166] : memref<20480x128xf32, #tpu.memory_space<hbm>> -> memref<80x128xf32, #tpu.memory_space<hbm>>
      tpu.wait_dma2 semaphore(%run_scoped3A : memref<!tpu.dma_semaphore, #tpu.memory_space<semaphore_mem>>) src(%arg12 : memref<80x128xf32, #tpu.memory_space<vmem>>) dst(%dma_wait3A_167 : memref<80x128xf32, #tpu.memory_space<hbm>>)
      tpu.yield
    }) : () -> ()
    %add3A_85 = arith.constant 560 : i32
    %add3A_86 = arith.addi %mul3A_53, %add3A_85 : i32
    "tpu.region"() ({
      %run_scoped3A = tpu.sem_alloc : memref<!tpu.dma_semaphore, #tpu.memory_space<semaphore_mem>>
      %dma_start3A_160 = arith.constant 0 : i32
      %dma_start3A_161 = tpu.memref_slice %arg9[%add3A_86, %dma_start3A_160] : memref<10240x128xf32, #tpu.memory_space<vmem_shared>> -> memref<80x128xf32, #tpu.memory_space<vmem_shared>>
      %dma_start3A_162 = arith.constant 0 : i32
      %dma_start3A_163 = tpu.memref_slice %arg9[%add3A_86, %dma_start3A_162] : memref<10240x128xf32, #tpu.memory_space<vmem_shared>> -> memref<80x128xf32, #tpu.memory_space<vmem_shared>>
      tpu.enqueue_dma source(%dma_start3A_163 : memref<80x128xf32, #tpu.memory_space<vmem_shared>>) target(%arg13 : memref<80x128xf32, #tpu.memory_space<vmem>>) target_semaphore(%run_scoped3A : memref<!tpu.dma_semaphore, #tpu.memory_space<semaphore_mem>>)
      %dma_wait3A_164 = arith.constant 0 : i32
      %dma_wait3A_165 = tpu.memref_slice %arg9[%add3A_86, %dma_wait3A_164] : memref<10240x128xf32, #tpu.memory_space<vmem_shared>> -> memref<80x128xf32, #tpu.memory_space<vmem_shared>>
      %dma_wait3A_166 = arith.constant 0 : i32
      %dma_wait3A_167 = tpu.memref_slice %arg9[%add3A_86, %dma_wait3A_166] : memref<10240x128xf32, #tpu.memory_space<vmem_shared>> -> memref<80x128xf32, #tpu.memory_space<vmem_shared>>
      tpu.wait_dma2 semaphore(%run_scoped3A : memref<!tpu.dma_semaphore, #tpu.memory_space<semaphore_mem>>) src(%dma_wait3A_167 : memref<80x128xf32, #tpu.memory_space<vmem_shared>>) dst(%arg13 : memref<80x128xf32, #tpu.memory_space<vmem>>)
      tpu.yield
    }) : () -> ()
    %add3A_87 = arith.constant 560 : i32
    %add3A_88 = arith.addi %add3A_56, %add3A_87 : i32
    "tpu.region"() ({
      %run_scoped3A = tpu.sem_alloc : memref<!tpu.dma_semaphore, #tpu.memory_space<semaphore_mem>>
      %dma_start3A_160 = arith.constant 0 : i32
      %dma_start3A_161 = tpu.memref_slice %arg7[%add3A_88, %dma_start3A_160] : memref<20480x128xf32, #tpu.memory_space<hbm>> -> memref<80x128xf32, #tpu.memory_space<hbm>>
      %dma_start3A_162 = arith.constant 0 : i32
      %dma_start3A_163 = tpu.memref_slice %arg7[%add3A_88, %dma_start3A_162] : memref<20480x128xf32, #tpu.memory_space<hbm>> -> memref<80x128xf32, #tpu.memory_space<hbm>>
      tpu.enqueue_dma source(%arg13 : memref<80x128xf32, #tpu.memory_space<vmem>>) target(%dma_start3A_163 : memref<80x128xf32, #tpu.memory_space<hbm>>) target_semaphore(%run_scoped3A : memref<!tpu.dma_semaphore, #tpu.memory_space<semaphore_mem>>)
      %dma_wait3A_164 = arith.constant 0 : i32
      %dma_wait3A_165 = tpu.memref_slice %arg7[%add3A_88, %dma_wait3A_164] : memref<20480x128xf32, #tpu.memory_space<hbm>> -> memref<80x128xf32, #tpu.memory_space<hbm>>
      %dma_wait3A_166 = arith.constant 0 : i32
      %dma_wait3A_167 = tpu.memref_slice %arg7[%add3A_88, %dma_wait3A_166] : memref<20480x128xf32, #tpu.memory_space<hbm>> -> memref<80x128xf32, #tpu.memory_space<hbm>>
      tpu.wait_dma2 semaphore(%run_scoped3A : memref<!tpu.dma_semaphore, #tpu.memory_space<semaphore_mem>>) src(%arg13 : memref<80x128xf32, #tpu.memory_space<vmem>>) dst(%dma_wait3A_167 : memref<80x128xf32, #tpu.memory_space<hbm>>)
      tpu.yield
    }) : () -> ()
    "tpu.region"() ({
      %run_scoped3A = tpu.sem_alloc : memref<!tpu.dma_semaphore, #tpu.memory_space<semaphore_mem>>
      tpu.enqueue_dma source(%arg5 : memref<80x128xf32, #tpu.memory_space<hbm>>) target(%arg12 : memref<80x128xf32, #tpu.memory_space<vmem>>) target_semaphore(%run_scoped3A : memref<!tpu.dma_semaphore, #tpu.memory_space<semaphore_mem>>)
      tpu.wait_dma2 semaphore(%run_scoped3A : memref<!tpu.dma_semaphore, #tpu.memory_space<semaphore_mem>>) src(%arg5 : memref<80x128xf32, #tpu.memory_space<hbm>>) dst(%arg12 : memref<80x128xf32, #tpu.memory_space<vmem>>)
      tpu.yield
    }) : () -> ()
    %add3A_89 = arith.constant 0 : i32
    %add3A_90 = arith.addi %mul3A_53, %add3A_89 : i32
    "tpu.region"() ({
      %run_scoped3A = tpu.sem_alloc : memref<!tpu.dma_semaphore, #tpu.memory_space<semaphore_mem>>
      %dma_start3A_160 = arith.constant 0 : i32
      %dma_start3A_161 = tpu.memref_slice %arg9[%add3A_90, %dma_start3A_160] : memref<10240x128xf32, #tpu.memory_space<vmem_shared>> -> memref<80x128xf32, #tpu.memory_space<vmem_shared>>
      %dma_start3A_162 = arith.constant 0 : i32
      %dma_start3A_163 = tpu.memref_slice %arg9[%add3A_90, %dma_start3A_162] : memref<10240x128xf32, #tpu.memory_space<vmem_shared>> -> memref<80x128xf32, #tpu.memory_space<vmem_shared>>
      tpu.enqueue_dma source(%arg12 : memref<80x128xf32, #tpu.memory_space<vmem>>) target(%dma_start3A_163 : memref<80x128xf32, #tpu.memory_space<vmem_shared>>) target_semaphore(%run_scoped3A : memref<!tpu.dma_semaphore, #tpu.memory_space<semaphore_mem>>)
      %dma_wait3A_164 = arith.constant 0 : i32
      %dma_wait3A_165 = tpu.memref_slice %arg9[%add3A_90, %dma_wait3A_164] : memref<10240x128xf32, #tpu.memory_space<vmem_shared>> -> memref<80x128xf32, #tpu.memory_space<vmem_shared>>
      %dma_wait3A_166 = arith.constant 0 : i32
      %dma_wait3A_167 = tpu.memref_slice %arg9[%add3A_90, %dma_wait3A_166] : memref<10240x128xf32, #tpu.memory_space<vmem_shared>> -> memref<80x128xf32, #tpu.memory_space<vmem_shared>>
      tpu.wait_dma2 semaphore(%run_scoped3A : memref<!tpu.dma_semaphore, #tpu.memory_space<semaphore_mem>>) src(%arg12 : memref<80x128xf32, #tpu.memory_space<vmem>>) dst(%dma_wait3A_167 : memref<80x128xf32, #tpu.memory_space<vmem_shared>>)
      tpu.yield
    }) : () -> ()
    %add3A_91 = arith.constant 80 : i32
    %add3A_92 = arith.addi %mul3A_53, %add3A_91 : i32
    "tpu.region"() ({
      %run_scoped3A = tpu.sem_alloc : memref<!tpu.dma_semaphore, #tpu.memory_space<semaphore_mem>>
      %dma_start3A_160 = arith.constant 0 : i32
      %dma_start3A_161 = tpu.memref_slice %arg9[%add3A_92, %dma_start3A_160] : memref<10240x128xf32, #tpu.memory_space<vmem_shared>> -> memref<80x128xf32, #tpu.memory_space<vmem_shared>>
      %dma_start3A_162 = arith.constant 0 : i32
      %dma_start3A_163 = tpu.memref_slice %arg9[%add3A_92, %dma_start3A_162] : memref<10240x128xf32, #tpu.memory_space<vmem_shared>> -> memref<80x128xf32, #tpu.memory_space<vmem_shared>>
      tpu.enqueue_dma source(%arg12 : memref<80x128xf32, #tpu.memory_space<vmem>>) target(%dma_start3A_163 : memref<80x128xf32, #tpu.memory_space<vmem_shared>>) target_semaphore(%run_scoped3A : memref<!tpu.dma_semaphore, #tpu.memory_space<semaphore_mem>>)
      %dma_wait3A_164 = arith.constant 0 : i32
      %dma_wait3A_165 = tpu.memref_slice %arg9[%add3A_92, %dma_wait3A_164] : memref<10240x128xf32, #tpu.memory_space<vmem_shared>> -> memref<80x128xf32, #tpu.memory_space<vmem_shared>>
      %dma_wait3A_166 = arith.constant 0 : i32
      %dma_wait3A_167 = tpu.memref_slice %arg9[%add3A_92, %dma_wait3A_166] : memref<10240x128xf32, #tpu.memory_space<vmem_shared>> -> memref<80x128xf32, #tpu.memory_space<vmem_shared>>
      tpu.wait_dma2 semaphore(%run_scoped3A : memref<!tpu.dma_semaphore, #tpu.memory_space<semaphore_mem>>) src(%arg12 : memref<80x128xf32, #tpu.memory_space<vmem>>) dst(%dma_wait3A_167 : memref<80x128xf32, #tpu.memory_space<vmem_shared>>)
      tpu.yield
    }) : () -> ()
    %add3A_93 = arith.constant 160 : i32
    %add3A_94 = arith.addi %mul3A_53, %add3A_93 : i32
    "tpu.region"() ({
      %run_scoped3A = tpu.sem_alloc : memref<!tpu.dma_semaphore, #tpu.memory_space<semaphore_mem>>
      %dma_start3A_160 = arith.constant 0 : i32
      %dma_start3A_161 = tpu.memref_slice %arg9[%add3A_94, %dma_start3A_160] : memref<10240x128xf32, #tpu.memory_space<vmem_shared>> -> memref<80x128xf32, #tpu.memory_space<vmem_shared>>
      %dma_start3A_162 = arith.constant 0 : i32
      %dma_start3A_163 = tpu.memref_slice %arg9[%add3A_94, %dma_start3A_162] : memref<10240x128xf32, #tpu.memory_space<vmem_shared>> -> memref<80x128xf32, #tpu.memory_space<vmem_shared>>
      tpu.enqueue_dma source(%arg12 : memref<80x128xf32, #tpu.memory_space<vmem>>) target(%dma_start3A_163 : memref<80x128xf32, #tpu.memory_space<vmem_shared>>) target_semaphore(%run_scoped3A : memref<!tpu.dma_semaphore, #tpu.memory_space<semaphore_mem>>)
      %dma_wait3A_164 = arith.constant 0 : i32
      %dma_wait3A_165 = tpu.memref_slice %arg9[%add3A_94, %dma_wait3A_164] : memref<10240x128xf32, #tpu.memory_space<vmem_shared>> -> memref<80x128xf32, #tpu.memory_space<vmem_shared>>
      %dma_wait3A_166 = arith.constant 0 : i32
      %dma_wait3A_167 = tpu.memref_slice %arg9[%add3A_94, %dma_wait3A_166] : memref<10240x128xf32, #tpu.memory_space<vmem_shared>> -> memref<80x128xf32, #tpu.memory_space<vmem_shared>>
      tpu.wait_dma2 semaphore(%run_scoped3A : memref<!tpu.dma_semaphore, #tpu.memory_space<semaphore_mem>>) src(%arg12 : memref<80x128xf32, #tpu.memory_space<vmem>>) dst(%dma_wait3A_167 : memref<80x128xf32, #tpu.memory_space<vmem_shared>>)
      tpu.yield
    }) : () -> ()
    %add3A_95 = arith.constant 240 : i32
    %add3A_96 = arith.addi %mul3A_53, %add3A_95 : i32
    "tpu.region"() ({
      %run_scoped3A = tpu.sem_alloc : memref<!tpu.dma_semaphore, #tpu.memory_space<semaphore_mem>>
      %dma_start3A_160 = arith.constant 0 : i32
      %dma_start3A_161 = tpu.memref_slice %arg9[%add3A_96, %dma_start3A_160] : memref<10240x128xf32, #tpu.memory_space<vmem_shared>> -> memref<80x128xf32, #tpu.memory_space<vmem_shared>>
      %dma_start3A_162 = arith.constant 0 : i32
      %dma_start3A_163 = tpu.memref_slice %arg9[%add3A_96, %dma_start3A_162] : memref<10240x128xf32, #tpu.memory_space<vmem_shared>> -> memref<80x128xf32, #tpu.memory_space<vmem_shared>>
      tpu.enqueue_dma source(%arg12 : memref<80x128xf32, #tpu.memory_space<vmem>>) target(%dma_start3A_163 : memref<80x128xf32, #tpu.memory_space<vmem_shared>>) target_semaphore(%run_scoped3A : memref<!tpu.dma_semaphore, #tpu.memory_space<semaphore_mem>>)
      %dma_wait3A_164 = arith.constant 0 : i32
      %dma_wait3A_165 = tpu.memref_slice %arg9[%add3A_96, %dma_wait3A_164] : memref<10240x128xf32, #tpu.memory_space<vmem_shared>> -> memref<80x128xf32, #tpu.memory_space<vmem_shared>>
      %dma_wait3A_166 = arith.constant 0 : i32
      %dma_wait3A_167 = tpu.memref_slice %arg9[%add3A_96, %dma_wait3A_166] : memref<10240x128xf32, #tpu.memory_space<vmem_shared>> -> memref<80x128xf32, #tpu.memory_space<vmem_shared>>
      tpu.wait_dma2 semaphore(%run_scoped3A : memref<!tpu.dma_semaphore, #tpu.memory_space<semaphore_mem>>) src(%arg12 : memref<80x128xf32, #tpu.memory_space<vmem>>) dst(%dma_wait3A_167 : memref<80x128xf32, #tpu.memory_space<vmem_shared>>)
      tpu.yield
    }) : () -> ()
    %add3A_97 = arith.constant 320 : i32
    %add3A_98 = arith.addi %mul3A_53, %add3A_97 : i32
    "tpu.region"() ({
      %run_scoped3A = tpu.sem_alloc : memref<!tpu.dma_semaphore, #tpu.memory_space<semaphore_mem>>
      %dma_start3A_160 = arith.constant 0 : i32
      %dma_start3A_161 = tpu.memref_slice %arg9[%add3A_98, %dma_start3A_160] : memref<10240x128xf32, #tpu.memory_space<vmem_shared>> -> memref<80x128xf32, #tpu.memory_space<vmem_shared>>
      %dma_start3A_162 = arith.constant 0 : i32
      %dma_start3A_163 = tpu.memref_slice %arg9[%add3A_98, %dma_start3A_162] : memref<10240x128xf32, #tpu.memory_space<vmem_shared>> -> memref<80x128xf32, #tpu.memory_space<vmem_shared>>
      tpu.enqueue_dma source(%arg12 : memref<80x128xf32, #tpu.memory_space<vmem>>) target(%dma_start3A_163 : memref<80x128xf32, #tpu.memory_space<vmem_shared>>) target_semaphore(%run_scoped3A : memref<!tpu.dma_semaphore, #tpu.memory_space<semaphore_mem>>)
      %dma_wait3A_164 = arith.constant 0 : i32
      %dma_wait3A_165 = tpu.memref_slice %arg9[%add3A_98, %dma_wait3A_164] : memref<10240x128xf32, #tpu.memory_space<vmem_shared>> -> memref<80x128xf32, #tpu.memory_space<vmem_shared>>
      %dma_wait3A_166 = arith.constant 0 : i32
      %dma_wait3A_167 = tpu.memref_slice %arg9[%add3A_98, %dma_wait3A_166] : memref<10240x128xf32, #tpu.memory_space<vmem_shared>> -> memref<80x128xf32, #tpu.memory_space<vmem_shared>>
      tpu.wait_dma2 semaphore(%run_scoped3A : memref<!tpu.dma_semaphore, #tpu.memory_space<semaphore_mem>>) src(%arg12 : memref<80x128xf32, #tpu.memory_space<vmem>>) dst(%dma_wait3A_167 : memref<80x128xf32, #tpu.memory_space<vmem_shared>>)
      tpu.yield
    }) : () -> ()
    %add3A_99 = arith.constant 400 : i32
    %add3A_100 = arith.addi %mul3A_53, %add3A_99 : i32
    "tpu.region"() ({
      %run_scoped3A = tpu.sem_alloc : memref<!tpu.dma_semaphore, #tpu.memory_space<semaphore_mem>>
      %dma_start3A_160 = arith.constant 0 : i32
      %dma_start3A_161 = tpu.memref_slice %arg9[%add3A_100, %dma_start3A_160] : memref<10240x128xf32, #tpu.memory_space<vmem_shared>> -> memref<80x128xf32, #tpu.memory_space<vmem_shared>>
      %dma_start3A_162 = arith.constant 0 : i32
      %dma_start3A_163 = tpu.memref_slice %arg9[%add3A_100, %dma_start3A_162] : memref<10240x128xf32, #tpu.memory_space<vmem_shared>> -> memref<80x128xf32, #tpu.memory_space<vmem_shared>>
      tpu.enqueue_dma source(%arg12 : memref<80x128xf32, #tpu.memory_space<vmem>>) target(%dma_start3A_163 : memref<80x128xf32, #tpu.memory_space<vmem_shared>>) target_semaphore(%run_scoped3A : memref<!tpu.dma_semaphore, #tpu.memory_space<semaphore_mem>>)
      %dma_wait3A_164 = arith.constant 0 : i32
      %dma_wait3A_165 = tpu.memref_slice %arg9[%add3A_100, %dma_wait3A_164] : memref<10240x128xf32, #tpu.memory_space<vmem_shared>> -> memref<80x128xf32, #tpu.memory_space<vmem_shared>>
      %dma_wait3A_166 = arith.constant 0 : i32
      %dma_wait3A_167 = tpu.memref_slice %arg9[%add3A_100, %dma_wait3A_166] : memref<10240x128xf32, #tpu.memory_space<vmem_shared>> -> memref<80x128xf32, #tpu.memory_space<vmem_shared>>
      tpu.wait_dma2 semaphore(%run_scoped3A : memref<!tpu.dma_semaphore, #tpu.memory_space<semaphore_mem>>) src(%arg12 : memref<80x128xf32, #tpu.memory_space<vmem>>) dst(%dma_wait3A_167 : memref<80x128xf32, #tpu.memory_space<vmem_shared>>)
      tpu.yield
    }) : () -> ()
    %add3A_101 = arith.constant 480 : i32
    %add3A_102 = arith.addi %mul3A_53, %add3A_101 : i32
    "tpu.region"() ({
      %run_scoped3A = tpu.sem_alloc : memref<!tpu.dma_semaphore, #tpu.memory_space<semaphore_mem>>
      %dma_start3A_160 = arith.constant 0 : i32
      %dma_start3A_161 = tpu.memref_slice %arg9[%add3A_102, %dma_start3A_160] : memref<10240x128xf32, #tpu.memory_space<vmem_shared>> -> memref<80x128xf32, #tpu.memory_space<vmem_shared>>
      %dma_start3A_162 = arith.constant 0 : i32
      %dma_start3A_163 = tpu.memref_slice %arg9[%add3A_102, %dma_start3A_162] : memref<10240x128xf32, #tpu.memory_space<vmem_shared>> -> memref<80x128xf32, #tpu.memory_space<vmem_shared>>
      tpu.enqueue_dma source(%arg12 : memref<80x128xf32, #tpu.memory_space<vmem>>) target(%dma_start3A_163 : memref<80x128xf32, #tpu.memory_space<vmem_shared>>) target_semaphore(%run_scoped3A : memref<!tpu.dma_semaphore, #tpu.memory_space<semaphore_mem>>)
      %dma_wait3A_164 = arith.constant 0 : i32
      %dma_wait3A_165 = tpu.memref_slice %arg9[%add3A_102, %dma_wait3A_164] : memref<10240x128xf32, #tpu.memory_space<vmem_shared>> -> memref<80x128xf32, #tpu.memory_space<vmem_shared>>
      %dma_wait3A_166 = arith.constant 0 : i32
      %dma_wait3A_167 = tpu.memref_slice %arg9[%add3A_102, %dma_wait3A_166] : memref<10240x128xf32, #tpu.memory_space<vmem_shared>> -> memref<80x128xf32, #tpu.memory_space<vmem_shared>>
      tpu.wait_dma2 semaphore(%run_scoped3A : memref<!tpu.dma_semaphore, #tpu.memory_space<semaphore_mem>>) src(%arg12 : memref<80x128xf32, #tpu.memory_space<vmem>>) dst(%dma_wait3A_167 : memref<80x128xf32, #tpu.memory_space<vmem_shared>>)
      tpu.yield
    }) : () -> ()
    %add3A_103 = arith.constant 560 : i32
    %add3A_104 = arith.addi %mul3A_53, %add3A_103 : i32
    "tpu.region"() ({
      %run_scoped3A = tpu.sem_alloc : memref<!tpu.dma_semaphore, #tpu.memory_space<semaphore_mem>>
      %dma_start3A_160 = arith.constant 0 : i32
      %dma_start3A_161 = tpu.memref_slice %arg9[%add3A_104, %dma_start3A_160] : memref<10240x128xf32, #tpu.memory_space<vmem_shared>> -> memref<80x128xf32, #tpu.memory_space<vmem_shared>>
      %dma_start3A_162 = arith.constant 0 : i32
      %dma_start3A_163 = tpu.memref_slice %arg9[%add3A_104, %dma_start3A_162] : memref<10240x128xf32, #tpu.memory_space<vmem_shared>> -> memref<80x128xf32, #tpu.memory_space<vmem_shared>>
      tpu.enqueue_dma source(%arg12 : memref<80x128xf32, #tpu.memory_space<vmem>>) target(%dma_start3A_163 : memref<80x128xf32, #tpu.memory_space<vmem_shared>>) target_semaphore(%run_scoped3A : memref<!tpu.dma_semaphore, #tpu.memory_space<semaphore_mem>>)
      %dma_wait3A_164 = arith.constant 0 : i32
      %dma_wait3A_165 = tpu.memref_slice %arg9[%add3A_104, %dma_wait3A_164] : memref<10240x128xf32, #tpu.memory_space<vmem_shared>> -> memref<80x128xf32, #tpu.memory_space<vmem_shared>>
      %dma_wait3A_166 = arith.constant 0 : i32
      %dma_wait3A_167 = tpu.memref_slice %arg9[%add3A_104, %dma_wait3A_166] : memref<10240x128xf32, #tpu.memory_space<vmem_shared>> -> memref<80x128xf32, #tpu.memory_space<vmem_shared>>
      tpu.wait_dma2 semaphore(%run_scoped3A : memref<!tpu.dma_semaphore, #tpu.memory_space<semaphore_mem>>) src(%arg12 : memref<80x128xf32, #tpu.memory_space<vmem>>) dst(%dma_wait3A_167 : memref<80x128xf32, #tpu.memory_space<vmem_shared>>)
      tpu.yield
    }) : () -> ()
    "tpu.region"() ({
      %run_scoped3A = tpu.sem_alloc : memref<!tpu.dma_semaphore, #tpu.memory_space<semaphore_mem>>
      tpu.enqueue_dma source(%arg6 : memref<80x128xf32, #tpu.memory_space<hbm>>) target(%arg13 : memref<80x128xf32, #tpu.memory_space<vmem>>) target_semaphore(%run_scoped3A : memref<!tpu.dma_semaphore, #tpu.memory_space<semaphore_mem>>)
      tpu.wait_dma2 semaphore(%run_scoped3A : memref<!tpu.dma_semaphore, #tpu.memory_space<semaphore_mem>>) src(%arg6 : memref<80x128xf32, #tpu.memory_space<hbm>>) dst(%arg13 : memref<80x128xf32, #tpu.memory_space<vmem>>)
      tpu.yield
    }) : () -> ()
    %barrier3A_105 = arith.constant 0 : index
    tpu.barrier barrier_id(%barrier3A_105)
    %scan3A_106 = arith.constant 0 : i32
    %scan3A_107 = arith.constant 0 : i32
    %scan3A_108 = arith.constant 62 : i32
    %scan3A_109 = arith.addi %scan3A_107, %scan3A_108 : i32
    %scan3A_110 = arith.constant 1 : i32
    %scan3A_111 = scf.for %scan3A_160 = %scan3A_107 to %scan3A_109 step %scan3A_110 iter_args(%scan3A_161 = %scan3A_106) -> (i32)  : i32 {
      %mul3A_162 = arith.constant 2 : i32
      %mul3A_163 = arith.muli %mul3A_162, %scan3A_160 : i32
      %add3A_164 = arith.constant 0 : i32
      %add3A_165 = arith.addi %mul3A_163, %add3A_164 : i32
      %dma_start3A_166 = arith.constant 0 : i32
      %dma_start3A_167 = tpu.memref_slice %arg11[%add3A_165, %dma_start3A_166] : memref<125x80xi32, #tpu.memory_space<vmem>> -> memref<1x80xi32, #tpu.memory_space<vmem>>
      %dma_start3A_168 = tpu.memref_squeeze %dma_start3A_167 : memref<1x80xi32, #tpu.memory_space<vmem>> -> memref<80xi32, #tpu.memory_space<vmem>>
      %dma_start3A_169 = arith.constant 0 : i32
      %dma_start3A_170 = arith.constant 0 : i32
      %dma_start3A_171 = tpu.memref_slice %arg9[%dma_start3A_169, %dma_start3A_170] : memref<10240x128xf32, #tpu.memory_space<vmem_shared>> -> memref<10240x128xf32, #tpu.memory_space<vmem_shared>>
      tpu.enqueue_indirect_dma source(%arg13 : memref<80x128xf32, #tpu.memory_space<vmem>>) target(%dma_start3A_171 : memref<10240x128xf32, #tpu.memory_space<vmem_shared>>) offsets(%dma_start3A_168 : memref<80xi32, #tpu.memory_space<vmem>>) semaphore(%arg16 : memref<!tpu.dma_semaphore, #tpu.memory_space<semaphore_mem>>) {add = true}
      %add3A_172 = arith.constant 1 : i32
      %add3A_173 = arith.addi %mul3A_163, %add3A_172 : i32
      %dma_start3A_174 = arith.constant 0 : i32
      %dma_start3A_175 = tpu.memref_slice %arg11[%add3A_173, %dma_start3A_174] : memref<125x80xi32, #tpu.memory_space<vmem>> -> memref<1x80xi32, #tpu.memory_space<vmem>>
      %dma_start3A_176 = tpu.memref_squeeze %dma_start3A_175 : memref<1x80xi32, #tpu.memory_space<vmem>> -> memref<80xi32, #tpu.memory_space<vmem>>
      %dma_start3A_177 = arith.constant 0 : i32
      %dma_start3A_178 = arith.constant 0 : i32
      %dma_start3A_179 = tpu.memref_slice %arg9[%dma_start3A_177, %dma_start3A_178] : memref<10240x128xf32, #tpu.memory_space<vmem_shared>> -> memref<10240x128xf32, #tpu.memory_space<vmem_shared>>
      tpu.enqueue_indirect_dma source(%arg13 : memref<80x128xf32, #tpu.memory_space<vmem>>) target(%dma_start3A_179 : memref<10240x128xf32, #tpu.memory_space<vmem_shared>>) offsets(%dma_start3A_176 : memref<80xi32, #tpu.memory_space<vmem>>) semaphore(%arg17 : memref<!tpu.dma_semaphore, #tpu.memory_space<semaphore_mem>>) {add = true}
      %dma_wait3A_180 = arith.constant 0 : i32
      %dma_wait3A_181 = tpu.memref_slice %arg11[%add3A_165, %dma_wait3A_180] : memref<125x80xi32, #tpu.memory_space<vmem>> -> memref<1x80xi32, #tpu.memory_space<vmem>>
      %dma_wait3A_182 = tpu.memref_squeeze %dma_wait3A_181 : memref<1x80xi32, #tpu.memory_space<vmem>> -> memref<80xi32, #tpu.memory_space<vmem>>
      %dma_wait3A_183 = arith.constant 0 : i32
      %dma_wait3A_184 = arith.constant 0 : i32
      %dma_wait3A_185 = tpu.memref_slice %arg9[%dma_wait3A_183, %dma_wait3A_184] : memref<10240x128xf32, #tpu.memory_space<vmem_shared>> -> memref<10240x128xf32, #tpu.memory_space<vmem_shared>>
      tpu.wait_indirect_dma semaphore(%arg16 : memref<!tpu.dma_semaphore, #tpu.memory_space<semaphore_mem>>) src(%arg13 : memref<80x128xf32, #tpu.memory_space<vmem>>) dst(%dma_wait3A_185 : memref<10240x128xf32, #tpu.memory_space<vmem_shared>>)
      %dma_wait3A_186 = arith.constant 0 : i32
      %dma_wait3A_187 = tpu.memref_slice %arg11[%add3A_173, %dma_wait3A_186] : memref<125x80xi32, #tpu.memory_space<vmem>> -> memref<1x80xi32, #tpu.memory_space<vmem>>
      %dma_wait3A_188 = tpu.memref_squeeze %dma_wait3A_187 : memref<1x80xi32, #tpu.memory_space<vmem>> -> memref<80xi32, #tpu.memory_space<vmem>>
      %dma_wait3A_189 = arith.constant 0 : i32
      %dma_wait3A_190 = arith.constant 0 : i32
      %dma_wait3A_191 = tpu.memref_slice %arg9[%dma_wait3A_189, %dma_wait3A_190] : memref<10240x128xf32, #tpu.memory_space<vmem_shared>> -> memref<10240x128xf32, #tpu.memory_space<vmem_shared>>
      tpu.wait_indirect_dma semaphore(%arg17 : memref<!tpu.dma_semaphore, #tpu.memory_space<semaphore_mem>>) src(%arg13 : memref<80x128xf32, #tpu.memory_space<vmem>>) dst(%dma_wait3A_191 : memref<10240x128xf32, #tpu.memory_space<vmem_shared>>)
      %scan3A_192 = arith.constant 0 : i32
      scf.yield %scan3A_192 : i32
    }
    %scan3A_112 = arith.constant 62 : i32
    %dma_start3A_113 = arith.constant 124 : i32
    %dma_start3A_114 = arith.constant 0 : i32
    %dma_start3A_115 = tpu.memref_slice %arg11[%dma_start3A_113, %dma_start3A_114] : memref<125x80xi32, #tpu.memory_space<vmem>> -> memref<1x80xi32, #tpu.memory_space<vmem>>
    %dma_start3A_116 = tpu.memref_squeeze %dma_start3A_115 : memref<1x80xi32, #tpu.memory_space<vmem>> -> memref<80xi32, #tpu.memory_space<vmem>>
    %dma_start3A_117 = arith.constant 0 : i32
    %dma_start3A_118 = arith.constant 0 : i32
    %dma_start3A_119 = tpu.memref_slice %arg9[%dma_start3A_117, %dma_start3A_118] : memref<10240x128xf32, #tpu.memory_space<vmem_shared>> -> memref<10240x128xf32, #tpu.memory_space<vmem_shared>>
    tpu.enqueue_indirect_dma source(%arg13 : memref<80x128xf32, #tpu.memory_space<vmem>>) target(%dma_start3A_119 : memref<10240x128xf32, #tpu.memory_space<vmem_shared>>) offsets(%dma_start3A_116 : memref<80xi32, #tpu.memory_space<vmem>>) semaphore(%arg16 : memref<!tpu.dma_semaphore, #tpu.memory_space<semaphore_mem>>) {add = true}
    %dma_wait3A_120 = arith.constant 124 : i32
    %dma_wait3A_121 = arith.constant 0 : i32
    %dma_wait3A_122 = tpu.memref_slice %arg11[%dma_wait3A_120, %dma_wait3A_121] : memref<125x80xi32, #tpu.memory_space<vmem>> -> memref<1x80xi32, #tpu.memory_space<vmem>>
    %dma_wait3A_123 = tpu.memref_squeeze %dma_wait3A_122 : memref<1x80xi32, #tpu.memory_space<vmem>> -> memref<80xi32, #tpu.memory_space<vmem>>
    %dma_wait3A_124 = arith.constant 0 : i32
    %dma_wait3A_125 = arith.constant 0 : i32
    %dma_wait3A_126 = tpu.memref_slice %arg9[%dma_wait3A_124, %dma_wait3A_125] : memref<10240x128xf32, #tpu.memory_space<vmem_shared>> -> memref<10240x128xf32, #tpu.memory_space<vmem_shared>>
    tpu.wait_indirect_dma semaphore(%arg16 : memref<!tpu.dma_semaphore, #tpu.memory_space<semaphore_mem>>) src(%arg13 : memref<80x128xf32, #tpu.memory_space<vmem>>) dst(%dma_wait3A_126 : memref<10240x128xf32, #tpu.memory_space<vmem_shared>>)
    %barrier3A_127 = arith.constant 0 : index
    tpu.barrier barrier_id(%barrier3A_127)
    %add3A_128 = arith.constant 0 : i32
    %add3A_129 = arith.addi %mul3A_53, %add3A_128 : i32
    "tpu.region"() ({
      %run_scoped3A = tpu.sem_alloc : memref<!tpu.dma_semaphore, #tpu.memory_space<semaphore_mem>>
      %dma_start3A_160 = arith.constant 0 : i32
      %dma_start3A_161 = tpu.memref_slice %arg9[%add3A_129, %dma_start3A_160] : memref<10240x128xf32, #tpu.memory_space<vmem_shared>> -> memref<80x128xf32, #tpu.memory_space<vmem_shared>>
      %dma_start3A_162 = arith.constant 0 : i32
      %dma_start3A_163 = tpu.memref_slice %arg9[%add3A_129, %dma_start3A_162] : memref<10240x128xf32, #tpu.memory_space<vmem_shared>> -> memref<80x128xf32, #tpu.memory_space<vmem_shared>>
      tpu.enqueue_dma source(%dma_start3A_163 : memref<80x128xf32, #tpu.memory_space<vmem_shared>>) target(%arg12 : memref<80x128xf32, #tpu.memory_space<vmem>>) target_semaphore(%run_scoped3A : memref<!tpu.dma_semaphore, #tpu.memory_space<semaphore_mem>>)
      %dma_wait3A_164 = arith.constant 0 : i32
      %dma_wait3A_165 = tpu.memref_slice %arg9[%add3A_129, %dma_wait3A_164] : memref<10240x128xf32, #tpu.memory_space<vmem_shared>> -> memref<80x128xf32, #tpu.memory_space<vmem_shared>>
      %dma_wait3A_166 = arith.constant 0 : i32
      %dma_wait3A_167 = tpu.memref_slice %arg9[%add3A_129, %dma_wait3A_166] : memref<10240x128xf32, #tpu.memory_space<vmem_shared>> -> memref<80x128xf32, #tpu.memory_space<vmem_shared>>
      tpu.wait_dma2 semaphore(%run_scoped3A : memref<!tpu.dma_semaphore, #tpu.memory_space<semaphore_mem>>) src(%dma_wait3A_167 : memref<80x128xf32, #tpu.memory_space<vmem_shared>>) dst(%arg12 : memref<80x128xf32, #tpu.memory_space<vmem>>)
      tpu.yield
    }) : () -> ()
    %add3A_130 = arith.constant 0 : i32
    %add3A_131 = arith.addi %add3A_56, %add3A_130 : i32
    "tpu.region"() ({
      %run_scoped3A = tpu.sem_alloc : memref<!tpu.dma_semaphore, #tpu.memory_space<semaphore_mem>>
      %dma_start3A_160 = arith.constant 0 : i32
      %dma_start3A_161 = tpu.memref_slice %arg8[%add3A_131, %dma_start3A_160] : memref<20480x128xf32, #tpu.memory_space<hbm>> -> memref<80x128xf32, #tpu.memory_space<hbm>>
      %dma_start3A_162 = arith.constant 0 : i32
      %dma_start3A_163 = tpu.memref_slice %arg8[%add3A_131, %dma_start3A_162] : memref<20480x128xf32, #tpu.memory_space<hbm>> -> memref<80x128xf32, #tpu.memory_space<hbm>>
      tpu.enqueue_dma source(%arg12 : memref<80x128xf32, #tpu.memory_space<vmem>>) target(%dma_start3A_163 : memref<80x128xf32, #tpu.memory_space<hbm>>) target_semaphore(%run_scoped3A : memref<!tpu.dma_semaphore, #tpu.memory_space<semaphore_mem>>)
      %dma_wait3A_164 = arith.constant 0 : i32
      %dma_wait3A_165 = tpu.memref_slice %arg8[%add3A_131, %dma_wait3A_164] : memref<20480x128xf32, #tpu.memory_space<hbm>> -> memref<80x128xf32, #tpu.memory_space<hbm>>
      %dma_wait3A_166 = arith.constant 0 : i32
      %dma_wait3A_167 = tpu.memref_slice %arg8[%add3A_131, %dma_wait3A_166] : memref<20480x128xf32, #tpu.memory_space<hbm>> -> memref<80x128xf32, #tpu.memory_space<hbm>>
      tpu.wait_dma2 semaphore(%run_scoped3A : memref<!tpu.dma_semaphore, #tpu.memory_space<semaphore_mem>>) src(%arg12 : memref<80x128xf32, #tpu.memory_space<vmem>>) dst(%dma_wait3A_167 : memref<80x128xf32, #tpu.memory_space<hbm>>)
      tpu.yield
    }) : () -> ()
    %add3A_132 = arith.constant 80 : i32
    %add3A_133 = arith.addi %mul3A_53, %add3A_132 : i32
    "tpu.region"() ({
      %run_scoped3A = tpu.sem_alloc : memref<!tpu.dma_semaphore, #tpu.memory_space<semaphore_mem>>
      %dma_start3A_160 = arith.constant 0 : i32
      %dma_start3A_161 = tpu.memref_slice %arg9[%add3A_133, %dma_start3A_160] : memref<10240x128xf32, #tpu.memory_space<vmem_shared>> -> memref<80x128xf32, #tpu.memory_space<vmem_shared>>
      %dma_start3A_162 = arith.constant 0 : i32
      %dma_start3A_163 = tpu.memref_slice %arg9[%add3A_133, %dma_start3A_162] : memref<10240x128xf32, #tpu.memory_space<vmem_shared>> -> memref<80x128xf32, #tpu.memory_space<vmem_shared>>
      tpu.enqueue_dma source(%dma_start3A_163 : memref<80x128xf32, #tpu.memory_space<vmem_shared>>) target(%arg13 : memref<80x128xf32, #tpu.memory_space<vmem>>) target_semaphore(%run_scoped3A : memref<!tpu.dma_semaphore, #tpu.memory_space<semaphore_mem>>)
      %dma_wait3A_164 = arith.constant 0 : i32
      %dma_wait3A_165 = tpu.memref_slice %arg9[%add3A_133, %dma_wait3A_164] : memref<10240x128xf32, #tpu.memory_space<vmem_shared>> -> memref<80x128xf32, #tpu.memory_space<vmem_shared>>
      %dma_wait3A_166 = arith.constant 0 : i32
      %dma_wait3A_167 = tpu.memref_slice %arg9[%add3A_133, %dma_wait3A_166] : memref<10240x128xf32, #tpu.memory_space<vmem_shared>> -> memref<80x128xf32, #tpu.memory_space<vmem_shared>>
      tpu.wait_dma2 semaphore(%run_scoped3A : memref<!tpu.dma_semaphore, #tpu.memory_space<semaphore_mem>>) src(%dma_wait3A_167 : memref<80x128xf32, #tpu.memory_space<vmem_shared>>) dst(%arg13 : memref<80x128xf32, #tpu.memory_space<vmem>>)
      tpu.yield
    }) : () -> ()
    %add3A_134 = arith.constant 80 : i32
    %add3A_135 = arith.addi %add3A_56, %add3A_134 : i32
    "tpu.region"() ({
      %run_scoped3A = tpu.sem_alloc : memref<!tpu.dma_semaphore, #tpu.memory_space<semaphore_mem>>
      %dma_start3A_160 = arith.constant 0 : i32
      %dma_start3A_161 = tpu.memref_slice %arg8[%add3A_135, %dma_start3A_160] : memref<20480x128xf32, #tpu.memory_space<hbm>> -> memref<80x128xf32, #tpu.memory_space<hbm>>
      %dma_start3A_162 = arith.constant 0 : i32
      %dma_start3A_163 = tpu.memref_slice %arg8[%add3A_135, %dma_start3A_162] : memref<20480x128xf32, #tpu.memory_space<hbm>> -> memref<80x128xf32, #tpu.memory_space<hbm>>
      tpu.enqueue_dma source(%arg13 : memref<80x128xf32, #tpu.memory_space<vmem>>) target(%dma_start3A_163 : memref<80x128xf32, #tpu.memory_space<hbm>>) target_semaphore(%run_scoped3A : memref<!tpu.dma_semaphore, #tpu.memory_space<semaphore_mem>>)
      %dma_wait3A_164 = arith.constant 0 : i32
      %dma_wait3A_165 = tpu.memref_slice %arg8[%add3A_135, %dma_wait3A_164] : memref<20480x128xf32, #tpu.memory_space<hbm>> -> memref<80x128xf32, #tpu.memory_space<hbm>>
      %dma_wait3A_166 = arith.constant 0 : i32
      %dma_wait3A_167 = tpu.memref_slice %arg8[%add3A_135, %dma_wait3A_166] : memref<20480x128xf32, #tpu.memory_space<hbm>> -> memref<80x128xf32, #tpu.memory_space<hbm>>
      tpu.wait_dma2 semaphore(%run_scoped3A : memref<!tpu.dma_semaphore, #tpu.memory_space<semaphore_mem>>) src(%arg13 : memref<80x128xf32, #tpu.memory_space<vmem>>) dst(%dma_wait3A_167 : memref<80x128xf32, #tpu.memory_space<hbm>>)
      tpu.yield
    }) : () -> ()
    %add3A_136 = arith.constant 160 : i32
    %add3A_137 = arith.addi %mul3A_53, %add3A_136 : i32
    "tpu.region"() ({
      %run_scoped3A = tpu.sem_alloc : memref<!tpu.dma_semaphore, #tpu.memory_space<semaphore_mem>>
      %dma_start3A_160 = arith.constant 0 : i32
      %dma_start3A_161 = tpu.memref_slice %arg9[%add3A_137, %dma_start3A_160] : memref<10240x128xf32, #tpu.memory_space<vmem_shared>> -> memref<80x128xf32, #tpu.memory_space<vmem_shared>>
      %dma_start3A_162 = arith.constant 0 : i32
      %dma_start3A_163 = tpu.memref_slice %arg9[%add3A_137, %dma_start3A_162] : memref<10240x128xf32, #tpu.memory_space<vmem_shared>> -> memref<80x128xf32, #tpu.memory_space<vmem_shared>>
      tpu.enqueue_dma source(%dma_start3A_163 : memref<80x128xf32, #tpu.memory_space<vmem_shared>>) target(%arg12 : memref<80x128xf32, #tpu.memory_space<vmem>>) target_semaphore(%run_scoped3A : memref<!tpu.dma_semaphore, #tpu.memory_space<semaphore_mem>>)
      %dma_wait3A_164 = arith.constant 0 : i32
      %dma_wait3A_165 = tpu.memref_slice %arg9[%add3A_137, %dma_wait3A_164] : memref<10240x128xf32, #tpu.memory_space<vmem_shared>> -> memref<80x128xf32, #tpu.memory_space<vmem_shared>>
      %dma_wait3A_166 = arith.constant 0 : i32
      %dma_wait3A_167 = tpu.memref_slice %arg9[%add3A_137, %dma_wait3A_166] : memref<10240x128xf32, #tpu.memory_space<vmem_shared>> -> memref<80x128xf32, #tpu.memory_space<vmem_shared>>
      tpu.wait_dma2 semaphore(%run_scoped3A : memref<!tpu.dma_semaphore, #tpu.memory_space<semaphore_mem>>) src(%dma_wait3A_167 : memref<80x128xf32, #tpu.memory_space<vmem_shared>>) dst(%arg12 : memref<80x128xf32, #tpu.memory_space<vmem>>)
      tpu.yield
    }) : () -> ()
    %add3A_138 = arith.constant 160 : i32
    %add3A_139 = arith.addi %add3A_56, %add3A_138 : i32
    "tpu.region"() ({
      %run_scoped3A = tpu.sem_alloc : memref<!tpu.dma_semaphore, #tpu.memory_space<semaphore_mem>>
      %dma_start3A_160 = arith.constant 0 : i32
      %dma_start3A_161 = tpu.memref_slice %arg8[%add3A_139, %dma_start3A_160] : memref<20480x128xf32, #tpu.memory_space<hbm>> -> memref<80x128xf32, #tpu.memory_space<hbm>>
      %dma_start3A_162 = arith.constant 0 : i32
      %dma_start3A_163 = tpu.memref_slice %arg8[%add3A_139, %dma_start3A_162] : memref<20480x128xf32, #tpu.memory_space<hbm>> -> memref<80x128xf32, #tpu.memory_space<hbm>>
      tpu.enqueue_dma source(%arg12 : memref<80x128xf32, #tpu.memory_space<vmem>>) target(%dma_start3A_163 : memref<80x128xf32, #tpu.memory_space<hbm>>) target_semaphore(%run_scoped3A : memref<!tpu.dma_semaphore, #tpu.memory_space<semaphore_mem>>)
      %dma_wait3A_164 = arith.constant 0 : i32
      %dma_wait3A_165 = tpu.memref_slice %arg8[%add3A_139, %dma_wait3A_164] : memref<20480x128xf32, #tpu.memory_space<hbm>> -> memref<80x128xf32, #tpu.memory_space<hbm>>
      %dma_wait3A_166 = arith.constant 0 : i32
      %dma_wait3A_167 = tpu.memref_slice %arg8[%add3A_139, %dma_wait3A_166] : memref<20480x128xf32, #tpu.memory_space<hbm>> -> memref<80x128xf32, #tpu.memory_space<hbm>>
      tpu.wait_dma2 semaphore(%run_scoped3A : memref<!tpu.dma_semaphore, #tpu.memory_space<semaphore_mem>>) src(%arg12 : memref<80x128xf32, #tpu.memory_space<vmem>>) dst(%dma_wait3A_167 : memref<80x128xf32, #tpu.memory_space<hbm>>)
      tpu.yield
    }) : () -> ()
    %add3A_140 = arith.constant 240 : i32
    %add3A_141 = arith.addi %mul3A_53, %add3A_140 : i32
    "tpu.region"() ({
      %run_scoped3A = tpu.sem_alloc : memref<!tpu.dma_semaphore, #tpu.memory_space<semaphore_mem>>
      %dma_start3A_160 = arith.constant 0 : i32
      %dma_start3A_161 = tpu.memref_slice %arg9[%add3A_141, %dma_start3A_160] : memref<10240x128xf32, #tpu.memory_space<vmem_shared>> -> memref<80x128xf32, #tpu.memory_space<vmem_shared>>
      %dma_start3A_162 = arith.constant 0 : i32
      %dma_start3A_163 = tpu.memref_slice %arg9[%add3A_141, %dma_start3A_162] : memref<10240x128xf32, #tpu.memory_space<vmem_shared>> -> memref<80x128xf32, #tpu.memory_space<vmem_shared>>
      tpu.enqueue_dma source(%dma_start3A_163 : memref<80x128xf32, #tpu.memory_space<vmem_shared>>) target(%arg13 : memref<80x128xf32, #tpu.memory_space<vmem>>) target_semaphore(%run_scoped3A : memref<!tpu.dma_semaphore, #tpu.memory_space<semaphore_mem>>)
      %dma_wait3A_164 = arith.constant 0 : i32
      %dma_wait3A_165 = tpu.memref_slice %arg9[%add3A_141, %dma_wait3A_164] : memref<10240x128xf32, #tpu.memory_space<vmem_shared>> -> memref<80x128xf32, #tpu.memory_space<vmem_shared>>
      %dma_wait3A_166 = arith.constant 0 : i32
      %dma_wait3A_167 = tpu.memref_slice %arg9[%add3A_141, %dma_wait3A_166] : memref<10240x128xf32, #tpu.memory_space<vmem_shared>> -> memref<80x128xf32, #tpu.memory_space<vmem_shared>>
      tpu.wait_dma2 semaphore(%run_scoped3A : memref<!tpu.dma_semaphore, #tpu.memory_space<semaphore_mem>>) src(%dma_wait3A_167 : memref<80x128xf32, #tpu.memory_space<vmem_shared>>) dst(%arg13 : memref<80x128xf32, #tpu.memory_space<vmem>>)
      tpu.yield
    }) : () -> ()
    %add3A_142 = arith.constant 240 : i32
    %add3A_143 = arith.addi %add3A_56, %add3A_142 : i32
    "tpu.region"() ({
      %run_scoped3A = tpu.sem_alloc : memref<!tpu.dma_semaphore, #tpu.memory_space<semaphore_mem>>
      %dma_start3A_160 = arith.constant 0 : i32
      %dma_start3A_161 = tpu.memref_slice %arg8[%add3A_143, %dma_start3A_160] : memref<20480x128xf32, #tpu.memory_space<hbm>> -> memref<80x128xf32, #tpu.memory_space<hbm>>
      %dma_start3A_162 = arith.constant 0 : i32
      %dma_start3A_163 = tpu.memref_slice %arg8[%add3A_143, %dma_start3A_162] : memref<20480x128xf32, #tpu.memory_space<hbm>> -> memref<80x128xf32, #tpu.memory_space<hbm>>
      tpu.enqueue_dma source(%arg13 : memref<80x128xf32, #tpu.memory_space<vmem>>) target(%dma_start3A_163 : memref<80x128xf32, #tpu.memory_space<hbm>>) target_semaphore(%run_scoped3A : memref<!tpu.dma_semaphore, #tpu.memory_space<semaphore_mem>>)
      %dma_wait3A_164 = arith.constant 0 : i32
      %dma_wait3A_165 = tpu.memref_slice %arg8[%add3A_143, %dma_wait3A_164] : memref<20480x128xf32, #tpu.memory_space<hbm>> -> memref<80x128xf32, #tpu.memory_space<hbm>>
      %dma_wait3A_166 = arith.constant 0 : i32
      %dma_wait3A_167 = tpu.memref_slice %arg8[%add3A_143, %dma_wait3A_166] : memref<20480x128xf32, #tpu.memory_space<hbm>> -> memref<80x128xf32, #tpu.memory_space<hbm>>
      tpu.wait_dma2 semaphore(%run_scoped3A : memref<!tpu.dma_semaphore, #tpu.memory_space<semaphore_mem>>) src(%arg13 : memref<80x128xf32, #tpu.memory_space<vmem>>) dst(%dma_wait3A_167 : memref<80x128xf32, #tpu.memory_space<hbm>>)
      tpu.yield
    }) : () -> ()
    %add3A_144 = arith.constant 320 : i32
    %add3A_145 = arith.addi %mul3A_53, %add3A_144 : i32
    "tpu.region"() ({
      %run_scoped3A = tpu.sem_alloc : memref<!tpu.dma_semaphore, #tpu.memory_space<semaphore_mem>>
      %dma_start3A_160 = arith.constant 0 : i32
      %dma_start3A_161 = tpu.memref_slice %arg9[%add3A_145, %dma_start3A_160] : memref<10240x128xf32, #tpu.memory_space<vmem_shared>> -> memref<80x128xf32, #tpu.memory_space<vmem_shared>>
      %dma_start3A_162 = arith.constant 0 : i32
      %dma_start3A_163 = tpu.memref_slice %arg9[%add3A_145, %dma_start3A_162] : memref<10240x128xf32, #tpu.memory_space<vmem_shared>> -> memref<80x128xf32, #tpu.memory_space<vmem_shared>>
      tpu.enqueue_dma source(%dma_start3A_163 : memref<80x128xf32, #tpu.memory_space<vmem_shared>>) target(%arg12 : memref<80x128xf32, #tpu.memory_space<vmem>>) target_semaphore(%run_scoped3A : memref<!tpu.dma_semaphore, #tpu.memory_space<semaphore_mem>>)
      %dma_wait3A_164 = arith.constant 0 : i32
      %dma_wait3A_165 = tpu.memref_slice %arg9[%add3A_145, %dma_wait3A_164] : memref<10240x128xf32, #tpu.memory_space<vmem_shared>> -> memref<80x128xf32, #tpu.memory_space<vmem_shared>>
      %dma_wait3A_166 = arith.constant 0 : i32
      %dma_wait3A_167 = tpu.memref_slice %arg9[%add3A_145, %dma_wait3A_166] : memref<10240x128xf32, #tpu.memory_space<vmem_shared>> -> memref<80x128xf32, #tpu.memory_space<vmem_shared>>
      tpu.wait_dma2 semaphore(%run_scoped3A : memref<!tpu.dma_semaphore, #tpu.memory_space<semaphore_mem>>) src(%dma_wait3A_167 : memref<80x128xf32, #tpu.memory_space<vmem_shared>>) dst(%arg12 : memref<80x128xf32, #tpu.memory_space<vmem>>)
      tpu.yield
    }) : () -> ()
    %add3A_146 = arith.constant 320 : i32
    %add3A_147 = arith.addi %add3A_56, %add3A_146 : i32
    "tpu.region"() ({
      %run_scoped3A = tpu.sem_alloc : memref<!tpu.dma_semaphore, #tpu.memory_space<semaphore_mem>>
      %dma_start3A_160 = arith.constant 0 : i32
      %dma_start3A_161 = tpu.memref_slice %arg8[%add3A_147, %dma_start3A_160] : memref<20480x128xf32, #tpu.memory_space<hbm>> -> memref<80x128xf32, #tpu.memory_space<hbm>>
      %dma_start3A_162 = arith.constant 0 : i32
      %dma_start3A_163 = tpu.memref_slice %arg8[%add3A_147, %dma_start3A_162] : memref<20480x128xf32, #tpu.memory_space<hbm>> -> memref<80x128xf32, #tpu.memory_space<hbm>>
      tpu.enqueue_dma source(%arg12 : memref<80x128xf32, #tpu.memory_space<vmem>>) target(%dma_start3A_163 : memref<80x128xf32, #tpu.memory_space<hbm>>) target_semaphore(%run_scoped3A : memref<!tpu.dma_semaphore, #tpu.memory_space<semaphore_mem>>)
      %dma_wait3A_164 = arith.constant 0 : i32
      %dma_wait3A_165 = tpu.memref_slice %arg8[%add3A_147, %dma_wait3A_164] : memref<20480x128xf32, #tpu.memory_space<hbm>> -> memref<80x128xf32, #tpu.memory_space<hbm>>
      %dma_wait3A_166 = arith.constant 0 : i32
      %dma_wait3A_167 = tpu.memref_slice %arg8[%add3A_147, %dma_wait3A_166] : memref<20480x128xf32, #tpu.memory_space<hbm>> -> memref<80x128xf32, #tpu.memory_space<hbm>>
      tpu.wait_dma2 semaphore(%run_scoped3A : memref<!tpu.dma_semaphore, #tpu.memory_space<semaphore_mem>>) src(%arg12 : memref<80x128xf32, #tpu.memory_space<vmem>>) dst(%dma_wait3A_167 : memref<80x128xf32, #tpu.memory_space<hbm>>)
      tpu.yield
    }) : () -> ()
    %add3A_148 = arith.constant 400 : i32
    %add3A_149 = arith.addi %mul3A_53, %add3A_148 : i32
    "tpu.region"() ({
      %run_scoped3A = tpu.sem_alloc : memref<!tpu.dma_semaphore, #tpu.memory_space<semaphore_mem>>
      %dma_start3A_160 = arith.constant 0 : i32
      %dma_start3A_161 = tpu.memref_slice %arg9[%add3A_149, %dma_start3A_160] : memref<10240x128xf32, #tpu.memory_space<vmem_shared>> -> memref<80x128xf32, #tpu.memory_space<vmem_shared>>
      %dma_start3A_162 = arith.constant 0 : i32
      %dma_start3A_163 = tpu.memref_slice %arg9[%add3A_149, %dma_start3A_162] : memref<10240x128xf32, #tpu.memory_space<vmem_shared>> -> memref<80x128xf32, #tpu.memory_space<vmem_shared>>
      tpu.enqueue_dma source(%dma_start3A_163 : memref<80x128xf32, #tpu.memory_space<vmem_shared>>) target(%arg13 : memref<80x128xf32, #tpu.memory_space<vmem>>) target_semaphore(%run_scoped3A : memref<!tpu.dma_semaphore, #tpu.memory_space<semaphore_mem>>)
      %dma_wait3A_164 = arith.constant 0 : i32
      %dma_wait3A_165 = tpu.memref_slice %arg9[%add3A_149, %dma_wait3A_164] : memref<10240x128xf32, #tpu.memory_space<vmem_shared>> -> memref<80x128xf32, #tpu.memory_space<vmem_shared>>
      %dma_wait3A_166 = arith.constant 0 : i32
      %dma_wait3A_167 = tpu.memref_slice %arg9[%add3A_149, %dma_wait3A_166] : memref<10240x128xf32, #tpu.memory_space<vmem_shared>> -> memref<80x128xf32, #tpu.memory_space<vmem_shared>>
      tpu.wait_dma2 semaphore(%run_scoped3A : memref<!tpu.dma_semaphore, #tpu.memory_space<semaphore_mem>>) src(%dma_wait3A_167 : memref<80x128xf32, #tpu.memory_space<vmem_shared>>) dst(%arg13 : memref<80x128xf32, #tpu.memory_space<vmem>>)
      tpu.yield
    }) : () -> ()
    %add3A_150 = arith.constant 400 : i32
    %add3A_151 = arith.addi %add3A_56, %add3A_150 : i32
    "tpu.region"() ({
      %run_scoped3A = tpu.sem_alloc : memref<!tpu.dma_semaphore, #tpu.memory_space<semaphore_mem>>
      %dma_start3A_160 = arith.constant 0 : i32
      %dma_start3A_161 = tpu.memref_slice %arg8[%add3A_151, %dma_start3A_160] : memref<20480x128xf32, #tpu.memory_space<hbm>> -> memref<80x128xf32, #tpu.memory_space<hbm>>
      %dma_start3A_162 = arith.constant 0 : i32
      %dma_start3A_163 = tpu.memref_slice %arg8[%add3A_151, %dma_start3A_162] : memref<20480x128xf32, #tpu.memory_space<hbm>> -> memref<80x128xf32, #tpu.memory_space<hbm>>
      tpu.enqueue_dma source(%arg13 : memref<80x128xf32, #tpu.memory_space<vmem>>) target(%dma_start3A_163 : memref<80x128xf32, #tpu.memory_space<hbm>>) target_semaphore(%run_scoped3A : memref<!tpu.dma_semaphore, #tpu.memory_space<semaphore_mem>>)
      %dma_wait3A_164 = arith.constant 0 : i32
      %dma_wait3A_165 = tpu.memref_slice %arg8[%add3A_151, %dma_wait3A_164] : memref<20480x128xf32, #tpu.memory_space<hbm>> -> memref<80x128xf32, #tpu.memory_space<hbm>>
      %dma_wait3A_166 = arith.constant 0 : i32
      %dma_wait3A_167 = tpu.memref_slice %arg8[%add3A_151, %dma_wait3A_166] : memref<20480x128xf32, #tpu.memory_space<hbm>> -> memref<80x128xf32, #tpu.memory_space<hbm>>
      tpu.wait_dma2 semaphore(%run_scoped3A : memref<!tpu.dma_semaphore, #tpu.memory_space<semaphore_mem>>) src(%arg13 : memref<80x128xf32, #tpu.memory_space<vmem>>) dst(%dma_wait3A_167 : memref<80x128xf32, #tpu.memory_space<hbm>>)
      tpu.yield
    }) : () -> ()
    %add3A_152 = arith.constant 480 : i32
    %add3A_153 = arith.addi %mul3A_53, %add3A_152 : i32
    "tpu.region"() ({
      %run_scoped3A = tpu.sem_alloc : memref<!tpu.dma_semaphore, #tpu.memory_space<semaphore_mem>>
      %dma_start3A_160 = arith.constant 0 : i32
      %dma_start3A_161 = tpu.memref_slice %arg9[%add3A_153, %dma_start3A_160] : memref<10240x128xf32, #tpu.memory_space<vmem_shared>> -> memref<80x128xf32, #tpu.memory_space<vmem_shared>>
      %dma_start3A_162 = arith.constant 0 : i32
      %dma_start3A_163 = tpu.memref_slice %arg9[%add3A_153, %dma_start3A_162] : memref<10240x128xf32, #tpu.memory_space<vmem_shared>> -> memref<80x128xf32, #tpu.memory_space<vmem_shared>>
      tpu.enqueue_dma source(%dma_start3A_163 : memref<80x128xf32, #tpu.memory_space<vmem_shared>>) target(%arg12 : memref<80x128xf32, #tpu.memory_space<vmem>>) target_semaphore(%run_scoped3A : memref<!tpu.dma_semaphore, #tpu.memory_space<semaphore_mem>>)
      %dma_wait3A_164 = arith.constant 0 : i32
      %dma_wait3A_165 = tpu.memref_slice %arg9[%add3A_153, %dma_wait3A_164] : memref<10240x128xf32, #tpu.memory_space<vmem_shared>> -> memref<80x128xf32, #tpu.memory_space<vmem_shared>>
      %dma_wait3A_166 = arith.constant 0 : i32
      %dma_wait3A_167 = tpu.memref_slice %arg9[%add3A_153, %dma_wait3A_166] : memref<10240x128xf32, #tpu.memory_space<vmem_shared>> -> memref<80x128xf32, #tpu.memory_space<vmem_shared>>
      tpu.wait_dma2 semaphore(%run_scoped3A : memref<!tpu.dma_semaphore, #tpu.memory_space<semaphore_mem>>) src(%dma_wait3A_167 : memref<80x128xf32, #tpu.memory_space<vmem_shared>>) dst(%arg12 : memref<80x128xf32, #tpu.memory_space<vmem>>)
      tpu.yield
    }) : () -> ()
    %add3A_154 = arith.constant 480 : i32
    %add3A_155 = arith.addi %add3A_56, %add3A_154 : i32
    "tpu.region"() ({
      %run_scoped3A = tpu.sem_alloc : memref<!tpu.dma_semaphore, #tpu.memory_space<semaphore_mem>>
      %dma_start3A_160 = arith.constant 0 : i32
      %dma_start3A_161 = tpu.memref_slice %arg8[%add3A_155, %dma_start3A_160] : memref<20480x128xf32, #tpu.memory_space<hbm>> -> memref<80x128xf32, #tpu.memory_space<hbm>>
      %dma_start3A_162 = arith.constant 0 : i32
      %dma_start3A_163 = tpu.memref_slice %arg8[%add3A_155, %dma_start3A_162] : memref<20480x128xf32, #tpu.memory_space<hbm>> -> memref<80x128xf32, #tpu.memory_space<hbm>>
      tpu.enqueue_dma source(%arg12 : memref<80x128xf32, #tpu.memory_space<vmem>>) target(%dma_start3A_163 : memref<80x128xf32, #tpu.memory_space<hbm>>) target_semaphore(%run_scoped3A : memref<!tpu.dma_semaphore, #tpu.memory_space<semaphore_mem>>)
      %dma_wait3A_164 = arith.constant 0 : i32
      %dma_wait3A_165 = tpu.memref_slice %arg8[%add3A_155, %dma_wait3A_164] : memref<20480x128xf32, #tpu.memory_space<hbm>> -> memref<80x128xf32, #tpu.memory_space<hbm>>
      %dma_wait3A_166 = arith.constant 0 : i32
      %dma_wait3A_167 = tpu.memref_slice %arg8[%add3A_155, %dma_wait3A_166] : memref<20480x128xf32, #tpu.memory_space<hbm>> -> memref<80x128xf32, #tpu.memory_space<hbm>>
      tpu.wait_dma2 semaphore(%run_scoped3A : memref<!tpu.dma_semaphore, #tpu.memory_space<semaphore_mem>>) src(%arg12 : memref<80x128xf32, #tpu.memory_space<vmem>>) dst(%dma_wait3A_167 : memref<80x128xf32, #tpu.memory_space<hbm>>)
      tpu.yield
    }) : () -> ()
    %add3A_156 = arith.constant 560 : i32
    %add3A_157 = arith.addi %mul3A_53, %add3A_156 : i32
    "tpu.region"() ({
      %run_scoped3A = tpu.sem_alloc : memref<!tpu.dma_semaphore, #tpu.memory_space<semaphore_mem>>
      %dma_start3A_160 = arith.constant 0 : i32
      %dma_start3A_161 = tpu.memref_slice %arg9[%add3A_157, %dma_start3A_160] : memref<10240x128xf32, #tpu.memory_space<vmem_shared>> -> memref<80x128xf32, #tpu.memory_space<vmem_shared>>
      %dma_start3A_162 = arith.constant 0 : i32
      %dma_start3A_163 = tpu.memref_slice %arg9[%add3A_157, %dma_start3A_162] : memref<10240x128xf32, #tpu.memory_space<vmem_shared>> -> memref<80x128xf32, #tpu.memory_space<vmem_shared>>
      tpu.enqueue_dma source(%dma_start3A_163 : memref<80x128xf32, #tpu.memory_space<vmem_shared>>) target(%arg13 : memref<80x128xf32, #tpu.memory_space<vmem>>) target_semaphore(%run_scoped3A : memref<!tpu.dma_semaphore, #tpu.memory_space<semaphore_mem>>)
      %dma_wait3A_164 = arith.constant 0 : i32
      %dma_wait3A_165 = tpu.memref_slice %arg9[%add3A_157, %dma_wait3A_164] : memref<10240x128xf32, #tpu.memory_space<vmem_shared>> -> memref<80x128xf32, #tpu.memory_space<vmem_shared>>
      %dma_wait3A_166 = arith.constant 0 : i32
      %dma_wait3A_167 = tpu.memref_slice %arg9[%add3A_157, %dma_wait3A_166] : memref<10240x128xf32, #tpu.memory_space<vmem_shared>> -> memref<80x128xf32, #tpu.memory_space<vmem_shared>>
      tpu.wait_dma2 semaphore(%run_scoped3A : memref<!tpu.dma_semaphore, #tpu.memory_space<semaphore_mem>>) src(%dma_wait3A_167 : memref<80x128xf32, #tpu.memory_space<vmem_shared>>) dst(%arg13 : memref<80x128xf32, #tpu.memory_space<vmem>>)
      tpu.yield
    }) : () -> ()
    %add3A_158 = arith.constant 560 : i32
    %add3A_159 = arith.addi %add3A_56, %add3A_158 : i32
    "tpu.region"() ({
      %run_scoped3A = tpu.sem_alloc : memref<!tpu.dma_semaphore, #tpu.memory_space<semaphore_mem>>
      %dma_start3A_160 = arith.constant 0 : i32
      %dma_start3A_161 = tpu.memref_slice %arg8[%add3A_159, %dma_start3A_160] : memref<20480x128xf32, #tpu.memory_space<hbm>> -> memref<80x128xf32, #tpu.memory_space<hbm>>
      %dma_start3A_162 = arith.constant 0 : i32
      %dma_start3A_163 = tpu.memref_slice %arg8[%add3A_159, %dma_start3A_162] : memref<20480x128xf32, #tpu.memory_space<hbm>> -> memref<80x128xf32, #tpu.memory_space<hbm>>
      tpu.enqueue_dma source(%arg13 : memref<80x128xf32, #tpu.memory_space<vmem>>) target(%dma_start3A_163 : memref<80x128xf32, #tpu.memory_space<hbm>>) target_semaphore(%run_scoped3A : memref<!tpu.dma_semaphore, #tpu.memory_space<semaphore_mem>>)
      %dma_wait3A_164 = arith.constant 0 : i32
      %dma_wait3A_165 = tpu.memref_slice %arg8[%add3A_159, %dma_wait3A_164] : memref<20480x128xf32, #tpu.memory_space<hbm>> -> memref<80x128xf32, #tpu.memory_space<hbm>>
      %dma_wait3A_166 = arith.constant 0 : i32
      %dma_wait3A_167 = tpu.memref_slice %arg8[%add3A_159, %dma_wait3A_166] : memref<20480x128xf32, #tpu.memory_space<hbm>> -> memref<80x128xf32, #tpu.memory_space<hbm>>
      tpu.wait_dma2 semaphore(%run_scoped3A : memref<!tpu.dma_semaphore, #tpu.memory_space<semaphore_mem>>) src(%arg13 : memref<80x128xf32, #tpu.memory_space<vmem>>) dst(%dma_wait3A_167 : memref<80x128xf32, #tpu.memory_space<hbm>>)
      tpu.yield
    }) : () -> ()
    return
  }
}

#map = affine_map<(d0, d1) -> (0, 0)>
#map1 = affine_map<(d0, d1) -> (0)>
#map2 = affine_map<(d0, d1) -> (0, 0, 0)>
module attributes {stable_mosaic.version = 14 : i64} {
  func.func @_sc_agg_kernel(%arg0: i32, %arg1: i32, %arg2: memref<10000x128xf32, #tpu.memory_space<hbm>>, %arg3: memref<320000xi32, #tpu.memory_space<hbm>>, %arg4: memref<32x125x80xi32, #tpu.memory_space<hbm>>, %arg5: memref<80x128xf32, #tpu.memory_space<hbm>>, %arg6: memref<80x128xf32, #tpu.memory_space<hbm>>, %arg7: memref<20480x128xf32, #tpu.memory_space<hbm>>, %arg8: memref<20480x128xf32, #tpu.memory_space<hbm>>, %arg9: memref<10240x128xf32, #tpu.memory_space<vmem_shared>>, %arg10: memref<10000xi32, #tpu.memory_space<vmem>>, %arg11: memref<125x80xi32, #tpu.memory_space<vmem>>, %arg12: memref<80x128xf32, #tpu.memory_space<vmem>>, %arg13: memref<80x128xf32, #tpu.memory_space<vmem>>, %arg14: memref<!tpu.dma_semaphore, #tpu.memory_space<semaphore_mem>>, %arg15: memref<!tpu.dma_semaphore, #tpu.memory_space<semaphore_mem>>, %arg16: memref<!tpu.dma_semaphore, #tpu.memory_space<semaphore_mem>>, %arg17: memref<!tpu.dma_semaphore, #tpu.memory_space<semaphore_mem>>) attributes {dimension_semantics = [#tpu.dimension_semantics<core_parallel>, #tpu.dimension_semantics<subcore_parallel>], iteration_bounds = array<i64: 2, 16>, scalar_prefetch = 0 : i64, scratch_operands = 9 : i64, tpu.core_type = #tpu.core_type<sc_vector_subcore>, window_params = [{transform_indices = #map}, {transform_indices = #map1}, {transform_indices = #map2}, {transform_indices = #map}, {transform_indices = #map}, {transform_indices = #map}, {transform_indices = #map}]} {
    %mul3A = arith.constant 16 : i32
    %mul3A_0 = arith.muli %arg0, %mul3A : i32
    %add3A = arith.addi %mul3A_0, %arg1 : i32
    %mul3A_1 = arith.constant 640 : i32
    %mul3A_2 = arith.muli %arg1, %mul3A_1 : i32
    "tpu.region"() ({
      %run_scoped3A = tpu.sem_alloc : memref<!tpu.dma_semaphore, #tpu.memory_space<semaphore_mem>>
      tpu.enqueue_dma source(%arg5 : memref<80x128xf32, #tpu.memory_space<hbm>>) target(%arg12 : memref<80x128xf32, #tpu.memory_space<vmem>>) target_semaphore(%run_scoped3A : memref<!tpu.dma_semaphore, #tpu.memory_space<semaphore_mem>>)
      tpu.wait_dma2 semaphore(%run_scoped3A : memref<!tpu.dma_semaphore, #tpu.memory_space<semaphore_mem>>) src(%arg5 : memref<80x128xf32, #tpu.memory_space<hbm>>) dst(%arg12 : memref<80x128xf32, #tpu.memory_space<vmem>>)
      tpu.yield
    }) : () -> ()
    %add3A_3 = arith.constant 0 : i32
    %add3A_4 = arith.addi %mul3A_2, %add3A_3 : i32
    "tpu.region"() ({
      %run_scoped3A = tpu.sem_alloc : memref<!tpu.dma_semaphore, #tpu.memory_space<semaphore_mem>>
      %dma_start3A_89 = arith.constant 0 : i32
      %dma_start3A_90 = tpu.memref_slice %arg9[%add3A_4, %dma_start3A_89] : memref<10240x128xf32, #tpu.memory_space<vmem_shared>> -> memref<80x128xf32, #tpu.memory_space<vmem_shared>>
      %dma_start3A_91 = arith.constant 0 : i32
      %dma_start3A_92 = tpu.memref_slice %arg9[%add3A_4, %dma_start3A_91] : memref<10240x128xf32, #tpu.memory_space<vmem_shared>> -> memref<80x128xf32, #tpu.memory_space<vmem_shared>>
      tpu.enqueue_dma source(%arg12 : memref<80x128xf32, #tpu.memory_space<vmem>>) target(%dma_start3A_92 : memref<80x128xf32, #tpu.memory_space<vmem_shared>>) target_semaphore(%run_scoped3A : memref<!tpu.dma_semaphore, #tpu.memory_space<semaphore_mem>>)
      %dma_wait3A_93 = arith.constant 0 : i32
      %dma_wait3A_94 = tpu.memref_slice %arg9[%add3A_4, %dma_wait3A_93] : memref<10240x128xf32, #tpu.memory_space<vmem_shared>> -> memref<80x128xf32, #tpu.memory_space<vmem_shared>>
      %dma_wait3A_95 = arith.constant 0 : i32
      %dma_wait3A_96 = tpu.memref_slice %arg9[%add3A_4, %dma_wait3A_95] : memref<10240x128xf32, #tpu.memory_space<vmem_shared>> -> memref<80x128xf32, #tpu.memory_space<vmem_shared>>
      tpu.wait_dma2 semaphore(%run_scoped3A : memref<!tpu.dma_semaphore, #tpu.memory_space<semaphore_mem>>) src(%arg12 : memref<80x128xf32, #tpu.memory_space<vmem>>) dst(%dma_wait3A_96 : memref<80x128xf32, #tpu.memory_space<vmem_shared>>)
      tpu.yield
    }) : () -> ()
    %add3A_5 = arith.constant 80 : i32
    %add3A_6 = arith.addi %mul3A_2, %add3A_5 : i32
    "tpu.region"() ({
      %run_scoped3A = tpu.sem_alloc : memref<!tpu.dma_semaphore, #tpu.memory_space<semaphore_mem>>
      %dma_start3A_89 = arith.constant 0 : i32
      %dma_start3A_90 = tpu.memref_slice %arg9[%add3A_6, %dma_start3A_89] : memref<10240x128xf32, #tpu.memory_space<vmem_shared>> -> memref<80x128xf32, #tpu.memory_space<vmem_shared>>
      %dma_start3A_91 = arith.constant 0 : i32
      %dma_start3A_92 = tpu.memref_slice %arg9[%add3A_6, %dma_start3A_91] : memref<10240x128xf32, #tpu.memory_space<vmem_shared>> -> memref<80x128xf32, #tpu.memory_space<vmem_shared>>
      tpu.enqueue_dma source(%arg12 : memref<80x128xf32, #tpu.memory_space<vmem>>) target(%dma_start3A_92 : memref<80x128xf32, #tpu.memory_space<vmem_shared>>) target_semaphore(%run_scoped3A : memref<!tpu.dma_semaphore, #tpu.memory_space<semaphore_mem>>)
      %dma_wait3A_93 = arith.constant 0 : i32
      %dma_wait3A_94 = tpu.memref_slice %arg9[%add3A_6, %dma_wait3A_93] : memref<10240x128xf32, #tpu.memory_space<vmem_shared>> -> memref<80x128xf32, #tpu.memory_space<vmem_shared>>
      %dma_wait3A_95 = arith.constant 0 : i32
      %dma_wait3A_96 = tpu.memref_slice %arg9[%add3A_6, %dma_wait3A_95] : memref<10240x128xf32, #tpu.memory_space<vmem_shared>> -> memref<80x128xf32, #tpu.memory_space<vmem_shared>>
      tpu.wait_dma2 semaphore(%run_scoped3A : memref<!tpu.dma_semaphore, #tpu.memory_space<semaphore_mem>>) src(%arg12 : memref<80x128xf32, #tpu.memory_space<vmem>>) dst(%dma_wait3A_96 : memref<80x128xf32, #tpu.memory_space<vmem_shared>>)
      tpu.yield
    }) : () -> ()
    %add3A_7 = arith.constant 160 : i32
    %add3A_8 = arith.addi %mul3A_2, %add3A_7 : i32
    "tpu.region"() ({
      %run_scoped3A = tpu.sem_alloc : memref<!tpu.dma_semaphore, #tpu.memory_space<semaphore_mem>>
      %dma_start3A_89 = arith.constant 0 : i32
      %dma_start3A_90 = tpu.memref_slice %arg9[%add3A_8, %dma_start3A_89] : memref<10240x128xf32, #tpu.memory_space<vmem_shared>> -> memref<80x128xf32, #tpu.memory_space<vmem_shared>>
      %dma_start3A_91 = arith.constant 0 : i32
      %dma_start3A_92 = tpu.memref_slice %arg9[%add3A_8, %dma_start3A_91] : memref<10240x128xf32, #tpu.memory_space<vmem_shared>> -> memref<80x128xf32, #tpu.memory_space<vmem_shared>>
      tpu.enqueue_dma source(%arg12 : memref<80x128xf32, #tpu.memory_space<vmem>>) target(%dma_start3A_92 : memref<80x128xf32, #tpu.memory_space<vmem_shared>>) target_semaphore(%run_scoped3A : memref<!tpu.dma_semaphore, #tpu.memory_space<semaphore_mem>>)
      %dma_wait3A_93 = arith.constant 0 : i32
      %dma_wait3A_94 = tpu.memref_slice %arg9[%add3A_8, %dma_wait3A_93] : memref<10240x128xf32, #tpu.memory_space<vmem_shared>> -> memref<80x128xf32, #tpu.memory_space<vmem_shared>>
      %dma_wait3A_95 = arith.constant 0 : i32
      %dma_wait3A_96 = tpu.memref_slice %arg9[%add3A_8, %dma_wait3A_95] : memref<10240x128xf32, #tpu.memory_space<vmem_shared>> -> memref<80x128xf32, #tpu.memory_space<vmem_shared>>
      tpu.wait_dma2 semaphore(%run_scoped3A : memref<!tpu.dma_semaphore, #tpu.memory_space<semaphore_mem>>) src(%arg12 : memref<80x128xf32, #tpu.memory_space<vmem>>) dst(%dma_wait3A_96 : memref<80x128xf32, #tpu.memory_space<vmem_shared>>)
      tpu.yield
    }) : () -> ()
    %add3A_9 = arith.constant 240 : i32
    %add3A_10 = arith.addi %mul3A_2, %add3A_9 : i32
    "tpu.region"() ({
      %run_scoped3A = tpu.sem_alloc : memref<!tpu.dma_semaphore, #tpu.memory_space<semaphore_mem>>
      %dma_start3A_89 = arith.constant 0 : i32
      %dma_start3A_90 = tpu.memref_slice %arg9[%add3A_10, %dma_start3A_89] : memref<10240x128xf32, #tpu.memory_space<vmem_shared>> -> memref<80x128xf32, #tpu.memory_space<vmem_shared>>
      %dma_start3A_91 = arith.constant 0 : i32
      %dma_start3A_92 = tpu.memref_slice %arg9[%add3A_10, %dma_start3A_91] : memref<10240x128xf32, #tpu.memory_space<vmem_shared>> -> memref<80x128xf32, #tpu.memory_space<vmem_shared>>
      tpu.enqueue_dma source(%arg12 : memref<80x128xf32, #tpu.memory_space<vmem>>) target(%dma_start3A_92 : memref<80x128xf32, #tpu.memory_space<vmem_shared>>) target_semaphore(%run_scoped3A : memref<!tpu.dma_semaphore, #tpu.memory_space<semaphore_mem>>)
      %dma_wait3A_93 = arith.constant 0 : i32
      %dma_wait3A_94 = tpu.memref_slice %arg9[%add3A_10, %dma_wait3A_93] : memref<10240x128xf32, #tpu.memory_space<vmem_shared>> -> memref<80x128xf32, #tpu.memory_space<vmem_shared>>
      %dma_wait3A_95 = arith.constant 0 : i32
      %dma_wait3A_96 = tpu.memref_slice %arg9[%add3A_10, %dma_wait3A_95] : memref<10240x128xf32, #tpu.memory_space<vmem_shared>> -> memref<80x128xf32, #tpu.memory_space<vmem_shared>>
      tpu.wait_dma2 semaphore(%run_scoped3A : memref<!tpu.dma_semaphore, #tpu.memory_space<semaphore_mem>>) src(%arg12 : memref<80x128xf32, #tpu.memory_space<vmem>>) dst(%dma_wait3A_96 : memref<80x128xf32, #tpu.memory_space<vmem_shared>>)
      tpu.yield
    }) : () -> ()
    %add3A_11 = arith.constant 320 : i32
    %add3A_12 = arith.addi %mul3A_2, %add3A_11 : i32
    "tpu.region"() ({
      %run_scoped3A = tpu.sem_alloc : memref<!tpu.dma_semaphore, #tpu.memory_space<semaphore_mem>>
      %dma_start3A_89 = arith.constant 0 : i32
      %dma_start3A_90 = tpu.memref_slice %arg9[%add3A_12, %dma_start3A_89] : memref<10240x128xf32, #tpu.memory_space<vmem_shared>> -> memref<80x128xf32, #tpu.memory_space<vmem_shared>>
      %dma_start3A_91 = arith.constant 0 : i32
      %dma_start3A_92 = tpu.memref_slice %arg9[%add3A_12, %dma_start3A_91] : memref<10240x128xf32, #tpu.memory_space<vmem_shared>> -> memref<80x128xf32, #tpu.memory_space<vmem_shared>>
      tpu.enqueue_dma source(%arg12 : memref<80x128xf32, #tpu.memory_space<vmem>>) target(%dma_start3A_92 : memref<80x128xf32, #tpu.memory_space<vmem_shared>>) target_semaphore(%run_scoped3A : memref<!tpu.dma_semaphore, #tpu.memory_space<semaphore_mem>>)
      %dma_wait3A_93 = arith.constant 0 : i32
      %dma_wait3A_94 = tpu.memref_slice %arg9[%add3A_12, %dma_wait3A_93] : memref<10240x128xf32, #tpu.memory_space<vmem_shared>> -> memref<80x128xf32, #tpu.memory_space<vmem_shared>>
      %dma_wait3A_95 = arith.constant 0 : i32
      %dma_wait3A_96 = tpu.memref_slice %arg9[%add3A_12, %dma_wait3A_95] : memref<10240x128xf32, #tpu.memory_space<vmem_shared>> -> memref<80x128xf32, #tpu.memory_space<vmem_shared>>
      tpu.wait_dma2 semaphore(%run_scoped3A : memref<!tpu.dma_semaphore, #tpu.memory_space<semaphore_mem>>) src(%arg12 : memref<80x128xf32, #tpu.memory_space<vmem>>) dst(%dma_wait3A_96 : memref<80x128xf32, #tpu.memory_space<vmem_shared>>)
      tpu.yield
    }) : () -> ()
    %add3A_13 = arith.constant 400 : i32
    %add3A_14 = arith.addi %mul3A_2, %add3A_13 : i32
    "tpu.region"() ({
      %run_scoped3A = tpu.sem_alloc : memref<!tpu.dma_semaphore, #tpu.memory_space<semaphore_mem>>
      %dma_start3A_89 = arith.constant 0 : i32
      %dma_start3A_90 = tpu.memref_slice %arg9[%add3A_14, %dma_start3A_89] : memref<10240x128xf32, #tpu.memory_space<vmem_shared>> -> memref<80x128xf32, #tpu.memory_space<vmem_shared>>
      %dma_start3A_91 = arith.constant 0 : i32
      %dma_start3A_92 = tpu.memref_slice %arg9[%add3A_14, %dma_start3A_91] : memref<10240x128xf32, #tpu.memory_space<vmem_shared>> -> memref<80x128xf32, #tpu.memory_space<vmem_shared>>
      tpu.enqueue_dma source(%arg12 : memref<80x128xf32, #tpu.memory_space<vmem>>) target(%dma_start3A_92 : memref<80x128xf32, #tpu.memory_space<vmem_shared>>) target_semaphore(%run_scoped3A : memref<!tpu.dma_semaphore, #tpu.memory_space<semaphore_mem>>)
      %dma_wait3A_93 = arith.constant 0 : i32
      %dma_wait3A_94 = tpu.memref_slice %arg9[%add3A_14, %dma_wait3A_93] : memref<10240x128xf32, #tpu.memory_space<vmem_shared>> -> memref<80x128xf32, #tpu.memory_space<vmem_shared>>
      %dma_wait3A_95 = arith.constant 0 : i32
      %dma_wait3A_96 = tpu.memref_slice %arg9[%add3A_14, %dma_wait3A_95] : memref<10240x128xf32, #tpu.memory_space<vmem_shared>> -> memref<80x128xf32, #tpu.memory_space<vmem_shared>>
      tpu.wait_dma2 semaphore(%run_scoped3A : memref<!tpu.dma_semaphore, #tpu.memory_space<semaphore_mem>>) src(%arg12 : memref<80x128xf32, #tpu.memory_space<vmem>>) dst(%dma_wait3A_96 : memref<80x128xf32, #tpu.memory_space<vmem_shared>>)
      tpu.yield
    }) : () -> ()
    %add3A_15 = arith.constant 480 : i32
    %add3A_16 = arith.addi %mul3A_2, %add3A_15 : i32
    "tpu.region"() ({
      %run_scoped3A = tpu.sem_alloc : memref<!tpu.dma_semaphore, #tpu.memory_space<semaphore_mem>>
      %dma_start3A_89 = arith.constant 0 : i32
      %dma_start3A_90 = tpu.memref_slice %arg9[%add3A_16, %dma_start3A_89] : memref<10240x128xf32, #tpu.memory_space<vmem_shared>> -> memref<80x128xf32, #tpu.memory_space<vmem_shared>>
      %dma_start3A_91 = arith.constant 0 : i32
      %dma_start3A_92 = tpu.memref_slice %arg9[%add3A_16, %dma_start3A_91] : memref<10240x128xf32, #tpu.memory_space<vmem_shared>> -> memref<80x128xf32, #tpu.memory_space<vmem_shared>>
      tpu.enqueue_dma source(%arg12 : memref<80x128xf32, #tpu.memory_space<vmem>>) target(%dma_start3A_92 : memref<80x128xf32, #tpu.memory_space<vmem_shared>>) target_semaphore(%run_scoped3A : memref<!tpu.dma_semaphore, #tpu.memory_space<semaphore_mem>>)
      %dma_wait3A_93 = arith.constant 0 : i32
      %dma_wait3A_94 = tpu.memref_slice %arg9[%add3A_16, %dma_wait3A_93] : memref<10240x128xf32, #tpu.memory_space<vmem_shared>> -> memref<80x128xf32, #tpu.memory_space<vmem_shared>>
      %dma_wait3A_95 = arith.constant 0 : i32
      %dma_wait3A_96 = tpu.memref_slice %arg9[%add3A_16, %dma_wait3A_95] : memref<10240x128xf32, #tpu.memory_space<vmem_shared>> -> memref<80x128xf32, #tpu.memory_space<vmem_shared>>
      tpu.wait_dma2 semaphore(%run_scoped3A : memref<!tpu.dma_semaphore, #tpu.memory_space<semaphore_mem>>) src(%arg12 : memref<80x128xf32, #tpu.memory_space<vmem>>) dst(%dma_wait3A_96 : memref<80x128xf32, #tpu.memory_space<vmem_shared>>)
      tpu.yield
    }) : () -> ()
    %add3A_17 = arith.constant 560 : i32
    %add3A_18 = arith.addi %mul3A_2, %add3A_17 : i32
    "tpu.region"() ({
      %run_scoped3A = tpu.sem_alloc : memref<!tpu.dma_semaphore, #tpu.memory_space<semaphore_mem>>
      %dma_start3A_89 = arith.constant 0 : i32
      %dma_start3A_90 = tpu.memref_slice %arg9[%add3A_18, %dma_start3A_89] : memref<10240x128xf32, #tpu.memory_space<vmem_shared>> -> memref<80x128xf32, #tpu.memory_space<vmem_shared>>
      %dma_start3A_91 = arith.constant 0 : i32
      %dma_start3A_92 = tpu.memref_slice %arg9[%add3A_18, %dma_start3A_91] : memref<10240x128xf32, #tpu.memory_space<vmem_shared>> -> memref<80x128xf32, #tpu.memory_space<vmem_shared>>
      tpu.enqueue_dma source(%arg12 : memref<80x128xf32, #tpu.memory_space<vmem>>) target(%dma_start3A_92 : memref<80x128xf32, #tpu.memory_space<vmem_shared>>) target_semaphore(%run_scoped3A : memref<!tpu.dma_semaphore, #tpu.memory_space<semaphore_mem>>)
      %dma_wait3A_93 = arith.constant 0 : i32
      %dma_wait3A_94 = tpu.memref_slice %arg9[%add3A_18, %dma_wait3A_93] : memref<10240x128xf32, #tpu.memory_space<vmem_shared>> -> memref<80x128xf32, #tpu.memory_space<vmem_shared>>
      %dma_wait3A_95 = arith.constant 0 : i32
      %dma_wait3A_96 = tpu.memref_slice %arg9[%add3A_18, %dma_wait3A_95] : memref<10240x128xf32, #tpu.memory_space<vmem_shared>> -> memref<80x128xf32, #tpu.memory_space<vmem_shared>>
      tpu.wait_dma2 semaphore(%run_scoped3A : memref<!tpu.dma_semaphore, #tpu.memory_space<semaphore_mem>>) src(%arg12 : memref<80x128xf32, #tpu.memory_space<vmem>>) dst(%dma_wait3A_96 : memref<80x128xf32, #tpu.memory_space<vmem_shared>>)
      tpu.yield
    }) : () -> ()
    %mul3A_19 = arith.constant 125 : i32
    %mul3A_20 = arith.muli %add3A, %mul3A_19 : i32
    %mul3A_21 = arith.constant 80 : i32
    %mul3A_22 = arith.muli %mul3A_20, %mul3A_21 : i32
    "tpu.region"() ({
      %run_scoped3A = tpu.sem_alloc : memref<!tpu.dma_semaphore, #tpu.memory_space<semaphore_mem>>
      %dma_start3A_89 = tpu.memref_slice %arg3[%mul3A_22] : memref<320000xi32, #tpu.memory_space<hbm>> -> memref<10000xi32, #tpu.memory_space<hbm>>
      %dma_start3A_90 = tpu.memref_slice %arg3[%mul3A_22] : memref<320000xi32, #tpu.memory_space<hbm>> -> memref<10000xi32, #tpu.memory_space<hbm>>
      tpu.enqueue_dma source(%dma_start3A_90 : memref<10000xi32, #tpu.memory_space<hbm>>) target(%arg10 : memref<10000xi32, #tpu.memory_space<vmem>>) target_semaphore(%run_scoped3A : memref<!tpu.dma_semaphore, #tpu.memory_space<semaphore_mem>>)
      %dma_wait3A_91 = tpu.memref_slice %arg3[%mul3A_22] : memref<320000xi32, #tpu.memory_space<hbm>> -> memref<10000xi32, #tpu.memory_space<hbm>>
      %dma_wait3A_92 = tpu.memref_slice %arg3[%mul3A_22] : memref<320000xi32, #tpu.memory_space<hbm>> -> memref<10000xi32, #tpu.memory_space<hbm>>
      tpu.wait_dma2 semaphore(%run_scoped3A : memref<!tpu.dma_semaphore, #tpu.memory_space<semaphore_mem>>) src(%dma_wait3A_92 : memref<10000xi32, #tpu.memory_space<hbm>>) dst(%arg10 : memref<10000xi32, #tpu.memory_space<vmem>>)
      tpu.yield
    }) : () -> ()
    "tpu.region"() ({
      %run_scoped3A = tpu.sem_alloc : memref<!tpu.dma_semaphore, #tpu.memory_space<semaphore_mem>>
      %dma_start3A_89 = arith.constant 0 : i32
      %dma_start3A_90 = arith.constant 0 : i32
      %dma_start3A_91 = tpu.memref_slice %arg4[%add3A, %dma_start3A_89, %dma_start3A_90] : memref<32x125x80xi32, #tpu.memory_space<hbm>> -> memref<1x125x80xi32, #tpu.memory_space<hbm>>
      %dma_start3A_92 = tpu.memref_squeeze %dma_start3A_91 : memref<1x125x80xi32, #tpu.memory_space<hbm>> -> memref<125x80xi32, #tpu.memory_space<hbm>>
      %dma_start3A_93 = arith.constant 0 : i32
      %dma_start3A_94 = arith.constant 0 : i32
      %dma_start3A_95 = tpu.memref_slice %arg4[%add3A, %dma_start3A_93, %dma_start3A_94] : memref<32x125x80xi32, #tpu.memory_space<hbm>> -> memref<1x125x80xi32, #tpu.memory_space<hbm>>
      %dma_start3A_96 = tpu.memref_squeeze %dma_start3A_95 : memref<1x125x80xi32, #tpu.memory_space<hbm>> -> memref<125x80xi32, #tpu.memory_space<hbm>>
      tpu.enqueue_dma source(%dma_start3A_96 : memref<125x80xi32, #tpu.memory_space<hbm>>) target(%arg11 : memref<125x80xi32, #tpu.memory_space<vmem>>) target_semaphore(%run_scoped3A : memref<!tpu.dma_semaphore, #tpu.memory_space<semaphore_mem>>)
      %dma_wait3A_97 = arith.constant 0 : i32
      %dma_wait3A_98 = arith.constant 0 : i32
      %dma_wait3A_99 = tpu.memref_slice %arg4[%add3A, %dma_wait3A_97, %dma_wait3A_98] : memref<32x125x80xi32, #tpu.memory_space<hbm>> -> memref<1x125x80xi32, #tpu.memory_space<hbm>>
      %dma_wait3A_100 = tpu.memref_squeeze %dma_wait3A_99 : memref<1x125x80xi32, #tpu.memory_space<hbm>> -> memref<125x80xi32, #tpu.memory_space<hbm>>
      %dma_wait3A_101 = arith.constant 0 : i32
      %dma_wait3A_102 = arith.constant 0 : i32
      %dma_wait3A_103 = tpu.memref_slice %arg4[%add3A, %dma_wait3A_101, %dma_wait3A_102] : memref<32x125x80xi32, #tpu.memory_space<hbm>> -> memref<1x125x80xi32, #tpu.memory_space<hbm>>
      %dma_wait3A_104 = tpu.memref_squeeze %dma_wait3A_103 : memref<1x125x80xi32, #tpu.memory_space<hbm>> -> memref<125x80xi32, #tpu.memory_space<hbm>>
      tpu.wait_dma2 semaphore(%run_scoped3A : memref<!tpu.dma_semaphore, #tpu.memory_space<semaphore_mem>>) src(%dma_wait3A_104 : memref<125x80xi32, #tpu.memory_space<hbm>>) dst(%arg11 : memref<125x80xi32, #tpu.memory_space<vmem>>)
      tpu.yield
    }) : () -> ()
    %barrier3A = arith.constant 0 : index
    tpu.barrier barrier_id(%barrier3A)
    %scan3A = arith.constant 0 : i32
    %scan3A_23 = arith.constant 0 : i32
    %scan3A_24 = arith.constant 62 : i32
    %scan3A_25 = arith.addi %scan3A_23, %scan3A_24 : i32
    %scan3A_26 = arith.constant 1 : i32
    %scan3A_27 = scf.for %scan3A_89 = %scan3A_23 to %scan3A_25 step %scan3A_26 iter_args(%scan3A_90 = %scan3A) -> (i32)  : i32 {
      %mul3A_91 = arith.constant 2 : i32
      %mul3A_92 = arith.muli %mul3A_91, %scan3A_89 : i32
      %add3A_93 = arith.constant 0 : i32
      %add3A_94 = arith.addi %mul3A_92, %add3A_93 : i32
      %mul3A_95 = arith.constant 80 : i32
      %mul3A_96 = arith.muli %add3A_94, %mul3A_95 : i32
      %dma_start3A_97 = tpu.memref_slice %arg10[%mul3A_96] : memref<10000xi32, #tpu.memory_space<vmem>> -> memref<80xi32, #tpu.memory_space<vmem>>
      %dma_start3A_98 = arith.constant 0 : i32
      %dma_start3A_99 = arith.constant 0 : i32
      %dma_start3A_100 = tpu.memref_slice %arg2[%dma_start3A_98, %dma_start3A_99] : memref<10000x128xf32, #tpu.memory_space<hbm>> -> memref<10000x128xf32, #tpu.memory_space<hbm>>
      tpu.enqueue_indirect_dma source(%dma_start3A_100 : memref<10000x128xf32, #tpu.memory_space<hbm>>) target(%arg12 : memref<80x128xf32, #tpu.memory_space<vmem>>) offsets(%dma_start3A_97 : memref<80xi32, #tpu.memory_space<vmem>>) semaphore(%arg14 : memref<!tpu.dma_semaphore, #tpu.memory_space<semaphore_mem>>)
      %add3A_101 = arith.constant 1 : i32
      %add3A_102 = arith.addi %mul3A_92, %add3A_101 : i32
      %mul3A_103 = arith.constant 80 : i32
      %mul3A_104 = arith.muli %add3A_102, %mul3A_103 : i32
      %dma_start3A_105 = tpu.memref_slice %arg10[%mul3A_104] : memref<10000xi32, #tpu.memory_space<vmem>> -> memref<80xi32, #tpu.memory_space<vmem>>
      %dma_start3A_106 = arith.constant 0 : i32
      %dma_start3A_107 = arith.constant 0 : i32
      %dma_start3A_108 = tpu.memref_slice %arg2[%dma_start3A_106, %dma_start3A_107] : memref<10000x128xf32, #tpu.memory_space<hbm>> -> memref<10000x128xf32, #tpu.memory_space<hbm>>
      tpu.enqueue_indirect_dma source(%dma_start3A_108 : memref<10000x128xf32, #tpu.memory_space<hbm>>) target(%arg13 : memref<80x128xf32, #tpu.memory_space<vmem>>) offsets(%dma_start3A_105 : memref<80xi32, #tpu.memory_space<vmem>>) semaphore(%arg15 : memref<!tpu.dma_semaphore, #tpu.memory_space<semaphore_mem>>)
      %dma_wait3A_109 = tpu.memref_slice %arg10[%mul3A_96] : memref<10000xi32, #tpu.memory_space<vmem>> -> memref<80xi32, #tpu.memory_space<vmem>>
      %dma_wait3A_110 = arith.constant 0 : i32
      %dma_wait3A_111 = arith.constant 0 : i32
      %dma_wait3A_112 = tpu.memref_slice %arg2[%dma_wait3A_110, %dma_wait3A_111] : memref<10000x128xf32, #tpu.memory_space<hbm>> -> memref<10000x128xf32, #tpu.memory_space<hbm>>
      tpu.wait_indirect_dma semaphore(%arg14 : memref<!tpu.dma_semaphore, #tpu.memory_space<semaphore_mem>>) src(%dma_wait3A_112 : memref<10000x128xf32, #tpu.memory_space<hbm>>) dst(%arg12 : memref<80x128xf32, #tpu.memory_space<vmem>>)
      %add3A_113 = arith.constant 0 : i32
      %add3A_114 = arith.addi %mul3A_92, %add3A_113 : i32
      %dma_start3A_115 = arith.constant 0 : i32
      %dma_start3A_116 = tpu.memref_slice %arg11[%add3A_114, %dma_start3A_115] : memref<125x80xi32, #tpu.memory_space<vmem>> -> memref<1x80xi32, #tpu.memory_space<vmem>>
      %dma_start3A_117 = tpu.memref_squeeze %dma_start3A_116 : memref<1x80xi32, #tpu.memory_space<vmem>> -> memref<80xi32, #tpu.memory_space<vmem>>
      %dma_start3A_118 = arith.constant 0 : i32
      %dma_start3A_119 = arith.constant 0 : i32
      %dma_start3A_120 = tpu.memref_slice %arg9[%dma_start3A_118, %dma_start3A_119] : memref<10240x128xf32, #tpu.memory_space<vmem_shared>> -> memref<10240x128xf32, #tpu.memory_space<vmem_shared>>
      tpu.enqueue_indirect_dma source(%arg12 : memref<80x128xf32, #tpu.memory_space<vmem>>) target(%dma_start3A_120 : memref<10240x128xf32, #tpu.memory_space<vmem_shared>>) offsets(%dma_start3A_117 : memref<80xi32, #tpu.memory_space<vmem>>) semaphore(%arg16 : memref<!tpu.dma_semaphore, #tpu.memory_space<semaphore_mem>>) {add = true}
      %dma_wait3A_121 = tpu.memref_slice %arg10[%mul3A_104] : memref<10000xi32, #tpu.memory_space<vmem>> -> memref<80xi32, #tpu.memory_space<vmem>>
      %dma_wait3A_122 = arith.constant 0 : i32
      %dma_wait3A_123 = arith.constant 0 : i32
      %dma_wait3A_124 = tpu.memref_slice %arg2[%dma_wait3A_122, %dma_wait3A_123] : memref<10000x128xf32, #tpu.memory_space<hbm>> -> memref<10000x128xf32, #tpu.memory_space<hbm>>
      tpu.wait_indirect_dma semaphore(%arg15 : memref<!tpu.dma_semaphore, #tpu.memory_space<semaphore_mem>>) src(%dma_wait3A_124 : memref<10000x128xf32, #tpu.memory_space<hbm>>) dst(%arg13 : memref<80x128xf32, #tpu.memory_space<vmem>>)
      %add3A_125 = arith.constant 1 : i32
      %add3A_126 = arith.addi %mul3A_92, %add3A_125 : i32
      %dma_start3A_127 = arith.constant 0 : i32
      %dma_start3A_128 = tpu.memref_slice %arg11[%add3A_126, %dma_start3A_127] : memref<125x80xi32, #tpu.memory_space<vmem>> -> memref<1x80xi32, #tpu.memory_space<vmem>>
      %dma_start3A_129 = tpu.memref_squeeze %dma_start3A_128 : memref<1x80xi32, #tpu.memory_space<vmem>> -> memref<80xi32, #tpu.memory_space<vmem>>
      %dma_start3A_130 = arith.constant 0 : i32
      %dma_start3A_131 = arith.constant 0 : i32
      %dma_start3A_132 = tpu.memref_slice %arg9[%dma_start3A_130, %dma_start3A_131] : memref<10240x128xf32, #tpu.memory_space<vmem_shared>> -> memref<10240x128xf32, #tpu.memory_space<vmem_shared>>
      tpu.enqueue_indirect_dma source(%arg13 : memref<80x128xf32, #tpu.memory_space<vmem>>) target(%dma_start3A_132 : memref<10240x128xf32, #tpu.memory_space<vmem_shared>>) offsets(%dma_start3A_129 : memref<80xi32, #tpu.memory_space<vmem>>) semaphore(%arg17 : memref<!tpu.dma_semaphore, #tpu.memory_space<semaphore_mem>>) {add = true}
      %dma_wait3A_133 = arith.constant 0 : i32
      %dma_wait3A_134 = tpu.memref_slice %arg11[%add3A_114, %dma_wait3A_133] : memref<125x80xi32, #tpu.memory_space<vmem>> -> memref<1x80xi32, #tpu.memory_space<vmem>>
      %dma_wait3A_135 = tpu.memref_squeeze %dma_wait3A_134 : memref<1x80xi32, #tpu.memory_space<vmem>> -> memref<80xi32, #tpu.memory_space<vmem>>
      %dma_wait3A_136 = arith.constant 0 : i32
      %dma_wait3A_137 = arith.constant 0 : i32
      %dma_wait3A_138 = tpu.memref_slice %arg9[%dma_wait3A_136, %dma_wait3A_137] : memref<10240x128xf32, #tpu.memory_space<vmem_shared>> -> memref<10240x128xf32, #tpu.memory_space<vmem_shared>>
      tpu.wait_indirect_dma semaphore(%arg16 : memref<!tpu.dma_semaphore, #tpu.memory_space<semaphore_mem>>) src(%arg12 : memref<80x128xf32, #tpu.memory_space<vmem>>) dst(%dma_wait3A_138 : memref<10240x128xf32, #tpu.memory_space<vmem_shared>>)
      %dma_wait3A_139 = arith.constant 0 : i32
      %dma_wait3A_140 = tpu.memref_slice %arg11[%add3A_126, %dma_wait3A_139] : memref<125x80xi32, #tpu.memory_space<vmem>> -> memref<1x80xi32, #tpu.memory_space<vmem>>
      %dma_wait3A_141 = tpu.memref_squeeze %dma_wait3A_140 : memref<1x80xi32, #tpu.memory_space<vmem>> -> memref<80xi32, #tpu.memory_space<vmem>>
      %dma_wait3A_142 = arith.constant 0 : i32
      %dma_wait3A_143 = arith.constant 0 : i32
      %dma_wait3A_144 = tpu.memref_slice %arg9[%dma_wait3A_142, %dma_wait3A_143] : memref<10240x128xf32, #tpu.memory_space<vmem_shared>> -> memref<10240x128xf32, #tpu.memory_space<vmem_shared>>
      tpu.wait_indirect_dma semaphore(%arg17 : memref<!tpu.dma_semaphore, #tpu.memory_space<semaphore_mem>>) src(%arg13 : memref<80x128xf32, #tpu.memory_space<vmem>>) dst(%dma_wait3A_144 : memref<10240x128xf32, #tpu.memory_space<vmem_shared>>)
      %scan3A_145 = arith.constant 0 : i32
      scf.yield %scan3A_145 : i32
    }
    %scan3A_28 = arith.constant 62 : i32
    %dma_start3A = arith.constant 9920 : i32
    %dma_start3A_29 = tpu.memref_slice %arg10[%dma_start3A] : memref<10000xi32, #tpu.memory_space<vmem>> -> memref<80xi32, #tpu.memory_space<vmem>>
    %dma_start3A_30 = arith.constant 0 : i32
    %dma_start3A_31 = arith.constant 0 : i32
    %dma_start3A_32 = tpu.memref_slice %arg2[%dma_start3A_30, %dma_start3A_31] : memref<10000x128xf32, #tpu.memory_space<hbm>> -> memref<10000x128xf32, #tpu.memory_space<hbm>>
    tpu.enqueue_indirect_dma source(%dma_start3A_32 : memref<10000x128xf32, #tpu.memory_space<hbm>>) target(%arg12 : memref<80x128xf32, #tpu.memory_space<vmem>>) offsets(%dma_start3A_29 : memref<80xi32, #tpu.memory_space<vmem>>) semaphore(%arg14 : memref<!tpu.dma_semaphore, #tpu.memory_space<semaphore_mem>>)
    %dma_wait3A = arith.constant 9920 : i32
    %dma_wait3A_33 = tpu.memref_slice %arg10[%dma_wait3A] : memref<10000xi32, #tpu.memory_space<vmem>> -> memref<80xi32, #tpu.memory_space<vmem>>
    %dma_wait3A_34 = arith.constant 0 : i32
    %dma_wait3A_35 = arith.constant 0 : i32
    %dma_wait3A_36 = tpu.memref_slice %arg2[%dma_wait3A_34, %dma_wait3A_35] : memref<10000x128xf32, #tpu.memory_space<hbm>> -> memref<10000x128xf32, #tpu.memory_space<hbm>>
    tpu.wait_indirect_dma semaphore(%arg14 : memref<!tpu.dma_semaphore, #tpu.memory_space<semaphore_mem>>) src(%dma_wait3A_36 : memref<10000x128xf32, #tpu.memory_space<hbm>>) dst(%arg12 : memref<80x128xf32, #tpu.memory_space<vmem>>)
    %dma_start3A_37 = arith.constant 124 : i32
    %dma_start3A_38 = arith.constant 0 : i32
    %dma_start3A_39 = tpu.memref_slice %arg11[%dma_start3A_37, %dma_start3A_38] : memref<125x80xi32, #tpu.memory_space<vmem>> -> memref<1x80xi32, #tpu.memory_space<vmem>>
    %dma_start3A_40 = tpu.memref_squeeze %dma_start3A_39 : memref<1x80xi32, #tpu.memory_space<vmem>> -> memref<80xi32, #tpu.memory_space<vmem>>
    %dma_start3A_41 = arith.constant 0 : i32
    %dma_start3A_42 = arith.constant 0 : i32
    %dma_start3A_43 = tpu.memref_slice %arg9[%dma_start3A_41, %dma_start3A_42] : memref<10240x128xf32, #tpu.memory_space<vmem_shared>> -> memref<10240x128xf32, #tpu.memory_space<vmem_shared>>
    tpu.enqueue_indirect_dma source(%arg12 : memref<80x128xf32, #tpu.memory_space<vmem>>) target(%dma_start3A_43 : memref<10240x128xf32, #tpu.memory_space<vmem_shared>>) offsets(%dma_start3A_40 : memref<80xi32, #tpu.memory_space<vmem>>) semaphore(%arg16 : memref<!tpu.dma_semaphore, #tpu.memory_space<semaphore_mem>>) {add = true}
    %dma_wait3A_44 = arith.constant 124 : i32
    %dma_wait3A_45 = arith.constant 0 : i32
    %dma_wait3A_46 = tpu.memref_slice %arg11[%dma_wait3A_44, %dma_wait3A_45] : memref<125x80xi32, #tpu.memory_space<vmem>> -> memref<1x80xi32, #tpu.memory_space<vmem>>
    %dma_wait3A_47 = tpu.memref_squeeze %dma_wait3A_46 : memref<1x80xi32, #tpu.memory_space<vmem>> -> memref<80xi32, #tpu.memory_space<vmem>>
    %dma_wait3A_48 = arith.constant 0 : i32
    %dma_wait3A_49 = arith.constant 0 : i32
    %dma_wait3A_50 = tpu.memref_slice %arg9[%dma_wait3A_48, %dma_wait3A_49] : memref<10240x128xf32, #tpu.memory_space<vmem_shared>> -> memref<10240x128xf32, #tpu.memory_space<vmem_shared>>
    tpu.wait_indirect_dma semaphore(%arg16 : memref<!tpu.dma_semaphore, #tpu.memory_space<semaphore_mem>>) src(%arg12 : memref<80x128xf32, #tpu.memory_space<vmem>>) dst(%dma_wait3A_50 : memref<10240x128xf32, #tpu.memory_space<vmem_shared>>)
    %barrier3A_51 = arith.constant 0 : index
    tpu.barrier barrier_id(%barrier3A_51)
    %mul3A_52 = arith.constant 640 : i32
    %mul3A_53 = arith.muli %arg1, %mul3A_52 : i32
    %mul3A_54 = arith.constant 10240 : i32
    %mul3A_55 = arith.muli %arg0, %mul3A_54 : i32
    %add3A_56 = arith.addi %mul3A_55, %mul3A_53 : i32
    %add3A_57 = arith.constant 0 : i32
    %add3A_58 = arith.addi %mul3A_53, %add3A_57 : i32
    "tpu.region"() ({
      %run_scoped3A = tpu.sem_alloc : memref<!tpu.dma_semaphore, #tpu.memory_space<semaphore_mem>>
      %dma_start3A_89 = arith.constant 0 : i32
      %dma_start3A_90 = tpu.memref_slice %arg9[%add3A_58, %dma_start3A_89] : memref<10240x128xf32, #tpu.memory_space<vmem_shared>> -> memref<80x128xf32, #tpu.memory_space<vmem_shared>>
      %dma_start3A_91 = arith.constant 0 : i32
      %dma_start3A_92 = tpu.memref_slice %arg9[%add3A_58, %dma_start3A_91] : memref<10240x128xf32, #tpu.memory_space<vmem_shared>> -> memref<80x128xf32, #tpu.memory_space<vmem_shared>>
      tpu.enqueue_dma source(%dma_start3A_92 : memref<80x128xf32, #tpu.memory_space<vmem_shared>>) target(%arg12 : memref<80x128xf32, #tpu.memory_space<vmem>>) target_semaphore(%run_scoped3A : memref<!tpu.dma_semaphore, #tpu.memory_space<semaphore_mem>>)
      %dma_wait3A_93 = arith.constant 0 : i32
      %dma_wait3A_94 = tpu.memref_slice %arg9[%add3A_58, %dma_wait3A_93] : memref<10240x128xf32, #tpu.memory_space<vmem_shared>> -> memref<80x128xf32, #tpu.memory_space<vmem_shared>>
      %dma_wait3A_95 = arith.constant 0 : i32
      %dma_wait3A_96 = tpu.memref_slice %arg9[%add3A_58, %dma_wait3A_95] : memref<10240x128xf32, #tpu.memory_space<vmem_shared>> -> memref<80x128xf32, #tpu.memory_space<vmem_shared>>
      tpu.wait_dma2 semaphore(%run_scoped3A : memref<!tpu.dma_semaphore, #tpu.memory_space<semaphore_mem>>) src(%dma_wait3A_96 : memref<80x128xf32, #tpu.memory_space<vmem_shared>>) dst(%arg12 : memref<80x128xf32, #tpu.memory_space<vmem>>)
      tpu.yield
    }) : () -> ()
    %add3A_59 = arith.constant 0 : i32
    %add3A_60 = arith.addi %add3A_56, %add3A_59 : i32
    "tpu.region"() ({
      %run_scoped3A = tpu.sem_alloc : memref<!tpu.dma_semaphore, #tpu.memory_space<semaphore_mem>>
      %dma_start3A_89 = arith.constant 0 : i32
      %dma_start3A_90 = tpu.memref_slice %arg7[%add3A_60, %dma_start3A_89] : memref<20480x128xf32, #tpu.memory_space<hbm>> -> memref<80x128xf32, #tpu.memory_space<hbm>>
      %dma_start3A_91 = arith.constant 0 : i32
      %dma_start3A_92 = tpu.memref_slice %arg7[%add3A_60, %dma_start3A_91] : memref<20480x128xf32, #tpu.memory_space<hbm>> -> memref<80x128xf32, #tpu.memory_space<hbm>>
      tpu.enqueue_dma source(%arg12 : memref<80x128xf32, #tpu.memory_space<vmem>>) target(%dma_start3A_92 : memref<80x128xf32, #tpu.memory_space<hbm>>) target_semaphore(%run_scoped3A : memref<!tpu.dma_semaphore, #tpu.memory_space<semaphore_mem>>)
      %dma_wait3A_93 = arith.constant 0 : i32
      %dma_wait3A_94 = tpu.memref_slice %arg7[%add3A_60, %dma_wait3A_93] : memref<20480x128xf32, #tpu.memory_space<hbm>> -> memref<80x128xf32, #tpu.memory_space<hbm>>
      %dma_wait3A_95 = arith.constant 0 : i32
      %dma_wait3A_96 = tpu.memref_slice %arg7[%add3A_60, %dma_wait3A_95] : memref<20480x128xf32, #tpu.memory_space<hbm>> -> memref<80x128xf32, #tpu.memory_space<hbm>>
      tpu.wait_dma2 semaphore(%run_scoped3A : memref<!tpu.dma_semaphore, #tpu.memory_space<semaphore_mem>>) src(%arg12 : memref<80x128xf32, #tpu.memory_space<vmem>>) dst(%dma_wait3A_96 : memref<80x128xf32, #tpu.memory_space<hbm>>)
      tpu.yield
    }) : () -> ()
    %add3A_61 = arith.constant 80 : i32
    %add3A_62 = arith.addi %mul3A_53, %add3A_61 : i32
    "tpu.region"() ({
      %run_scoped3A = tpu.sem_alloc : memref<!tpu.dma_semaphore, #tpu.memory_space<semaphore_mem>>
      %dma_start3A_89 = arith.constant 0 : i32
      %dma_start3A_90 = tpu.memref_slice %arg9[%add3A_62, %dma_start3A_89] : memref<10240x128xf32, #tpu.memory_space<vmem_shared>> -> memref<80x128xf32, #tpu.memory_space<vmem_shared>>
      %dma_start3A_91 = arith.constant 0 : i32
      %dma_start3A_92 = tpu.memref_slice %arg9[%add3A_62, %dma_start3A_91] : memref<10240x128xf32, #tpu.memory_space<vmem_shared>> -> memref<80x128xf32, #tpu.memory_space<vmem_shared>>
      tpu.enqueue_dma source(%dma_start3A_92 : memref<80x128xf32, #tpu.memory_space<vmem_shared>>) target(%arg13 : memref<80x128xf32, #tpu.memory_space<vmem>>) target_semaphore(%run_scoped3A : memref<!tpu.dma_semaphore, #tpu.memory_space<semaphore_mem>>)
      %dma_wait3A_93 = arith.constant 0 : i32
      %dma_wait3A_94 = tpu.memref_slice %arg9[%add3A_62, %dma_wait3A_93] : memref<10240x128xf32, #tpu.memory_space<vmem_shared>> -> memref<80x128xf32, #tpu.memory_space<vmem_shared>>
      %dma_wait3A_95 = arith.constant 0 : i32
      %dma_wait3A_96 = tpu.memref_slice %arg9[%add3A_62, %dma_wait3A_95] : memref<10240x128xf32, #tpu.memory_space<vmem_shared>> -> memref<80x128xf32, #tpu.memory_space<vmem_shared>>
      tpu.wait_dma2 semaphore(%run_scoped3A : memref<!tpu.dma_semaphore, #tpu.memory_space<semaphore_mem>>) src(%dma_wait3A_96 : memref<80x128xf32, #tpu.memory_space<vmem_shared>>) dst(%arg13 : memref<80x128xf32, #tpu.memory_space<vmem>>)
      tpu.yield
    }) : () -> ()
    %add3A_63 = arith.constant 80 : i32
    %add3A_64 = arith.addi %add3A_56, %add3A_63 : i32
    "tpu.region"() ({
      %run_scoped3A = tpu.sem_alloc : memref<!tpu.dma_semaphore, #tpu.memory_space<semaphore_mem>>
      %dma_start3A_89 = arith.constant 0 : i32
      %dma_start3A_90 = tpu.memref_slice %arg7[%add3A_64, %dma_start3A_89] : memref<20480x128xf32, #tpu.memory_space<hbm>> -> memref<80x128xf32, #tpu.memory_space<hbm>>
      %dma_start3A_91 = arith.constant 0 : i32
      %dma_start3A_92 = tpu.memref_slice %arg7[%add3A_64, %dma_start3A_91] : memref<20480x128xf32, #tpu.memory_space<hbm>> -> memref<80x128xf32, #tpu.memory_space<hbm>>
      tpu.enqueue_dma source(%arg13 : memref<80x128xf32, #tpu.memory_space<vmem>>) target(%dma_start3A_92 : memref<80x128xf32, #tpu.memory_space<hbm>>) target_semaphore(%run_scoped3A : memref<!tpu.dma_semaphore, #tpu.memory_space<semaphore_mem>>)
      %dma_wait3A_93 = arith.constant 0 : i32
      %dma_wait3A_94 = tpu.memref_slice %arg7[%add3A_64, %dma_wait3A_93] : memref<20480x128xf32, #tpu.memory_space<hbm>> -> memref<80x128xf32, #tpu.memory_space<hbm>>
      %dma_wait3A_95 = arith.constant 0 : i32
      %dma_wait3A_96 = tpu.memref_slice %arg7[%add3A_64, %dma_wait3A_95] : memref<20480x128xf32, #tpu.memory_space<hbm>> -> memref<80x128xf32, #tpu.memory_space<hbm>>
      tpu.wait_dma2 semaphore(%run_scoped3A : memref<!tpu.dma_semaphore, #tpu.memory_space<semaphore_mem>>) src(%arg13 : memref<80x128xf32, #tpu.memory_space<vmem>>) dst(%dma_wait3A_96 : memref<80x128xf32, #tpu.memory_space<hbm>>)
      tpu.yield
    }) : () -> ()
    %add3A_65 = arith.constant 160 : i32
    %add3A_66 = arith.addi %mul3A_53, %add3A_65 : i32
    "tpu.region"() ({
      %run_scoped3A = tpu.sem_alloc : memref<!tpu.dma_semaphore, #tpu.memory_space<semaphore_mem>>
      %dma_start3A_89 = arith.constant 0 : i32
      %dma_start3A_90 = tpu.memref_slice %arg9[%add3A_66, %dma_start3A_89] : memref<10240x128xf32, #tpu.memory_space<vmem_shared>> -> memref<80x128xf32, #tpu.memory_space<vmem_shared>>
      %dma_start3A_91 = arith.constant 0 : i32
      %dma_start3A_92 = tpu.memref_slice %arg9[%add3A_66, %dma_start3A_91] : memref<10240x128xf32, #tpu.memory_space<vmem_shared>> -> memref<80x128xf32, #tpu.memory_space<vmem_shared>>
      tpu.enqueue_dma source(%dma_start3A_92 : memref<80x128xf32, #tpu.memory_space<vmem_shared>>) target(%arg12 : memref<80x128xf32, #tpu.memory_space<vmem>>) target_semaphore(%run_scoped3A : memref<!tpu.dma_semaphore, #tpu.memory_space<semaphore_mem>>)
      %dma_wait3A_93 = arith.constant 0 : i32
      %dma_wait3A_94 = tpu.memref_slice %arg9[%add3A_66, %dma_wait3A_93] : memref<10240x128xf32, #tpu.memory_space<vmem_shared>> -> memref<80x128xf32, #tpu.memory_space<vmem_shared>>
      %dma_wait3A_95 = arith.constant 0 : i32
      %dma_wait3A_96 = tpu.memref_slice %arg9[%add3A_66, %dma_wait3A_95] : memref<10240x128xf32, #tpu.memory_space<vmem_shared>> -> memref<80x128xf32, #tpu.memory_space<vmem_shared>>
      tpu.wait_dma2 semaphore(%run_scoped3A : memref<!tpu.dma_semaphore, #tpu.memory_space<semaphore_mem>>) src(%dma_wait3A_96 : memref<80x128xf32, #tpu.memory_space<vmem_shared>>) dst(%arg12 : memref<80x128xf32, #tpu.memory_space<vmem>>)
      tpu.yield
    }) : () -> ()
    %add3A_67 = arith.constant 160 : i32
    %add3A_68 = arith.addi %add3A_56, %add3A_67 : i32
    "tpu.region"() ({
      %run_scoped3A = tpu.sem_alloc : memref<!tpu.dma_semaphore, #tpu.memory_space<semaphore_mem>>
      %dma_start3A_89 = arith.constant 0 : i32
      %dma_start3A_90 = tpu.memref_slice %arg7[%add3A_68, %dma_start3A_89] : memref<20480x128xf32, #tpu.memory_space<hbm>> -> memref<80x128xf32, #tpu.memory_space<hbm>>
      %dma_start3A_91 = arith.constant 0 : i32
      %dma_start3A_92 = tpu.memref_slice %arg7[%add3A_68, %dma_start3A_91] : memref<20480x128xf32, #tpu.memory_space<hbm>> -> memref<80x128xf32, #tpu.memory_space<hbm>>
      tpu.enqueue_dma source(%arg12 : memref<80x128xf32, #tpu.memory_space<vmem>>) target(%dma_start3A_92 : memref<80x128xf32, #tpu.memory_space<hbm>>) target_semaphore(%run_scoped3A : memref<!tpu.dma_semaphore, #tpu.memory_space<semaphore_mem>>)
      %dma_wait3A_93 = arith.constant 0 : i32
      %dma_wait3A_94 = tpu.memref_slice %arg7[%add3A_68, %dma_wait3A_93] : memref<20480x128xf32, #tpu.memory_space<hbm>> -> memref<80x128xf32, #tpu.memory_space<hbm>>
      %dma_wait3A_95 = arith.constant 0 : i32
      %dma_wait3A_96 = tpu.memref_slice %arg7[%add3A_68, %dma_wait3A_95] : memref<20480x128xf32, #tpu.memory_space<hbm>> -> memref<80x128xf32, #tpu.memory_space<hbm>>
      tpu.wait_dma2 semaphore(%run_scoped3A : memref<!tpu.dma_semaphore, #tpu.memory_space<semaphore_mem>>) src(%arg12 : memref<80x128xf32, #tpu.memory_space<vmem>>) dst(%dma_wait3A_96 : memref<80x128xf32, #tpu.memory_space<hbm>>)
      tpu.yield
    }) : () -> ()
    %add3A_69 = arith.constant 240 : i32
    %add3A_70 = arith.addi %mul3A_53, %add3A_69 : i32
    "tpu.region"() ({
      %run_scoped3A = tpu.sem_alloc : memref<!tpu.dma_semaphore, #tpu.memory_space<semaphore_mem>>
      %dma_start3A_89 = arith.constant 0 : i32
      %dma_start3A_90 = tpu.memref_slice %arg9[%add3A_70, %dma_start3A_89] : memref<10240x128xf32, #tpu.memory_space<vmem_shared>> -> memref<80x128xf32, #tpu.memory_space<vmem_shared>>
      %dma_start3A_91 = arith.constant 0 : i32
      %dma_start3A_92 = tpu.memref_slice %arg9[%add3A_70, %dma_start3A_91] : memref<10240x128xf32, #tpu.memory_space<vmem_shared>> -> memref<80x128xf32, #tpu.memory_space<vmem_shared>>
      tpu.enqueue_dma source(%dma_start3A_92 : memref<80x128xf32, #tpu.memory_space<vmem_shared>>) target(%arg13 : memref<80x128xf32, #tpu.memory_space<vmem>>) target_semaphore(%run_scoped3A : memref<!tpu.dma_semaphore, #tpu.memory_space<semaphore_mem>>)
      %dma_wait3A_93 = arith.constant 0 : i32
      %dma_wait3A_94 = tpu.memref_slice %arg9[%add3A_70, %dma_wait3A_93] : memref<10240x128xf32, #tpu.memory_space<vmem_shared>> -> memref<80x128xf32, #tpu.memory_space<vmem_shared>>
      %dma_wait3A_95 = arith.constant 0 : i32
      %dma_wait3A_96 = tpu.memref_slice %arg9[%add3A_70, %dma_wait3A_95] : memref<10240x128xf32, #tpu.memory_space<vmem_shared>> -> memref<80x128xf32, #tpu.memory_space<vmem_shared>>
      tpu.wait_dma2 semaphore(%run_scoped3A : memref<!tpu.dma_semaphore, #tpu.memory_space<semaphore_mem>>) src(%dma_wait3A_96 : memref<80x128xf32, #tpu.memory_space<vmem_shared>>) dst(%arg13 : memref<80x128xf32, #tpu.memory_space<vmem>>)
      tpu.yield
    }) : () -> ()
    %add3A_71 = arith.constant 240 : i32
    %add3A_72 = arith.addi %add3A_56, %add3A_71 : i32
    "tpu.region"() ({
      %run_scoped3A = tpu.sem_alloc : memref<!tpu.dma_semaphore, #tpu.memory_space<semaphore_mem>>
      %dma_start3A_89 = arith.constant 0 : i32
      %dma_start3A_90 = tpu.memref_slice %arg7[%add3A_72, %dma_start3A_89] : memref<20480x128xf32, #tpu.memory_space<hbm>> -> memref<80x128xf32, #tpu.memory_space<hbm>>
      %dma_start3A_91 = arith.constant 0 : i32
      %dma_start3A_92 = tpu.memref_slice %arg7[%add3A_72, %dma_start3A_91] : memref<20480x128xf32, #tpu.memory_space<hbm>> -> memref<80x128xf32, #tpu.memory_space<hbm>>
      tpu.enqueue_dma source(%arg13 : memref<80x128xf32, #tpu.memory_space<vmem>>) target(%dma_start3A_92 : memref<80x128xf32, #tpu.memory_space<hbm>>) target_semaphore(%run_scoped3A : memref<!tpu.dma_semaphore, #tpu.memory_space<semaphore_mem>>)
      %dma_wait3A_93 = arith.constant 0 : i32
      %dma_wait3A_94 = tpu.memref_slice %arg7[%add3A_72, %dma_wait3A_93] : memref<20480x128xf32, #tpu.memory_space<hbm>> -> memref<80x128xf32, #tpu.memory_space<hbm>>
      %dma_wait3A_95 = arith.constant 0 : i32
      %dma_wait3A_96 = tpu.memref_slice %arg7[%add3A_72, %dma_wait3A_95] : memref<20480x128xf32, #tpu.memory_space<hbm>> -> memref<80x128xf32, #tpu.memory_space<hbm>>
      tpu.wait_dma2 semaphore(%run_scoped3A : memref<!tpu.dma_semaphore, #tpu.memory_space<semaphore_mem>>) src(%arg13 : memref<80x128xf32, #tpu.memory_space<vmem>>) dst(%dma_wait3A_96 : memref<80x128xf32, #tpu.memory_space<hbm>>)
      tpu.yield
    }) : () -> ()
    %add3A_73 = arith.constant 320 : i32
    %add3A_74 = arith.addi %mul3A_53, %add3A_73 : i32
    "tpu.region"() ({
      %run_scoped3A = tpu.sem_alloc : memref<!tpu.dma_semaphore, #tpu.memory_space<semaphore_mem>>
      %dma_start3A_89 = arith.constant 0 : i32
      %dma_start3A_90 = tpu.memref_slice %arg9[%add3A_74, %dma_start3A_89] : memref<10240x128xf32, #tpu.memory_space<vmem_shared>> -> memref<80x128xf32, #tpu.memory_space<vmem_shared>>
      %dma_start3A_91 = arith.constant 0 : i32
      %dma_start3A_92 = tpu.memref_slice %arg9[%add3A_74, %dma_start3A_91] : memref<10240x128xf32, #tpu.memory_space<vmem_shared>> -> memref<80x128xf32, #tpu.memory_space<vmem_shared>>
      tpu.enqueue_dma source(%dma_start3A_92 : memref<80x128xf32, #tpu.memory_space<vmem_shared>>) target(%arg12 : memref<80x128xf32, #tpu.memory_space<vmem>>) target_semaphore(%run_scoped3A : memref<!tpu.dma_semaphore, #tpu.memory_space<semaphore_mem>>)
      %dma_wait3A_93 = arith.constant 0 : i32
      %dma_wait3A_94 = tpu.memref_slice %arg9[%add3A_74, %dma_wait3A_93] : memref<10240x128xf32, #tpu.memory_space<vmem_shared>> -> memref<80x128xf32, #tpu.memory_space<vmem_shared>>
      %dma_wait3A_95 = arith.constant 0 : i32
      %dma_wait3A_96 = tpu.memref_slice %arg9[%add3A_74, %dma_wait3A_95] : memref<10240x128xf32, #tpu.memory_space<vmem_shared>> -> memref<80x128xf32, #tpu.memory_space<vmem_shared>>
      tpu.wait_dma2 semaphore(%run_scoped3A : memref<!tpu.dma_semaphore, #tpu.memory_space<semaphore_mem>>) src(%dma_wait3A_96 : memref<80x128xf32, #tpu.memory_space<vmem_shared>>) dst(%arg12 : memref<80x128xf32, #tpu.memory_space<vmem>>)
      tpu.yield
    }) : () -> ()
    %add3A_75 = arith.constant 320 : i32
    %add3A_76 = arith.addi %add3A_56, %add3A_75 : i32
    "tpu.region"() ({
      %run_scoped3A = tpu.sem_alloc : memref<!tpu.dma_semaphore, #tpu.memory_space<semaphore_mem>>
      %dma_start3A_89 = arith.constant 0 : i32
      %dma_start3A_90 = tpu.memref_slice %arg7[%add3A_76, %dma_start3A_89] : memref<20480x128xf32, #tpu.memory_space<hbm>> -> memref<80x128xf32, #tpu.memory_space<hbm>>
      %dma_start3A_91 = arith.constant 0 : i32
      %dma_start3A_92 = tpu.memref_slice %arg7[%add3A_76, %dma_start3A_91] : memref<20480x128xf32, #tpu.memory_space<hbm>> -> memref<80x128xf32, #tpu.memory_space<hbm>>
      tpu.enqueue_dma source(%arg12 : memref<80x128xf32, #tpu.memory_space<vmem>>) target(%dma_start3A_92 : memref<80x128xf32, #tpu.memory_space<hbm>>) target_semaphore(%run_scoped3A : memref<!tpu.dma_semaphore, #tpu.memory_space<semaphore_mem>>)
      %dma_wait3A_93 = arith.constant 0 : i32
      %dma_wait3A_94 = tpu.memref_slice %arg7[%add3A_76, %dma_wait3A_93] : memref<20480x128xf32, #tpu.memory_space<hbm>> -> memref<80x128xf32, #tpu.memory_space<hbm>>
      %dma_wait3A_95 = arith.constant 0 : i32
      %dma_wait3A_96 = tpu.memref_slice %arg7[%add3A_76, %dma_wait3A_95] : memref<20480x128xf32, #tpu.memory_space<hbm>> -> memref<80x128xf32, #tpu.memory_space<hbm>>
      tpu.wait_dma2 semaphore(%run_scoped3A : memref<!tpu.dma_semaphore, #tpu.memory_space<semaphore_mem>>) src(%arg12 : memref<80x128xf32, #tpu.memory_space<vmem>>) dst(%dma_wait3A_96 : memref<80x128xf32, #tpu.memory_space<hbm>>)
      tpu.yield
    }) : () -> ()
    %add3A_77 = arith.constant 400 : i32
    %add3A_78 = arith.addi %mul3A_53, %add3A_77 : i32
    "tpu.region"() ({
      %run_scoped3A = tpu.sem_alloc : memref<!tpu.dma_semaphore, #tpu.memory_space<semaphore_mem>>
      %dma_start3A_89 = arith.constant 0 : i32
      %dma_start3A_90 = tpu.memref_slice %arg9[%add3A_78, %dma_start3A_89] : memref<10240x128xf32, #tpu.memory_space<vmem_shared>> -> memref<80x128xf32, #tpu.memory_space<vmem_shared>>
      %dma_start3A_91 = arith.constant 0 : i32
      %dma_start3A_92 = tpu.memref_slice %arg9[%add3A_78, %dma_start3A_91] : memref<10240x128xf32, #tpu.memory_space<vmem_shared>> -> memref<80x128xf32, #tpu.memory_space<vmem_shared>>
      tpu.enqueue_dma source(%dma_start3A_92 : memref<80x128xf32, #tpu.memory_space<vmem_shared>>) target(%arg13 : memref<80x128xf32, #tpu.memory_space<vmem>>) target_semaphore(%run_scoped3A : memref<!tpu.dma_semaphore, #tpu.memory_space<semaphore_mem>>)
      %dma_wait3A_93 = arith.constant 0 : i32
      %dma_wait3A_94 = tpu.memref_slice %arg9[%add3A_78, %dma_wait3A_93] : memref<10240x128xf32, #tpu.memory_space<vmem_shared>> -> memref<80x128xf32, #tpu.memory_space<vmem_shared>>
      %dma_wait3A_95 = arith.constant 0 : i32
      %dma_wait3A_96 = tpu.memref_slice %arg9[%add3A_78, %dma_wait3A_95] : memref<10240x128xf32, #tpu.memory_space<vmem_shared>> -> memref<80x128xf32, #tpu.memory_space<vmem_shared>>
      tpu.wait_dma2 semaphore(%run_scoped3A : memref<!tpu.dma_semaphore, #tpu.memory_space<semaphore_mem>>) src(%dma_wait3A_96 : memref<80x128xf32, #tpu.memory_space<vmem_shared>>) dst(%arg13 : memref<80x128xf32, #tpu.memory_space<vmem>>)
      tpu.yield
    }) : () -> ()
    %add3A_79 = arith.constant 400 : i32
    %add3A_80 = arith.addi %add3A_56, %add3A_79 : i32
    "tpu.region"() ({
      %run_scoped3A = tpu.sem_alloc : memref<!tpu.dma_semaphore, #tpu.memory_space<semaphore_mem>>
      %dma_start3A_89 = arith.constant 0 : i32
      %dma_start3A_90 = tpu.memref_slice %arg7[%add3A_80, %dma_start3A_89] : memref<20480x128xf32, #tpu.memory_space<hbm>> -> memref<80x128xf32, #tpu.memory_space<hbm>>
      %dma_start3A_91 = arith.constant 0 : i32
      %dma_start3A_92 = tpu.memref_slice %arg7[%add3A_80, %dma_start3A_91] : memref<20480x128xf32, #tpu.memory_space<hbm>> -> memref<80x128xf32, #tpu.memory_space<hbm>>
      tpu.enqueue_dma source(%arg13 : memref<80x128xf32, #tpu.memory_space<vmem>>) target(%dma_start3A_92 : memref<80x128xf32, #tpu.memory_space<hbm>>) target_semaphore(%run_scoped3A : memref<!tpu.dma_semaphore, #tpu.memory_space<semaphore_mem>>)
      %dma_wait3A_93 = arith.constant 0 : i32
      %dma_wait3A_94 = tpu.memref_slice %arg7[%add3A_80, %dma_wait3A_93] : memref<20480x128xf32, #tpu.memory_space<hbm>> -> memref<80x128xf32, #tpu.memory_space<hbm>>
      %dma_wait3A_95 = arith.constant 0 : i32
      %dma_wait3A_96 = tpu.memref_slice %arg7[%add3A_80, %dma_wait3A_95] : memref<20480x128xf32, #tpu.memory_space<hbm>> -> memref<80x128xf32, #tpu.memory_space<hbm>>
      tpu.wait_dma2 semaphore(%run_scoped3A : memref<!tpu.dma_semaphore, #tpu.memory_space<semaphore_mem>>) src(%arg13 : memref<80x128xf32, #tpu.memory_space<vmem>>) dst(%dma_wait3A_96 : memref<80x128xf32, #tpu.memory_space<hbm>>)
      tpu.yield
    }) : () -> ()
    %add3A_81 = arith.constant 480 : i32
    %add3A_82 = arith.addi %mul3A_53, %add3A_81 : i32
    "tpu.region"() ({
      %run_scoped3A = tpu.sem_alloc : memref<!tpu.dma_semaphore, #tpu.memory_space<semaphore_mem>>
      %dma_start3A_89 = arith.constant 0 : i32
      %dma_start3A_90 = tpu.memref_slice %arg9[%add3A_82, %dma_start3A_89] : memref<10240x128xf32, #tpu.memory_space<vmem_shared>> -> memref<80x128xf32, #tpu.memory_space<vmem_shared>>
      %dma_start3A_91 = arith.constant 0 : i32
      %dma_start3A_92 = tpu.memref_slice %arg9[%add3A_82, %dma_start3A_91] : memref<10240x128xf32, #tpu.memory_space<vmem_shared>> -> memref<80x128xf32, #tpu.memory_space<vmem_shared>>
      tpu.enqueue_dma source(%dma_start3A_92 : memref<80x128xf32, #tpu.memory_space<vmem_shared>>) target(%arg12 : memref<80x128xf32, #tpu.memory_space<vmem>>) target_semaphore(%run_scoped3A : memref<!tpu.dma_semaphore, #tpu.memory_space<semaphore_mem>>)
      %dma_wait3A_93 = arith.constant 0 : i32
      %dma_wait3A_94 = tpu.memref_slice %arg9[%add3A_82, %dma_wait3A_93] : memref<10240x128xf32, #tpu.memory_space<vmem_shared>> -> memref<80x128xf32, #tpu.memory_space<vmem_shared>>
      %dma_wait3A_95 = arith.constant 0 : i32
      %dma_wait3A_96 = tpu.memref_slice %arg9[%add3A_82, %dma_wait3A_95] : memref<10240x128xf32, #tpu.memory_space<vmem_shared>> -> memref<80x128xf32, #tpu.memory_space<vmem_shared>>
      tpu.wait_dma2 semaphore(%run_scoped3A : memref<!tpu.dma_semaphore, #tpu.memory_space<semaphore_mem>>) src(%dma_wait3A_96 : memref<80x128xf32, #tpu.memory_space<vmem_shared>>) dst(%arg12 : memref<80x128xf32, #tpu.memory_space<vmem>>)
      tpu.yield
    }) : () -> ()
    %add3A_83 = arith.constant 480 : i32
    %add3A_84 = arith.addi %add3A_56, %add3A_83 : i32
    "tpu.region"() ({
      %run_scoped3A = tpu.sem_alloc : memref<!tpu.dma_semaphore, #tpu.memory_space<semaphore_mem>>
      %dma_start3A_89 = arith.constant 0 : i32
      %dma_start3A_90 = tpu.memref_slice %arg7[%add3A_84, %dma_start3A_89] : memref<20480x128xf32, #tpu.memory_space<hbm>> -> memref<80x128xf32, #tpu.memory_space<hbm>>
      %dma_start3A_91 = arith.constant 0 : i32
      %dma_start3A_92 = tpu.memref_slice %arg7[%add3A_84, %dma_start3A_91] : memref<20480x128xf32, #tpu.memory_space<hbm>> -> memref<80x128xf32, #tpu.memory_space<hbm>>
      tpu.enqueue_dma source(%arg12 : memref<80x128xf32, #tpu.memory_space<vmem>>) target(%dma_start3A_92 : memref<80x128xf32, #tpu.memory_space<hbm>>) target_semaphore(%run_scoped3A : memref<!tpu.dma_semaphore, #tpu.memory_space<semaphore_mem>>)
      %dma_wait3A_93 = arith.constant 0 : i32
      %dma_wait3A_94 = tpu.memref_slice %arg7[%add3A_84, %dma_wait3A_93] : memref<20480x128xf32, #tpu.memory_space<hbm>> -> memref<80x128xf32, #tpu.memory_space<hbm>>
      %dma_wait3A_95 = arith.constant 0 : i32
      %dma_wait3A_96 = tpu.memref_slice %arg7[%add3A_84, %dma_wait3A_95] : memref<20480x128xf32, #tpu.memory_space<hbm>> -> memref<80x128xf32, #tpu.memory_space<hbm>>
      tpu.wait_dma2 semaphore(%run_scoped3A : memref<!tpu.dma_semaphore, #tpu.memory_space<semaphore_mem>>) src(%arg12 : memref<80x128xf32, #tpu.memory_space<vmem>>) dst(%dma_wait3A_96 : memref<80x128xf32, #tpu.memory_space<hbm>>)
      tpu.yield
    }) : () -> ()
    %add3A_85 = arith.constant 560 : i32
    %add3A_86 = arith.addi %mul3A_53, %add3A_85 : i32
    "tpu.region"() ({
      %run_scoped3A = tpu.sem_alloc : memref<!tpu.dma_semaphore, #tpu.memory_space<semaphore_mem>>
      %dma_start3A_89 = arith.constant 0 : i32
      %dma_start3A_90 = tpu.memref_slice %arg9[%add3A_86, %dma_start3A_89] : memref<10240x128xf32, #tpu.memory_space<vmem_shared>> -> memref<80x128xf32, #tpu.memory_space<vmem_shared>>
      %dma_start3A_91 = arith.constant 0 : i32
      %dma_start3A_92 = tpu.memref_slice %arg9[%add3A_86, %dma_start3A_91] : memref<10240x128xf32, #tpu.memory_space<vmem_shared>> -> memref<80x128xf32, #tpu.memory_space<vmem_shared>>
      tpu.enqueue_dma source(%dma_start3A_92 : memref<80x128xf32, #tpu.memory_space<vmem_shared>>) target(%arg13 : memref<80x128xf32, #tpu.memory_space<vmem>>) target_semaphore(%run_scoped3A : memref<!tpu.dma_semaphore, #tpu.memory_space<semaphore_mem>>)
      %dma_wait3A_93 = arith.constant 0 : i32
      %dma_wait3A_94 = tpu.memref_slice %arg9[%add3A_86, %dma_wait3A_93] : memref<10240x128xf32, #tpu.memory_space<vmem_shared>> -> memref<80x128xf32, #tpu.memory_space<vmem_shared>>
      %dma_wait3A_95 = arith.constant 0 : i32
      %dma_wait3A_96 = tpu.memref_slice %arg9[%add3A_86, %dma_wait3A_95] : memref<10240x128xf32, #tpu.memory_space<vmem_shared>> -> memref<80x128xf32, #tpu.memory_space<vmem_shared>>
      tpu.wait_dma2 semaphore(%run_scoped3A : memref<!tpu.dma_semaphore, #tpu.memory_space<semaphore_mem>>) src(%dma_wait3A_96 : memref<80x128xf32, #tpu.memory_space<vmem_shared>>) dst(%arg13 : memref<80x128xf32, #tpu.memory_space<vmem>>)
      tpu.yield
    }) : () -> ()
    %add3A_87 = arith.constant 560 : i32
    %add3A_88 = arith.addi %add3A_56, %add3A_87 : i32
    "tpu.region"() ({
      %run_scoped3A = tpu.sem_alloc : memref<!tpu.dma_semaphore, #tpu.memory_space<semaphore_mem>>
      %dma_start3A_89 = arith.constant 0 : i32
      %dma_start3A_90 = tpu.memref_slice %arg7[%add3A_88, %dma_start3A_89] : memref<20480x128xf32, #tpu.memory_space<hbm>> -> memref<80x128xf32, #tpu.memory_space<hbm>>
      %dma_start3A_91 = arith.constant 0 : i32
      %dma_start3A_92 = tpu.memref_slice %arg7[%add3A_88, %dma_start3A_91] : memref<20480x128xf32, #tpu.memory_space<hbm>> -> memref<80x128xf32, #tpu.memory_space<hbm>>
      tpu.enqueue_dma source(%arg13 : memref<80x128xf32, #tpu.memory_space<vmem>>) target(%dma_start3A_92 : memref<80x128xf32, #tpu.memory_space<hbm>>) target_semaphore(%run_scoped3A : memref<!tpu.dma_semaphore, #tpu.memory_space<semaphore_mem>>)
      %dma_wait3A_93 = arith.constant 0 : i32
      %dma_wait3A_94 = tpu.memref_slice %arg7[%add3A_88, %dma_wait3A_93] : memref<20480x128xf32, #tpu.memory_space<hbm>> -> memref<80x128xf32, #tpu.memory_space<hbm>>
      %dma_wait3A_95 = arith.constant 0 : i32
      %dma_wait3A_96 = tpu.memref_slice %arg7[%add3A_88, %dma_wait3A_95] : memref<20480x128xf32, #tpu.memory_space<hbm>> -> memref<80x128xf32, #tpu.memory_space<hbm>>
      tpu.wait_dma2 semaphore(%run_scoped3A : memref<!tpu.dma_semaphore, #tpu.memory_space<semaphore_mem>>) src(%arg13 : memref<80x128xf32, #tpu.memory_space<vmem>>) dst(%dma_wait3A_96 : memref<80x128xf32, #tpu.memory_space<hbm>>)
      tpu.yield
    }) : () -> ()
    return
  }
}

module attributes {stable_mosaic.version = 14 : i64} {
  func.func @_tc1_kernel(%arg0: i32, %arg1: memref<1024x128xf32, #tpu.memory_space<vmem>>, %arg2: memref<1024x128xf32, #tpu.memory_space<vmem>>, %arg3: memref<1024x128xf32, #tpu.memory_space<vmem>>, %arg4: memref<1024x1xf32, #tpu.memory_space<vmem>>, %arg5: memref<1024x1xf32, #tpu.memory_space<vmem>>, %arg6: memref<256x128xf32, #tpu.memory_space<vmem>>, %arg7: memref<1x128xf32, #tpu.memory_space<vmem>>, %arg8: memref<1024x128xf32, #tpu.memory_space<vmem>>) attributes {dimension_semantics = [#tpu.dimension_semantics<arbitrary>], iteration_bounds = array<i64: 10>, scalar_prefetch = 0 : i64, scratch_operands = 0 : i64, tpu.core_type = #tpu.core_type<tc>, window_params = [{transform_indices = @transform_0, window_bounds = array<i64: 1024, 128>}, {transform_indices = @transform_1, window_bounds = array<i64: 1024, 128>}, {transform_indices = @transform_2, window_bounds = array<i64: 1024, 128>}, {transform_indices = @transform_3, window_bounds = array<i64: 1024, 1>}, {transform_indices = @transform_4, window_bounds = array<i64: 1024, 1>}, {pipeline_mode = #tpu.pipeline_mode<synchronous>, transform_indices = @transform_5, window_bounds = array<i64: 256, 128>}, {pipeline_mode = #tpu.pipeline_mode<synchronous>, transform_indices = @transform_6, window_bounds = array<i64: 1, 128>}, {transform_indices = @transform_7, window_bounds = array<i64: 1024, 128>}]} {
    %get3A = arith.constant 0 : index
    %get3A_0 = arith.constant 0 : index
    %get3A_1 = vector.load %arg4[%get3A, %get3A_0] : memref<1024x1xf32, #tpu.memory_space<vmem>>, vector<1024x1xf32>
    %get3A_2 = arith.constant 0 : index
    %get3A_3 = arith.constant 0 : index
    %get3A_4 = vector.load %arg5[%get3A_2, %get3A_3] : memref<1024x1xf32, #tpu.memory_space<vmem>>, vector<1024x1xf32>
    %add3A = arith.addf %get3A_1, %get3A_4 : vector<1024x1xf32>
    %max3A = arith.constant 1.000000e+00 : f32
    %max3A_5 = vector.broadcast %max3A : f32 to vector<1024x1xf32>
    %max3A_6 = arith.maximumf %add3A, %max3A_5 : vector<1024x1xf32>
    %div3A = arith.constant 1.000000e+00 : f32
    %div3A_7 = vector.broadcast %div3A : f32 to vector<1024x1xf32>
    %div3A_8 = arith.divf %div3A_7, %max3A_6 : vector<1024x1xf32>
    %get3A_9 = arith.constant 0 : index
    %get3A_10 = arith.constant 0 : index
    %get3A_11 = vector.load %arg2[%get3A_9, %get3A_10] : memref<1024x128xf32, #tpu.memory_space<vmem>>, vector<1024x128xf32>
    %get3A_12 = arith.constant 0 : index
    %get3A_13 = arith.constant 0 : index
    %get3A_14 = vector.load %arg3[%get3A_12, %get3A_13] : memref<1024x128xf32, #tpu.memory_space<vmem>>, vector<1024x128xf32>
    %add3A_15 = arith.addf %get3A_11, %get3A_14 : vector<1024x128xf32>
    %mul3A = vector.broadcast %div3A_8 : vector<1024x1xf32> to vector<1024x128xf32>
    %mul3A_16 = arith.mulf %add3A_15, %mul3A : vector<1024x128xf32>
    %get3A_17 = arith.constant 0 : index
    %get3A_18 = arith.constant 0 : index
    %get3A_19 = vector.load %arg1[%get3A_17, %get3A_18] : memref<1024x128xf32, #tpu.memory_space<vmem>>, vector<1024x128xf32>
    %get3A_20 = arith.constant 0 : index
    %get3A_21 = arith.constant 0 : index
    %get3A_22 = vector.load %arg6[%get3A_20, %get3A_21] : memref<256x128xf32, #tpu.memory_space<vmem>>, vector<128x128xf32>
    %dot_general3A = arith.constant dense<0.000000e+00> : vector<1024x128xf32>
    %dot_general3A_23 = tpu.matmul %get3A_19, %get3A_22, %dot_general3A {dimension_numbers = #tpu.dot_dimension_numbers<[1], [0], [0], [1], [0, 0, 1, 1], [], []>, transpose_lhs_hint = false} : vector<1024x128xf32>, vector<128x128xf32>, vector<1024x128xf32> -> vector<1024x128xf32>
    %get3A_24 = arith.constant 128 : index
    %get3A_25 = arith.constant 0 : index
    %get3A_26 = vector.load %arg6[%get3A_24, %get3A_25] : memref<256x128xf32, #tpu.memory_space<vmem>>, vector<128x128xf32>
    %dot_general3A_27 = arith.constant dense<0.000000e+00> : vector<1024x128xf32>
    %dot_general3A_28 = tpu.matmul %mul3A_16, %get3A_26, %dot_general3A_27 {dimension_numbers = #tpu.dot_dimension_numbers<[1], [0], [0], [1], [0, 0, 1, 1], [], []>, transpose_lhs_hint = false} : vector<1024x128xf32>, vector<128x128xf32>, vector<1024x128xf32> -> vector<1024x128xf32>
    %add3A_29 = arith.addf %dot_general3A_23, %dot_general3A_28 : vector<1024x128xf32>
    %get3A_30 = arith.constant 0 : index
    %get3A_31 = arith.constant 0 : index
    %get3A_32 = vector.load %arg7[%get3A_30, %get3A_31] : memref<1x128xf32, #tpu.memory_space<vmem>>, vector<1x128xf32>
    %add3A_33 = vector.broadcast %get3A_32 : vector<1x128xf32> to vector<1024x128xf32>
    %add3A_34 = arith.addf %add3A_29, %add3A_33 : vector<1024x128xf32>
    %max3A_35 = arith.constant 0.000000e+00 : f32
    %max3A_36 = vector.broadcast %max3A_35 : f32 to vector<1024x128xf32>
    %max3A_37 = arith.maximumf %add3A_34, %max3A_36 : vector<1024x128xf32>
    %swap3A = arith.constant 0 : index
    %swap3A_38 = arith.constant 0 : index
    %swap3A_39 = vector.load %arg8[%swap3A, %swap3A_38] : memref<1024x128xf32, #tpu.memory_space<vmem>>, vector<1024x128xf32>
    tpu.vector_store %arg8[%swap3A, %swap3A_38], %max3A_37 {strides = array<i32>} : memref<1024x128xf32, #tpu.memory_space<vmem>>, vector<1024x128xf32>,
    return
  }
  func.func @transform_0(%arg0: i32) -> (i32, i32) {
    %c0_i32 = arith.constant 0 : i32
    %c0_i32_0 = arith.constant 0 : i32
    return %arg0, %c0_i32 : i32, i32
  }
  func.func @transform_1(%arg0: i32) -> (i32, i32) {
    %c0_i32 = arith.constant 0 : i32
    %c0_i32_0 = arith.constant 0 : i32
    return %arg0, %c0_i32 : i32, i32
  }
  func.func @transform_2(%arg0: i32) -> (i32, i32) {
    %c0_i32 = arith.constant 0 : i32
    %c0_i32_0 = arith.constant 0 : i32
    return %arg0, %c0_i32 : i32, i32
  }
  func.func @transform_3(%arg0: i32) -> (i32, i32) {
    %c0_i32 = arith.constant 0 : i32
    %c0_i32_0 = arith.constant 0 : i32
    return %arg0, %c0_i32 : i32, i32
  }
  func.func @transform_4(%arg0: i32) -> (i32, i32) {
    %c0_i32 = arith.constant 0 : i32
    %c0_i32_0 = arith.constant 0 : i32
    return %arg0, %c0_i32 : i32, i32
  }
  func.func @transform_5(%arg0: i32) -> (i32, i32) {
    %c0_i32 = arith.constant 0 : i32
    %c0_i32_0 = arith.constant 0 : i32
    %c0_i32_1 = arith.constant 0 : i32
    return %c0_i32, %c0_i32_0 : i32, i32
  }
  func.func @transform_6(%arg0: i32) -> (i32, i32) {
    %c0_i32 = arith.constant 0 : i32
    %c0_i32_0 = arith.constant 0 : i32
    %c0_i32_1 = arith.constant 0 : i32
    return %c0_i32, %c0_i32_0 : i32, i32
  }
  func.func @transform_7(%arg0: i32) -> (i32, i32) {
    %c0_i32 = arith.constant 0 : i32
    %c0_i32_0 = arith.constant 0 : i32
    return %arg0, %c0_i32 : i32, i32
  }
}

module attributes {stable_mosaic.version = 14 : i64} {
  func.func @_tc2_kernel(%arg0: i32, %arg1: memref<1024x128xf32, #tpu.memory_space<vmem>>, %arg2: memref<1024x128xf32, #tpu.memory_space<vmem>>, %arg3: memref<1024x128xf32, #tpu.memory_space<vmem>>, %arg4: memref<1024x1xf32, #tpu.memory_space<vmem>>, %arg5: memref<1024x1xf32, #tpu.memory_space<vmem>>, %arg6: memref<256x64xf32, #tpu.memory_space<vmem>>, %arg7: memref<1x64xf32, #tpu.memory_space<vmem>>, %arg8: memref<1024x64xf32, #tpu.memory_space<vmem>>) attributes {dimension_semantics = [#tpu.dimension_semantics<arbitrary>], iteration_bounds = array<i64: 10>, scalar_prefetch = 0 : i64, scratch_operands = 0 : i64, tpu.core_type = #tpu.core_type<tc>, window_params = [{transform_indices = @transform_0, window_bounds = array<i64: 1024, 128>}, {transform_indices = @transform_1, window_bounds = array<i64: 1024, 128>}, {transform_indices = @transform_2, window_bounds = array<i64: 1024, 128>}, {transform_indices = @transform_3, window_bounds = array<i64: 1024, 1>}, {transform_indices = @transform_4, window_bounds = array<i64: 1024, 1>}, {pipeline_mode = #tpu.pipeline_mode<synchronous>, transform_indices = @transform_5, window_bounds = array<i64: 256, 64>}, {pipeline_mode = #tpu.pipeline_mode<synchronous>, transform_indices = @transform_6, window_bounds = array<i64: 1, 64>}, {transform_indices = @transform_7, window_bounds = array<i64: 1024, 64>}]} {
    %get3A = arith.constant 0 : index
    %get3A_0 = arith.constant 0 : index
    %get3A_1 = vector.load %arg4[%get3A, %get3A_0] : memref<1024x1xf32, #tpu.memory_space<vmem>>, vector<1024x1xf32>
    %get3A_2 = arith.constant 0 : index
    %get3A_3 = arith.constant 0 : index
    %get3A_4 = vector.load %arg5[%get3A_2, %get3A_3] : memref<1024x1xf32, #tpu.memory_space<vmem>>, vector<1024x1xf32>
    %add3A = arith.addf %get3A_1, %get3A_4 : vector<1024x1xf32>
    %max3A = arith.constant 1.000000e+00 : f32
    %max3A_5 = vector.broadcast %max3A : f32 to vector<1024x1xf32>
    %max3A_6 = arith.maximumf %add3A, %max3A_5 : vector<1024x1xf32>
    %div3A = arith.constant 1.000000e+00 : f32
    %div3A_7 = vector.broadcast %div3A : f32 to vector<1024x1xf32>
    %div3A_8 = arith.divf %div3A_7, %max3A_6 : vector<1024x1xf32>
    %get3A_9 = arith.constant 0 : index
    %get3A_10 = arith.constant 0 : index
    %get3A_11 = vector.load %arg2[%get3A_9, %get3A_10] : memref<1024x128xf32, #tpu.memory_space<vmem>>, vector<1024x128xf32>
    %get3A_12 = arith.constant 0 : index
    %get3A_13 = arith.constant 0 : index
    %get3A_14 = vector.load %arg3[%get3A_12, %get3A_13] : memref<1024x128xf32, #tpu.memory_space<vmem>>, vector<1024x128xf32>
    %add3A_15 = arith.addf %get3A_11, %get3A_14 : vector<1024x128xf32>
    %mul3A = vector.broadcast %div3A_8 : vector<1024x1xf32> to vector<1024x128xf32>
    %mul3A_16 = arith.mulf %add3A_15, %mul3A : vector<1024x128xf32>
    %get3A_17 = arith.constant 0 : index
    %get3A_18 = arith.constant 0 : index
    %get3A_19 = vector.load %arg1[%get3A_17, %get3A_18] : memref<1024x128xf32, #tpu.memory_space<vmem>>, vector<1024x128xf32>
    %get3A_20 = arith.constant 0 : index
    %get3A_21 = arith.constant 0 : index
    %get3A_22 = vector.load %arg6[%get3A_20, %get3A_21] : memref<256x64xf32, #tpu.memory_space<vmem>>, vector<128x64xf32>
    %dot_general3A = arith.constant dense<0.000000e+00> : vector<1024x64xf32>
    %dot_general3A_23 = tpu.matmul %get3A_19, %get3A_22, %dot_general3A {dimension_numbers = #tpu.dot_dimension_numbers<[1], [0], [0], [1], [0, 0, 1, 1], [], []>, transpose_lhs_hint = false} : vector<1024x128xf32>, vector<128x64xf32>, vector<1024x64xf32> -> vector<1024x64xf32>
    %get3A_24 = arith.constant 128 : index
    %get3A_25 = arith.constant 0 : index
    %get3A_26 = vector.load %arg6[%get3A_24, %get3A_25] : memref<256x64xf32, #tpu.memory_space<vmem>>, vector<128x64xf32>
    %dot_general3A_27 = arith.constant dense<0.000000e+00> : vector<1024x64xf32>
    %dot_general3A_28 = tpu.matmul %mul3A_16, %get3A_26, %dot_general3A_27 {dimension_numbers = #tpu.dot_dimension_numbers<[1], [0], [0], [1], [0, 0, 1, 1], [], []>, transpose_lhs_hint = false} : vector<1024x128xf32>, vector<128x64xf32>, vector<1024x64xf32> -> vector<1024x64xf32>
    %add3A_29 = arith.addf %dot_general3A_23, %dot_general3A_28 : vector<1024x64xf32>
    %get3A_30 = arith.constant 0 : index
    %get3A_31 = arith.constant 0 : index
    %get3A_32 = vector.load %arg7[%get3A_30, %get3A_31] : memref<1x64xf32, #tpu.memory_space<vmem>>, vector<1x64xf32>
    %add3A_33 = vector.broadcast %get3A_32 : vector<1x64xf32> to vector<1024x64xf32>
    %add3A_34 = arith.addf %add3A_29, %add3A_33 : vector<1024x64xf32>
    %swap3A = arith.constant 0 : index
    %swap3A_35 = arith.constant 0 : index
    %swap3A_36 = vector.load %arg8[%swap3A, %swap3A_35] : memref<1024x64xf32, #tpu.memory_space<vmem>>, vector<1024x64xf32>
    tpu.vector_store %arg8[%swap3A, %swap3A_35], %add3A_34 {strides = array<i32>} : memref<1024x64xf32, #tpu.memory_space<vmem>>, vector<1024x64xf32>,
    return
  }
  func.func @transform_0(%arg0: i32) -> (i32, i32) {
    %c0_i32 = arith.constant 0 : i32
    %c0_i32_0 = arith.constant 0 : i32
    return %arg0, %c0_i32 : i32, i32
  }
  func.func @transform_1(%arg0: i32) -> (i32, i32) {
    %c0_i32 = arith.constant 0 : i32
    %c0_i32_0 = arith.constant 0 : i32
    return %arg0, %c0_i32 : i32, i32
  }
  func.func @transform_2(%arg0: i32) -> (i32, i32) {
    %c0_i32 = arith.constant 0 : i32
    %c0_i32_0 = arith.constant 0 : i32
    return %arg0, %c0_i32 : i32, i32
  }
  func.func @transform_3(%arg0: i32) -> (i32, i32) {
    %c0_i32 = arith.constant 0 : i32
    %c0_i32_0 = arith.constant 0 : i32
    return %arg0, %c0_i32 : i32, i32
  }
  func.func @transform_4(%arg0: i32) -> (i32, i32) {
    %c0_i32 = arith.constant 0 : i32
    %c0_i32_0 = arith.constant 0 : i32
    return %arg0, %c0_i32 : i32, i32
  }
  func.func @transform_5(%arg0: i32) -> (i32, i32) {
    %c0_i32 = arith.constant 0 : i32
    %c0_i32_0 = arith.constant 0 : i32
    %c0_i32_1 = arith.constant 0 : i32
    return %c0_i32, %c0_i32_0 : i32, i32
  }
  func.func @transform_6(%arg0: i32) -> (i32, i32) {
    %c0_i32 = arith.constant 0 : i32
    %c0_i32_0 = arith.constant 0 : i32
    %c0_i32_1 = arith.constant 0 : i32
    return %c0_i32, %c0_i32_0 : i32, i32
  }
  func.func @transform_7(%arg0: i32) -> (i32, i32) {
    %c0_i32 = arith.constant 0 : i32
    %c0_i32_0 = arith.constant 0 : i32
    return %arg0, %c0_i32 : i32, i32
  }
}

</mosaic_0001>

<sc_bundles>
// kernel: kernel.6.cloned.1.call-start
scs
__scs_entry_jumppad:
0x0: {  	(pc) =	sbr.rel $0x88, $3  }
0x1: {  	(tag) =	ssettag $0x0;
	lr =	simm.s32 $0x1  }
0x2: {  	[smem:$0x3F9B] =	sst lr;
	_ =	strace $0xD0000000  }
0x3: {  	_ = 	snop  }
0x4: {  	_ = 	snop  }
0x5: {  	_ = 	snop  }
0x6: {  	_ = 	snop  }
0x7: {  	_ = 	snop  }
__scs_overlays_trampoline_lowered:
0x8: {  	[smem:$0x3FAA] =	sst s0  }
0x9: {  	[smem:$0x3FAB] =	sst s1  }
0xa: {  	[smem:$0x3FAC] =	sst s2  }
0xb: {  	[smem:$0x3FAD] =	sst s3  }
0xc: {  	[smem:$0x3FAE] =	sst s4  }
0xd: {  	[smem:$0x3FAF] =	sst s5  }
0xe: {  	[smem:$0x3FB0] =	sst s6  }
0xf: {  	[smem:$0x3FB1] =	sst s7  }
0x10: {  	[smem:$0x3FB2] =	sst s8  }
0x11: {  	[smem:$0x3FB3] =	sst s9;
	s0 =	simm.s32 @!p0 $0x0  }
0x12: {  	s1 =	sld [smem:$0x3F99];
	s0 =	simm.s32 @p0 $0x1  }
0x13: {  	[smem:$0x3FB4] =	sst s0;
	s0 =	simm.s32 @!p1 $0x0  }
0x14: {  	s2 =	sld [smem:$0x3F98];
	s0 =	simm.s32 @p1 $0x1  }
0x15: {  	[smem:$0x3FB5] =	sst s0;
	s0 =	simm.s32 @!p2 $0x0  }
0x16: {  	s3 =	sld [smem:$0x3FDB];
	s0 =	simm.s32 @p2 $0x1  }
0x17: {  	s4 =	simm.s32 $0x1BF5;
	[smem:$0x3FB7] =	sst s0  }
0x18: {  	s0 =	sld [smem:$0x3F9A];
	_ =	swait.ge [sflag:s4], $0x0  }
0x19: {  	s7 =	sld [smem:$0x3F9B]  }
0x1a: {  	s8 =	sadd.s32 $0xFFFFE003, lr  }
0x1b: {  	s9 =	sadd.s32 $0xFFFFFEF7, lr;
	s5 =	simm.s32 $0xFFFFFFFF;
	p2 =	slt.u32 s8, $0xFFFFF086  }
0x1c: {  	p1 =	slt.u32 s9, $0xF7A;
	s5 =	simm.s32 @!p2 $0x0  }
0x1d: {  	s5 =	simm.s32 @p1 $0x1;
	p0 =	seq.s32 s7, s2  }
0x1e: {  	s7 =	smul.u32 @!p0 $0xF7A, s2;
	p2 =	seq.s32 @!p0 s5, $0x0  }
0x1f: {  	s9 =	smul.u32 $0xF7A, s1;
	s8 =	simm.s32 @!p0 $0x1BF5;
	p2 =	por !p2, p0  }
0x20: {  	[sflag:s8] =	ssyncset.s32 @!p0 $0xFFFFF086;
	s6 =	sadd.s32 @!p0 s3, s7;
	s7 =	simm.s32 @!p0 $0x108  }
0x21: {  	s3 =	sadd.s32 s3, s9;
	s6 =	sadd.s32 @!p0 $0x88, s6;
	s7 =	simm.s32 @p2 $0x1082  }
0x22: {  	[simem:s7], [sflag:s8] =	dma.local @!p0 [hbm:s6], $0xF7A  }
0x23: {  	s9 =	sor.u32 $0xD0000000, s2;
	s6 =	simm.s32 $0x108;
	_ =	swait.ge @!p0 [sflag:s8], $0x0  }
0x24: {  	s3 =	sadd.s32 $0x88, s3;
	s6 =	simm.s32 @!p1 $0x1082;
	[sflag:s4] =	ssyncset.s32 $0xFFFFF086  }
0x25: {  	[simem:s6], [sflag:s4] =	dma.local [hbm:s3], $0xF7A  }
0x26: {  	[smem:$0x3F9B] =	sst s1;
	(tag) =	ssettag s2;
	_ =	strace s9  }
0x27: {  	s1 =	sld [smem:$0x3FAB]  }
0x28: {  	s2 =	sld [smem:$0x3FAC]  }
0x29: {  	s4 =	sld [smem:$0x3FAE]  }
0x2a: {  	p0 =	seq.s32 s5, $0x0;
	s5 =	sld [smem:$0x3FAF]  }
0x2b: {  	s6 =	sld [smem:$0x3FB0]  }
0x2c: {  	s7 =	sld [smem:$0x3FB1]  }
0x2d: {  	s3 =	simm.s32 $0x108;
	s8 =	sld [smem:$0x3FB2]  }
0x2e: {  	s3 =	simm.s32 @!p0 $0x1082;
	s9 =	sld [smem:$0x3FB3]  }
0x2f: {  	lr =	sadd.s32 s0, s3;
	s0 =	sld [smem:$0x3FAA]  }
0x30: {  	s3 =	sld [smem:$0x3FAD]  }
0x31: {  	[smem:$0x3FB6] =	sst s10  }
0x32: {  	s10 =	sld [smem:$0x3FB4];
	_ =	sdelay $0x3  }
0x33: {  	p0 =	seq.s32 s10, $0x1;
	s10 =	sld [smem:$0x3FB6];
	_ =	sdelay $0x3  }
0x34: {  	[smem:$0x3FB6] =	sst s10  }
0x35: {  	s10 =	sld [smem:$0x3FB5];
	_ =	sdelay $0x3  }
0x36: {  	p1 =	seq.s32 s10, $0x1;
	s10 =	sld [smem:$0x3FB6];
	_ =	sdelay $0x3  }
0x37: {  	[smem:$0x3FB6] =	sst s10  }
0x38: {  	s10 =	sld [smem:$0x3FB7]  }
0x39: {  	_ = 	snop;
	(pc) =	sbr.ind lr, $3  }
0x3a: {  	_ = 	snop  }
0x3b: {  	_ = 	snop  }
0x3c: {  	p2 =	seq.s32 s10, $0x1;
	s10 =	sld [smem:$0x3FB6]  }
0x3d: {  	_ =	shalt  }
0x3e: {  	_ =	shalt  }
0x3f: {  	_ =	shalt  }
0x40: {  	_ =	shalt  }
0x41: {  	_ =	shalt  }
0x42: {  	_ =	shalt  }
0x43: {  	_ =	shalt  }
0x44: {  	_ =	shalt  }
0x45: {  	_ =	shalt  }
0x46: {  	_ =	shalt  }
0x47: {  	_ =	shalt  }
0x48: {  	_ =	shalt  }
0x49: {  	_ =	shalt  }
0x4a: {  	_ =	shalt  }
0x4b: {  	_ =	shalt  }
0x4c: {  	_ =	shalt  }
0x4d: {  	_ =	shalt  }
0x4e: {  	_ =	shalt  }
0x4f: {  	_ =	shalt  }
0x50: {  	_ =	shalt  }
0x51: {  	_ =	shalt  }
0x52: {  	_ =	shalt  }
0x53: {  	_ =	shalt  }
0x54: {  	_ =	shalt  }
0x55: {  	_ =	shalt  }
0x56: {  	_ =	shalt  }
0x57: {  	_ =	shalt  }
0x58: {  	_ =	shalt  }
0x59: {  	_ =	shalt  }
0x5a: {  	_ =	shalt  }
0x5b: {  	_ =	shalt  }
0x5c: {  	_ =	shalt  }
0x5d: {  	_ =	shalt  }
0x5e: {  	_ =	shalt  }
0x5f: {  	_ =	shalt  }
0x60: {  	_ =	shalt  }
0x61: {  	_ =	shalt  }
0x62: {  	_ =	shalt  }
0x63: {  	_ =	shalt  }
0x64: {  	_ =	shalt  }
0x65: {  	_ =	shalt  }
0x66: {  	_ =	shalt  }
0x67: {  	_ =	shalt  }
0x68: {  	_ =	shalt  }
0x69: {  	_ =	shalt  }
0x6a: {  	_ =	shalt  }
0x6b: {  	_ =	shalt  }
0x6c: {  	_ =	shalt  }
0x6d: {  	_ =	shalt  }
0x6e: {  	_ =	shalt  }
0x6f: {  	_ =	shalt  }
0x70: {  	_ =	shalt  }
0x71: {  	_ =	shalt  }
0x72: {  	_ =	shalt  }
0x73: {  	_ =	shalt  }
0x74: {  	_ =	shalt  }
0x75: {  	_ =	shalt  }
0x76: {  	_ =	shalt  }
0x77: {  	_ =	shalt  }
0x78: {  	_ =	shalt  }
0x79: {  	_ =	shalt  }
0x7a: {  	_ =	shalt  }
0x7b: {  	_ =	shalt  }
0x7c: {  	_ =	shalt  }
0x7d: {  	_ =	shalt  }
0x7e: {  	_ =	shalt  }
0x7f: {  	_ =	shalt  }
0x80: {  	_ =	shalt  }
0x81: {  	_ =	shalt  }
0x82: {  	_ =	shalt  }
0x83: {  	_ =	shalt  }
0x84: {  	_ =	shalt  }
0x85: {  	_ =	shalt  }
0x86: {  	_ =	shalt  }
0x87: {  	_ =	shalt  }
.Lfunc_end0:
.L_simem_size_0:
called_computation_lowered:
.L_overlay_start_0:
0x88: {  	s2 =	sld [smem:$0x3FD9]  }
0x89: {  	s3 =	sld [smem:$0x3FFE];
	_ =	sdelay $0x1  }
0x8a: {  	s1 =	srdreg.scid  }
0x8b: {  	s0 =	sand.u32 $0x1, s1  }
0x8c: {  	s17 =	sshll.u32 s0, $0xA;
	s2 =	sadd.s32 s3, s2  }
0x8d: {  	s2 =	sadd.s32 s2, s17  }
0x8e: {  	[smem:$0x3FC2] =	sst s2  }
0x8f: {  	_ = 	snop  }
0x90: {  	s2 =	sld [smem:$0x3FC9]  }
0x91: {  	s18 =	sld [smem:$0x3FD0];
	(tm) =	ssettm $0x1  }
0x92: {  	s4 =	sld [smem:$0x3FFB];
	_ =	sdelay $0x3  }
0x93: {  	_ =	strace s4  }
0x94: {  	s4 =	sld [smem:$0x3FFC];
	_ =	sdelay $0x3  }
0x95: {  	_ =	strace s4  }
0x96: {  	s4 =	sld [smem:$0x3FFD];
	_ =	sdelay $0x3  }
0x97: {  	_ =	strace s4  }
0x98: {  	_ =	strace $0x8FFFFFFF  }
0x99: {  	s19 =	sld [smem:$0x3FDB];
	_ =	sdelay $0x1  }
0x9a: {  	s5 =	simm.s32 $_scs_section_size  }
0x9b: {  	s6 =	simm.s32 $_size__tile_overlayer_lowered;
	s7 =	simm.s32 $_tile_overlayer_lowered  }
0x9c: {  	s22 =	simm.s32 $0x1BFF;
	s21 =	sshll.u32 s7, $0x1;
	s4 =	sadd.s32 s5, s19  }
0x9d: {  	s8 =	simm.s32 $0x0;
	s20 =	sshll.u32 s6, $0x1;
	s6 =	sadd.s32 s21, s4  }
0x9e: {  	[timem:s8], [sflag:s22] =	dma.local [hbm:s6], s20  }
0x9f: {  	_ =	swait.ge [sflag:s22], s20  }
0xa0: {  	s5 =	ssub.s32 $0x0, s20;
	[sflag:s22] =	ssyncset.done $0x0  }
0xa1: {  	[sflag:s22] =	ssyncadd.s32 s5;
	_ =	sdelay $0x1  }
0xa2: {  	s23 =	simm.s32 $0x1B8B  }
0xa3: {  	_ =	swait.ge [sflag:s23], $0x1  }
0xa4: {  	[sflag:s23] =	ssyncset.done $0x0  }
0xa5: {  	s25 =	simm.s32 $0x1B8E;
	s24 =	sld [smem:$0x3FFE];
	[sflag:s23] =	ssyncadd.s32 $0xFFFFFFFF  }
0xa6: {  	s26 =	simm.s32 $execute0_lowered;
	[smem:$0x3FD2] =	sst s25  }
0xa7: {  	s6 =	sshll.u32 s26, $0x1;
	_ =	strace $0x80000046;
	[dreg:$0x1] =	wrdreg $0xFFFFFFFF  }
0xa8: {  	s28 =	simm.s32 $_size_execute0_lowered;
	s4 =	sadd.s32 s4, s6;
	[dreg:$0x0] =	wrdreg $0x0  }
0xa9: {  	s6 =	sshll.u32 s28, $0x1;
	[dreg:$0x2] =	wrdreg s4  }
0xaa: {  	[dreg:$0x3] =	wrdreg s6  }
0xab: {  	[dreg:$0x4] =	wrdreg $0xC0  }
0xac: {  	_ =	task [dreg:s8], $0x5FFFF  }
0xad: {  	[dreg:$0x1] =	wrdreg $0xFFFFFFFF  }
0xae: {  	[dreg:$0x0] =	wrdreg $0x60  }
0xaf: {  	[dreg:$0x2] =	wrdreg s2  }
0xb0: {  	[dreg:$0x3] =	wrdreg s24  }
0xb1: {  	[dreg:$0x4] =	wrdreg s18  }
0xb2: {  	[dreg:$0x5] =	wrdreg $0x0  }
0xb3: {  	[dreg:$0x6] =	wrdreg $0x9  }
0xb4: {  	_ =	task.clear_ibuf [dreg:s8], $0x7FFFF;
	_ =	strace $0x90000046  }
0xb5: {  	s29 =	simm.s32 $0x9;
	_ =	strace $0x80000048  }
0xb6: {  	_ =	swait.ge [sflag:s29], $0x1  }
0xb7: {  	[sflag:s29] =	ssyncadd.s32 $0xFFFFFFFF  }
0xb8: {  	_ =	strace $0x90000048  }
0xb9: {  	_ =	sfence  }
0xba: {  	s30 =	sld [smem:$0x0];
	_ =	sdelay $0x2  }
0xbb: {  	s31 =	sshll.u32 s1, $0xD;
	s1 =	sshrl.u32 s1, $0x2  }
0xbc: {  	s3 =	sand.u32 $0x4000, s31;
	s1 =	sadd.s32 s1, s30  }
0xbd: {  	s0 =	sor.u32 s3, s0;
	s1 =	sshll.u32 s1, $0x11  }
0xbe: {  	s0 =	sor.u32 s1, s0  }
0xbf: {  	s0 =	sadd.s32 $0x8F2B, s0  }
0xc0: {  	[sflag:s0] =	ssyncadd.remote.s32 $0x1  }
0xc1: {  	_ =	sfence.sel $0xFFFF  }
0xc2: {  	[dreg:$0x0] =	wrdreg $0xFFFFFFFF;
	(pc) =	sbr.abs _section_cstart, $3  }
0xc3: {  	[dreg:$0x1] =	wrdreg $0xFFFFFFFF  }
0xc4: {  	_ =	task.clear_ibuf [dreg:s8], $0x2FFFF;
	_ =	strace $0x9FFFFFFF  }
0xc5: {  	(tm) =	ssettm $0x7FFFFFFF  }
tec
execute0_lowered:
.L_overlay_start_1:
0x0: {  	(tag) =	ssettag $0x1  }
0x1: {  	s1 =	rddreg [dreg:$0x0]  }
0x2: {  	s0 =	rddreg [dreg:$0x1]  }
0x3: {  	s2 =	srdreg.scid;
	s5 =	rddreg [dreg:$0x2]  }
0x4: {  	s16 =	stileid.u32;
	s3 =	rddreg [dreg:$0x3];
	s2 =	sand.u32 $0x1, s2  }
0x5: {  	s6 =	smul.u32 $0x280, s16;
	s10 =	sadd.s32 $0x5D000, s0;
	s11 =	sadd.s32 $0xD000, s0  }
0x6: {  	s4 =	sshll.u32 s2, $0x4;
	s8 =	smul.u32 $0x2800, s2;
	s2 =	ssub.s32 $0x2, s2  }
0x7: {  	s7 =	sor.u32 s16, s4;
	s4 =	simm.s32 $0x0;
	s18 =	sshrl.u32 s2, $0x1  }
0x8: {  	s9 =	smul.u32 $0x4E2, s7;
	s6 =	sadd.s32 s6, s8;
	s7 =	sshll.u32 s7, $0xB  }
0x9: {  	[smem:$0x7FF] =	sst s4;
	s6 =	sshll.u32 s6, $0x4;
	s5 =	sadd.s32 s5, s7  }
0xa: {  	s2 =	ssub.s32 s2, s18;
	[dreg:$0x5] =	wrdreg s5;
	s19 =	sor.u32 $0x500, s6  }
0xb: {  	s20 =	sadd.s32 s10, s6;
	s22 =	sadd.s32 $0xA00, s6;
	s24 =	sadd.s32 $0xF00, s6  }
0xc: {  	s12 =	sadd.s32 $0x1400, s6;
	s26 =	sadd.s32 $0x1900, s6;
	s18 =	sadd.s32 $0x1E00, s6  }
0xd: {  	s15 =	sadd.s32 $0x2300, s6;
	s6 =	sadd.s32 s11, s6;
	[dreg:$0x6] =	wrdreg s20  }
0xe: {  	s21 =	sadd.s32 s10, s19;
	[dreg:$0xe] =	wrdreg s6  }
0xf: {  	s23 =	sadd.s32 s10, s22;
	[dreg:$0x7] =	wrdreg s21  }
0x10: {  	s13 =	sadd.s32 s10, s24;
	[dreg:$0x8] =	wrdreg s23  }
0x11: {  	s25 =	sadd.s32 s10, s12;
	[dreg:$0x9] =	wrdreg s13  }
0x12: {  	s14 =	sadd.s32 s10, s26;
	[dreg:$0xa] =	wrdreg s25  }
0x13: {  	s8 =	simm.s32 $0x50;
	s17 =	sadd.s32 s10, s18;
	[dreg:$0xb] =	wrdreg s14  }
0x14: {  	s7 =	simm.s32 $0x5;
	s10 =	sadd.s32 s10, s15;
	[dreg:$0xc] =	wrdreg s17  }
0x15: {  	s5 =	sadd.s32 s11, s19;
	s19 =	sadd.s32 s11, s22;
	[dreg:$0xd] =	wrdreg s10  }
0x16: {  	s20 =	sadd.s32 s11, s24;
	s22 =	sadd.s32 s11, s26;
	[dreg:$0xf] =	wrdreg s5  }
0x17: {  	s24 =	sadd.s32 s11, s18;
	s26 =	sadd.s32 s9, s0;
	[dreg:$0x10] =	wrdreg s19  }
0x18: {  	s6 =	simm.s32 $0x1A780;
	s9 =	simm.s32 $0x1CF80;
	[dreg:$0x11] =	wrdreg s20  }
0x19: {  	s21 =	sadd.s32 s11, s12;
	[dreg:$0x13] =	wrdreg s22;
	s23 =	smul.u32 $0x50000, s16  }
0x1a: {  	[dreg:$0x14] =	wrdreg s24;
	s25 =	sadd.s32 s11, s15;
	s22 =	sadd.s32 $0xCA00, s0  }
0x1b: {  	s10 =	simm.s32 $0x1;
	s11 =	simm.s32 $0x2;
	s12 =	simm.s32 $0x3  }
0x1c: {  	s13 =	simm.s32 $0x4;
	s14 =	simm.s32 $0x1A580;
	[dreg:$0x12] =	wrdreg s21  }
0x1d: {  	s15 =	simm.s32 $0x0;
	[dreg:$0x15] =	wrdreg s25;
	s5 =	sshrl.u32 s23, $0x2  }
0x1e: {  	s25 =	sadd.s32 $0x2600, s26;
	s26 =	smax.u32 s2, $0x1;
	s24 =	sadd.s32 s5, s3  }
0x1f: {  	_ =	strace $0x80000047;
	s23 =	sadd.s32 $0xC400, s0;
	s28 =	sadd.s32 $0x2800, s24  }
0x20: {  	s29 =	sadd.s32 $0x5000, s24;
	s30 =	sadd.s32 $0x7800, s24;
	s31 =	sadd.s32 $0xA000, s24  }
0x21: {  	s2 =	sadd.s32 $0xC800, s24;
	s0 =	sadd.s32 $0xF000, s24;
	s5 =	sadd.s32 $0x11800, s24  }
.LBB2_1:
0x22: {  	[tilespmem:s6], [sflag:$0x5] =	stream.linear.gather [hbm4b:s22+s4], $0x2800, $0x38;
	[tilespmem:$0x1F780] =	vst v63  }
0x23: {  	_ =	swait.ge [sflag:s7], $0x2800  }
0x24: {  	[sflag:s7] =	ssyncset.done $0x0  }
0x25: {  	[sflag:s7] =	ssyncadd.s32 $0xFFFFD800  }
0x26: {  	[spmem:s24] =	stream.linear.scatter [tilespmem:s6], [sflag:$0x5], $0x2800, $0x38;
	[tilespmem:$0x1F780] =	vst v63  }
0x27: {  	_ =	swait.ge [sflag:s7], $0x2800  }
0x28: {  	[sflag:s7] =	ssyncset.done $0x0  }
0x29: {  	[sflag:s7] =	ssyncadd.s32 $0xFFFFD800  }
0x2a: {  	[spmem:s28] =	stream.linear.scatter [tilespmem:s6], [sflag:$0x5], $0x2800, $0x38;
	[tilespmem:$0x1F780] =	vst v63  }
0x2b: {  	_ =	swait.ge [sflag:s7], $0x2800  }
0x2c: {  	[sflag:s7] =	ssyncset.done $0x0  }
0x2d: {  	[sflag:s7] =	ssyncadd.s32 $0xFFFFD800  }
0x2e: {  	[spmem:s29] =	stream.linear.scatter [tilespmem:s6], [sflag:$0x5], $0x2800, $0x38;
	[tilespmem:$0x1F780] =	vst v63  }
0x2f: {  	_ =	swait.ge [sflag:s7], $0x2800  }
0x30: {  	[sflag:s7] =	ssyncset.done $0x0  }
0x31: {  	[sflag:s7] =	ssyncadd.s32 $0xFFFFD800  }
0x32: {  	[spmem:s30] =	stream.linear.scatter [tilespmem:s6], [sflag:$0x5], $0x2800, $0x38;
	[tilespmem:$0x1F780] =	vst v63  }
0x33: {  	_ =	swait.ge [sflag:s7], $0x2800  }
0x34: {  	[sflag:s7] =	ssyncset.done $0x0  }
0x35: {  	[sflag:s7] =	ssyncadd.s32 $0xFFFFD800  }
0x36: {  	[spmem:s31] =	stream.linear.scatter [tilespmem:s6], [sflag:$0x5], $0x2800, $0x38;
	[tilespmem:$0x1F780] =	vst v63  }
0x37: {  	_ =	swait.ge [sflag:s7], $0x2800  }
0x38: {  	[sflag:s7] =	ssyncset.done $0x0  }
0x39: {  	[sflag:s7] =	ssyncadd.s32 $0xFFFFD800  }
0x3a: {  	[spmem:s2] =	stream.linear.scatter [tilespmem:s6], [sflag:$0x5], $0x2800, $0x38;
	[tilespmem:$0x1F780] =	vst v63  }
0x3b: {  	_ =	swait.ge [sflag:s7], $0x2800  }
0x3c: {  	[sflag:s7] =	ssyncset.done $0x0  }
0x3d: {  	[sflag:s7] =	ssyncadd.s32 $0xFFFFD800  }
0x3e: {  	[spmem:s0] =	stream.linear.scatter [tilespmem:s6], [sflag:$0x5], $0x2800, $0x38;
	[tilespmem:$0x1F780] =	vst v63  }
0x3f: {  	_ =	swait.ge [sflag:s7], $0x2800  }
0x40: {  	[sflag:s7] =	ssyncset.done $0x0  }
0x41: {  	[sflag:s7] =	ssyncadd.s32 $0xFFFFD800  }
0x42: {  	[spmem:s5] =	stream.linear.scatter [tilespmem:s6], [sflag:$0x5], $0x2800, $0x38;
	[tilespmem:$0x1F780] =	vst v63  }
0x43: {  	_ =	swait.ge [sflag:s7], $0x2800  }
0x44: {  	[sflag:s7] =	ssyncset.done $0x0  }
0x45: {  	s16 =	simm.s32 $0x14000;
	[sflag:s7] =	ssyncadd.s32 $0xFFFFD800  }
0x46: {  	[tilespmem:s16], [sflag:$0x5] =	stream.linear.gather [hbm4b:s25+s4], $0x2710, $0x38;
	[tilespmem:$0x1F780] =	vst v63  }
0x47: {  	_ =	swait.ge [sflag:s7], $0x2710  }
0x48: {  	[sflag:s7] =	ssyncset.done $0x0  }
0x49: {  	s18 =	simm.s32 $0x16780;
	s17 =	rddreg [dreg:$0x5];
	[sflag:s7] =	ssyncadd.s32 $0xFFFFD8F0  }
0x4a: {  	[tilespmem:s18], [sflag:$0x5] =	stream.linear.gather [hbm4b:s17+s4], $0x3E80, $0x38;
	[tilespmem:$0x1F780] =	vst v63  }
0x4b: {  	_ =	swait.ge [sflag:s7], $0x3E80  }
0x4c: {  	[sflag:s7] =	ssyncset.done $0x0  }
0x4d: {  	[sflag:s7] =	ssyncadd.s32 $0xFFFFC180  }
0x4e: {  	s19 =	simm.s32 $0x14000;
	[bflag:$0x0] =	sbarrier.arrive $0xFFFF  }
0x4f: {  	[tilespmem:s6], [sflag:$0x1] =	stream.indirect.gather [hbm4b:s1+s8], $0x80, s19, s8, $0xb8;
	[tilespmem:$0x1F780] =	vst v63  }
0x50: {  	s20 =	simm.s32 $0x14050  }
0x51: {  	[tilespmem:s9], [sflag:$0x2] =	stream.indirect.gather [hbm4b:s1+s8], $0x80, s20, s8, $0xb8;
	[tilespmem:$0x1F780] =	vst v63  }
0x52: {  	_ =	swait.ge [sflag:s10], $0x2800  }
0x53: {  	[sflag:s10] =	ssyncset.done $0x0  }
0x54: {  	[sflag:s10] =	ssyncadd.s32 $0xFFFFD800  }
0x55: {  	[spmem:s3] =	stream.indirect.scatter.add.f32 [tilespmem:s6], [sflag:$0x3], $0x80, s18, s8, $0xb8;
	[tilespmem:$0x1F780] =	vst v63  }
0x56: {  	_ =	swait.ge [sflag:s11], $0x2800  }
0x57: {  	[sflag:s11] =	ssyncset.done $0x0  }
0x58: {  	s21 =	simm.s32 $0x16800;
	[sflag:s11] =	ssyncadd.s32 $0xFFFFD800  }
0x59: {  	[spmem:s3] =	stream.indirect.scatter.add.f32 [tilespmem:s9], [sflag:$0x4], $0x80, s21, s8, $0xb8;
	[tilespmem:$0x1F780] =	vst v63  }
0x5a: {  	_ =	swait.ge [sflag:s12], $0x2800  }
0x5b: {  	[sflag:s12] =	ssyncset.done $0x0  }
0x5c: {  	[sflag:s12] =	ssyncadd.s32 $0xFFFFD800  }
0x5d: {  	s16 =	simm.s32 $0x16880;
	_ =	swait.ge [sflag:s13], $0x2800  }
0x5e: {  	s17 =	simm.s32 $0xA0;
	s18 =	simm.s32 $0x500;
	[sflag:s13] =	ssyncset.done $0x0  }
.LBB2_2:
0x5f: {  	s19 =	sadd.s32 $0x14000, s17  }
0x60: {  	[sflag:s13] =	ssyncadd.s32 $0xFFFFD800;
	s20 =	smov.u32 s18;
	s21 =	sadd.s32 $0x280, s18  }
0x61: {  	[tilespmem:s6], [sflag:$0x1] =	stream.indirect.gather [hbm4b:s1+s8], $0x80, s19, s8, $0xb8;
	[tilespmem:$0x1F780] =	vst v63  }
0x62: {  	p0 =	sne.s32 s18, $0x9880;
	s17 =	sadd.s32 $0x14050, s17  }
0x63: {  	[tilespmem:s9], [sflag:$0x2] =	stream.indirect.gather [hbm4b:s1+s8], $0x80, s17, s8, $0xb8;
	[tilespmem:$0x1F780] =	vst v63  }
0x64: {  	_ =	swait.ge [sflag:s10], $0x2800  }
0x65: {  	[sflag:s10] =	ssyncset.done $0x0  }
0x66: {  	[sflag:s10] =	ssyncadd.s32 $0xFFFFD800  }
0x67: {  	[spmem:s3] =	stream.indirect.scatter.add.f32 [tilespmem:s6], [sflag:$0x3], $0x80, s16, s8, $0xb8;
	[tilespmem:$0x1F780] =	vst v63  }
0x68: {  	_ =	swait.ge [sflag:s11], $0x2800  }
0x69: {  	[sflag:s11] =	ssyncset.done $0x0  }
0x6a: {  	s17 =	sadd.s32 $0x80, s16;
	[sflag:s11] =	ssyncadd.s32 $0xFFFFD800  }
0x6b: {  	[spmem:s3] =	stream.indirect.scatter.add.f32 [tilespmem:s9], [sflag:$0x4], $0x80, s17, s8, $0xb8;
	[tilespmem:$0x1F780] =	vst v63  }
.Ltmp0:
0x6c: {  	_ =	swait.ge [sflag:s12], $0x2800;
	(pc) =	sbr.rel @p0 .LBB2_2-.Ltmp0, $4  }
0x6d: {  	[sflag:s12] =	ssyncset.done $0x0  }
0x6e: {  	[sflag:s12] =	ssyncadd.s32 $0xFFFFD800  }
0x6f: {  	s18 =	smov.u32 s21;
	_ =	swait.ge [sflag:s13], $0x2800  }
0x70: {  	s16 =	sadd.s32 $0x100, s16;
	s17 =	sshra.s32 s20, $0x2;
	[sflag:s13] =	ssyncset.done $0x0  }
0x71: {  	s18 =	sadd.s32 $0x14000, s17;
	[sflag:s13] =	ssyncadd.s32 $0xFFFFD800  }
0x72: {  	[tilespmem:s6], [sflag:$0x1] =	stream.indirect.gather [hbm4b:s1+s8], $0x80, s18, s8, $0xb8;
	[tilespmem:$0x1F780] =	vst v63  }
0x73: {  	s21 =	sadd.s32 $0x14050, s17  }
0x74: {  	[tilespmem:s9], [sflag:$0x2] =	stream.indirect.gather [hbm4b:s1+s8], $0x80, s21, s8, $0xb8;
	[tilespmem:$0x1F780] =	vst v63  }
0x75: {  	_ =	swait.ge [sflag:s10], $0x2800  }
0x76: {  	[sflag:s10] =	ssyncset.done $0x0  }
0x77: {  	[sflag:s10] =	ssyncadd.s32 $0xFFFFD800  }
0x78: {  	[spmem:s3] =	stream.indirect.scatter.add.f32 [tilespmem:s6], [sflag:$0x3], $0x80, s16, s8, $0xb8;
	[tilespmem:$0x1F780] =	vst v63  }
0x79: {  	_ =	swait.ge [sflag:s11], $0x2800  }
0x7a: {  	[sflag:s11] =	ssyncset.done $0x0  }
0x7b: {  	s18 =	sadd.s32 $0x80, s16;
	[sflag:s11] =	ssyncadd.s32 $0xFFFFD800  }
0x7c: {  	[spmem:s3] =	stream.indirect.scatter.add.f32 [tilespmem:s9], [sflag:$0x4], $0x80, s18, s8, $0xb8;
	[tilespmem:$0x1F780] =	vst v63  }
0x7d: {  	_ =	swait.ge [sflag:s12], $0x2800  }
0x7e: {  	[sflag:s12] =	ssyncset.done $0x0  }
0x7f: {  	[sflag:s12] =	ssyncadd.s32 $0xFFFFD800  }
0x80: {  	_ =	swait.ge [sflag:s13], $0x2800  }
0x81: {  	[sflag:s13] =	ssyncset.done $0x0  }
0x82: {  	s19 =	simm.s32 $0x166C0;
	[sflag:s13] =	ssyncadd.s32 $0xFFFFD800  }
0x83: {  	[tilespmem:s6], [sflag:$0x1] =	stream.indirect.gather [hbm4b:s1+s8], $0x80, s19, s8, $0xb8;
	[tilespmem:$0x1F780] =	vst v63  }
0x84: {  	_ =	swait.ge [sflag:s10], $0x2800  }
0x85: {  	[sflag:s10] =	ssyncset.done $0x0  }
0x86: {  	[sflag:s10] =	ssyncadd.s32 $0xFFFFD800  }
0x87: {  	[spmem:s3] =	stream.indirect.scatter.add.f32 [tilespmem:s6], [sflag:$0x3], $0x80, s14, s8, $0xb8;
	[tilespmem:$0x1F780] =	vst v63  }
0x88: {  	_ =	swait.ge [sflag:s12], $0x2800  }
0x89: {  	[sflag:s12] =	ssyncset.done $0x0  }
0x8a: {  	[sflag:s12] =	ssyncadd.s32 $0xFFFFD800  }
0x8b: {  	[bflag:$0x0] =	sbarrier.arrive $0xFFFF  }
0x8c: {  	[tilespmem:s6], [sflag:$0x5] =	stream.linear.gather [spmem:s24], $0x2800, $0x38;
	[tilespmem:$0x1F780] =	vst v63  }
0x8d: {  	_ =	swait.ge [sflag:s7], $0x2800  }
0x8e: {  	[sflag:s7] =	ssyncset.done $0x0  }
0x8f: {  	s16 =	simm.s32 $0x0;
	s20 =	rddreg [dreg:$0x6];
	[sflag:s7] =	ssyncadd.s32 $0xFFFFD800  }
0x90: {  	[hbm4b:s20+s16] =	stream.linear.scatter [tilespmem:s6], [sflag:$0x5], $0x2800, $0x38;
	[tilespmem:$0x1F780] =	vst v63  }
0x91: {  	_ =	swait.ge [sflag:s7], $0x2800  }
0x92: {  	[sflag:s7] =	ssyncset.done $0x0  }
0x93: {  	[sflag:s7] =	ssyncadd.s32 $0xFFFFD800  }
0x94: {  	[tilespmem:s9], [sflag:$0x5] =	stream.linear.gather [spmem:s28], $0x2800, $0x38;
	[tilespmem:$0x1F780] =	vst v63  }
0x95: {  	_ =	swait.ge [sflag:s7], $0x2800  }
0x96: {  	[sflag:s7] =	ssyncset.done $0x0  }
0x97: {  	s21 =	rddreg [dreg:$0x7];
	[sflag:s7] =	ssyncadd.s32 $0xFFFFD800  }
0x98: {  	[hbm4b:s21+s16] =	stream.linear.scatter [tilespmem:s9], [sflag:$0x5], $0x2800, $0x38;
	[tilespmem:$0x1F780] =	vst v63  }
0x99: {  	_ =	swait.ge [sflag:s7], $0x2800  }
0x9a: {  	[sflag:s7] =	ssyncset.done $0x0  }
0x9b: {  	[sflag:s7] =	ssyncadd.s32 $0xFFFFD800  }
0x9c: {  	[tilespmem:s6], [sflag:$0x5] =	stream.linear.gather [spmem:s29], $0x2800, $0x38;
	[tilespmem:$0x1F780] =	vst v63  }
0x9d: {  	_ =	swait.ge [sflag:s7], $0x2800  }
0x9e: {  	[sflag:s7] =	ssyncset.done $0x0  }
0x9f: {  	s18 =	rddreg [dreg:$0x8];
	[sflag:s7] =	ssyncadd.s32 $0xFFFFD800  }
0xa0: {  	[hbm4b:s18+s16] =	stream.linear.scatter [tilespmem:s6], [sflag:$0x5], $0x2800, $0x38;
	[tilespmem:$0x1F780] =	vst v63  }
0xa1: {  	_ =	swait.ge [sflag:s7], $0x2800  }
0xa2: {  	[sflag:s7] =	ssyncset.done $0x0  }
0xa3: {  	[sflag:s7] =	ssyncadd.s32 $0xFFFFD800  }
0xa4: {  	[tilespmem:s9], [sflag:$0x5] =	stream.linear.gather [spmem:s30], $0x2800, $0x38;
	[tilespmem:$0x1F780] =	vst v63  }
0xa5: {  	_ =	swait.ge [sflag:s7], $0x2800  }
0xa6: {  	[sflag:s7] =	ssyncset.done $0x0  }
0xa7: {  	s19 =	rddreg [dreg:$0x9];
	[sflag:s7] =	ssyncadd.s32 $0xFFFFD800  }
0xa8: {  	[hbm4b:s19+s16] =	stream.linear.scatter [tilespmem:s9], [sflag:$0x5], $0x2800, $0x38;
	[tilespmem:$0x1F780] =	vst v63  }
0xa9: {  	_ =	swait.ge [sflag:s7], $0x2800  }
0xaa: {  	[sflag:s7] =	ssyncset.done $0x0  }
0xab: {  	[sflag:s7] =	ssyncadd.s32 $0xFFFFD800  }
0xac: {  	[tilespmem:s6], [sflag:$0x5] =	stream.linear.gather [spmem:s31], $0x2800, $0x38;
	[tilespmem:$0x1F780] =	vst v63  }
0xad: {  	_ =	swait.ge [sflag:s7], $0x2800  }
0xae: {  	[sflag:s7] =	ssyncset.done $0x0  }
0xaf: {  	s20 =	rddreg [dreg:$0xa];
	[sflag:s7] =	ssyncadd.s32 $0xFFFFD800  }
0xb0: {  	[hbm4b:s20+s16] =	stream.linear.scatter [tilespmem:s6], [sflag:$0x5], $0x2800, $0x38;
	[tilespmem:$0x1F780] =	vst v63  }
0xb1: {  	_ =	swait.ge [sflag:s7], $0x2800  }
0xb2: {  	[sflag:s7] =	ssyncset.done $0x0  }
0xb3: {  	[sflag:s7] =	ssyncadd.s32 $0xFFFFD800  }
0xb4: {  	[tilespmem:s9], [sflag:$0x5] =	stream.linear.gather [spmem:s2], $0x2800, $0x38;
	[tilespmem:$0x1F780] =	vst v63  }
0xb5: {  	_ =	swait.ge [sflag:s7], $0x2800  }
0xb6: {  	[sflag:s7] =	ssyncset.done $0x0  }
0xb7: {  	s21 =	rddreg [dreg:$0xb];
	[sflag:s7] =	ssyncadd.s32 $0xFFFFD800  }
0xb8: {  	[hbm4b:s21+s16] =	stream.linear.scatter [tilespmem:s9], [sflag:$0x5], $0x2800, $0x38;
	[tilespmem:$0x1F780] =	vst v63  }
0xb9: {  	_ =	swait.ge [sflag:s7], $0x2800  }
0xba: {  	[sflag:s7] =	ssyncset.done $0x0  }
0xbb: {  	[sflag:s7] =	ssyncadd.s32 $0xFFFFD800  }
0xbc: {  	[tilespmem:s6], [sflag:$0x5] =	stream.linear.gather [spmem:s0], $0x2800, $0x38;
	[tilespmem:$0x1F780] =	vst v63  }
0xbd: {  	_ =	swait.ge [sflag:s7], $0x2800  }
0xbe: {  	[sflag:s7] =	ssyncset.done $0x0  }
0xbf: {  	s18 =	rddreg [dreg:$0xc];
	[sflag:s7] =	ssyncadd.s32 $0xFFFFD800  }
0xc0: {  	[hbm4b:s18+s16] =	stream.linear.scatter [tilespmem:s6], [sflag:$0x5], $0x2800, $0x38;
	[tilespmem:$0x1F780] =	vst v63  }
0xc1: {  	_ =	swait.ge [sflag:s7], $0x2800  }
0xc2: {  	[sflag:s7] =	ssyncset.done $0x0  }
0xc3: {  	[sflag:s7] =	ssyncadd.s32 $0xFFFFD800  }
0xc4: {  	[tilespmem:s9], [sflag:$0x5] =	stream.linear.gather [spmem:s5], $0x2800, $0x38;
	[tilespmem:$0x1F780] =	vst v63  }
0xc5: {  	_ =	swait.ge [sflag:s7], $0x2800  }
0xc6: {  	[sflag:s7] =	ssyncset.done $0x0  }
0xc7: {  	s19 =	rddreg [dreg:$0xd];
	[sflag:s7] =	ssyncadd.s32 $0xFFFFD800  }
0xc8: {  	[hbm4b:s19+s16] =	stream.linear.scatter [tilespmem:s9], [sflag:$0x5], $0x2800, $0x38;
	[tilespmem:$0x1F780] =	vst v63  }
0xc9: {  	_ =	swait.ge [sflag:s7], $0x2800  }
0xca: {  	[sflag:s7] =	ssyncset.done $0x0  }
0xcb: {  	[sflag:s7] =	ssyncadd.s32 $0xFFFFD800  }
0xcc: {  	[tilespmem:s6], [sflag:$0x5] =	stream.linear.gather [hbm4b:s22+s16], $0x2800, $0x38;
	[tilespmem:$0x1F780] =	vst v63  }
0xcd: {  	_ =	swait.ge [sflag:s7], $0x2800  }
0xce: {  	[sflag:s7] =	ssyncset.done $0x0  }
0xcf: {  	[sflag:s7] =	ssyncadd.s32 $0xFFFFD800  }
0xd0: {  	[spmem:s24] =	stream.linear.scatter [tilespmem:s6], [sflag:$0x5], $0x2800, $0x38;
	[tilespmem:$0x1F780] =	vst v63  }
0xd1: {  	_ =	swait.ge [sflag:s7], $0x2800  }
0xd2: {  	[sflag:s7] =	ssyncset.done $0x0  }
0xd3: {  	[sflag:s7] =	ssyncadd.s32 $0xFFFFD800  }
0xd4: {  	[spmem:s28] =	stream.linear.scatter [tilespmem:s6], [sflag:$0x5], $0x2800, $0x38;
	[tilespmem:$0x1F780] =	vst v63  }
0xd5: {  	_ =	swait.ge [sflag:s7], $0x2800  }
0xd6: {  	[sflag:s7] =	ssyncset.done $0x0  }
0xd7: {  	[sflag:s7] =	ssyncadd.s32 $0xFFFFD800  }
0xd8: {  	[spmem:s29] =	stream.linear.scatter [tilespmem:s6], [sflag:$0x5], $0x2800, $0x38;
	[tilespmem:$0x1F780] =	vst v63  }
0xd9: {  	_ =	swait.ge [sflag:s7], $0x2800  }
0xda: {  	[sflag:s7] =	ssyncset.done $0x0  }
0xdb: {  	[sflag:s7] =	ssyncadd.s32 $0xFFFFD800  }
0xdc: {  	[spmem:s30] =	stream.linear.scatter [tilespmem:s6], [sflag:$0x5], $0x2800, $0x38;
	[tilespmem:$0x1F780] =	vst v63  }
0xdd: {  	_ =	swait.ge [sflag:s7], $0x2800  }
0xde: {  	[sflag:s7] =	ssyncset.done $0x0  }
0xdf: {  	[sflag:s7] =	ssyncadd.s32 $0xFFFFD800  }
0xe0: {  	[spmem:s31] =	stream.linear.scatter [tilespmem:s6], [sflag:$0x5], $0x2800, $0x38;
	[tilespmem:$0x1F780] =	vst v63  }
0xe1: {  	_ =	swait.ge [sflag:s7], $0x2800  }
0xe2: {  	[sflag:s7] =	ssyncset.done $0x0  }
0xe3: {  	[sflag:s7] =	ssyncadd.s32 $0xFFFFD800  }
0xe4: {  	[spmem:s2] =	stream.linear.scatter [tilespmem:s6], [sflag:$0x5], $0x2800, $0x38;
	[tilespmem:$0x1F780] =	vst v63  }
0xe5: {  	_ =	swait.ge [sflag:s7], $0x2800  }
0xe6: {  	[sflag:s7] =	ssyncset.done $0x0  }
0xe7: {  	[sflag:s7] =	ssyncadd.s32 $0xFFFFD800  }
0xe8: {  	[spmem:s0] =	stream.linear.scatter [tilespmem:s6], [sflag:$0x5], $0x2800, $0x38;
	[tilespmem:$0x1F780] =	vst v63  }
0xe9: {  	_ =	swait.ge [sflag:s7], $0x2800  }
0xea: {  	[sflag:s7] =	ssyncset.done $0x0  }
0xeb: {  	[sflag:s7] =	ssyncadd.s32 $0xFFFFD800  }
0xec: {  	[spmem:s5] =	stream.linear.scatter [tilespmem:s6], [sflag:$0x5], $0x2800, $0x38;
	[tilespmem:$0x1F780] =	vst v63  }
0xed: {  	_ =	swait.ge [sflag:s7], $0x2800  }
0xee: {  	[sflag:s7] =	ssyncset.done $0x0  }
0xef: {  	[sflag:s7] =	ssyncadd.s32 $0xFFFFD800  }
0xf0: {  	[tilespmem:s9], [sflag:$0x5] =	stream.linear.gather [hbm4b:s23+s16], $0x2800, $0x38;
	[tilespmem:$0x1F780] =	vst v63  }
0xf1: {  	_ =	swait.ge [sflag:s7], $0x2800  }
0xf2: {  	[sflag:s7] =	ssyncset.done $0x0  }
0xf3: {  	[sflag:s7] =	ssyncadd.s32 $0xFFFFD800  }
0xf4: {  	s20 =	simm.s32 $0x16780;
	[bflag:$0x0] =	sbarrier.arrive $0xFFFF  }
0xf5: {  	[spmem:s3] =	stream.indirect.scatter.add.f32 [tilespmem:s9], [sflag:$0x3], $0x80, s20, s8, $0xb8;
	[tilespmem:$0x1F780] =	vst v63  }
0xf6: {  	s21 =	simm.s32 $0x16800  }
0xf7: {  	[spmem:s3] =	stream.indirect.scatter.add.f32 [tilespmem:s9], [sflag:$0x4], $0x80, s21, s8, $0xb8;
	[tilespmem:$0x1F780] =	vst v63  }
0xf8: {  	_ =	swait.ge [sflag:s12], $0x2800  }
0xf9: {  	[sflag:s12] =	ssyncset.done $0x0  }
0xfa: {  	[sflag:s12] =	ssyncadd.s32 $0xFFFFD800  }
0xfb: {  	_ =	swait.ge [sflag:s13], $0x2800  }
0xfc: {  	s17 =	simm.s32 $0x800;
	s16 =	simm.s32 $0x100;
	[sflag:s13] =	ssyncset.done $0x0  }
.LBB2_4:
0xfd: {  	s18 =	sadd.s32 $0x16780, s16  }
0xfe: {  	[sflag:s13] =	ssyncadd.s32 $0xFFFFD800;
	s19 =	smov.u32 s17;
	s20 =	sadd.s32 $0x400, s17  }
0xff: {  	[spmem:s3] =	stream.indirect.scatter.add.f32 [tilespmem:s9], [sflag:$0x3], $0x80, s18, s8, $0xb8;
	[tilespmem:$0x1F780] =	vst v63  }
0x100: {  	p0 =	sne.s32 s17, $0xF400;
	s16 =	sadd.s32 $0x16800, s16  }
0x101: {  	[spmem:s3] =	stream.indirect.scatter.add.f32 [tilespmem:s9], [sflag:$0x4], $0x80, s16, s8, $0xb8;
	[tilespmem:$0x1F780] =	vst v63  }
.Ltmp1:
0x102: {  	_ =	swait.ge [sflag:s12], $0x2800;
	(pc) =	sbr.rel @p0 .LBB2_4-.Ltmp1, $4  }
0x103: {  	[sflag:s12] =	ssyncset.done $0x0  }
0x104: {  	[sflag:s12] =	ssyncadd.s32 $0xFFFFD800  }
0x105: {  	_ =	swait.ge [sflag:s13], $0x2800  }
0x106: {  	s17 =	smov.u32 s20;
	s16 =	sshra.s32 s19, $0x2;
	[sflag:s13] =	ssyncset.done $0x0  }
0x107: {  	s17 =	sadd.s32 $0x16780, s16;
	[sflag:s13] =	ssyncadd.s32 $0xFFFFD800  }
0x108: {  	[spmem:s3] =	stream.indirect.scatter.add.f32 [tilespmem:s9], [sflag:$0x3], $0x80, s17, s8, $0xb8;
	[tilespmem:$0x1F780] =	vst v63  }
0x109: {  	s18 =	sadd.s32 $0x16800, s16  }
0x10a: {  	[spmem:s3] =	stream.indirect.scatter.add.f32 [tilespmem:s9], [sflag:$0x4], $0x80, s18, s8, $0xb8;
	[tilespmem:$0x1F780] =	vst v63  }
0x10b: {  	_ =	swait.ge [sflag:s12], $0x2800  }
0x10c: {  	[sflag:s12] =	ssyncset.done $0x0  }
0x10d: {  	[sflag:s12] =	ssyncadd.s32 $0xFFFFD800  }
0x10e: {  	_ =	swait.ge [sflag:s13], $0x2800  }
0x10f: {  	[sflag:s13] =	ssyncset.done $0x0  }
0x110: {  	[sflag:s13] =	ssyncadd.s32 $0xFFFFD800  }
0x111: {  	[spmem:s3] =	stream.indirect.scatter.add.f32 [tilespmem:s9], [sflag:$0x3], $0x80, s14, s8, $0xb8;
	[tilespmem:$0x1F780] =	vst v63  }
0x112: {  	_ =	swait.ge [sflag:s12], $0x2800  }
0x113: {  	[sflag:s12] =	ssyncset.done $0x0  }
0x114: {  	[sflag:s12] =	ssyncadd.s32 $0xFFFFD800  }
0x115: {  	[bflag:$0x0] =	sbarrier.arrive $0xFFFF  }
0x116: {  	[tilespmem:s6], [sflag:$0x5] =	stream.linear.gather [spmem:s24], $0x2800, $0x38;
	[tilespmem:$0x1F780] =	vst v63  }
0x117: {  	_ =	swait.ge [sflag:s7], $0x2800  }
0x118: {  	[sflag:s7] =	ssyncset.done $0x0  }
0x119: {  	s19 =	rddreg [dreg:$0xe];
	[sflag:s7] =	ssyncadd.s32 $0xFFFFD800  }
0x11a: {  	[hbm4b:s19+s4] =	stream.linear.scatter [tilespmem:s6], [sflag:$0x5], $0x2800, $0x38;
	[tilespmem:$0x1F780] =	vst v63  }
0x11b: {  	_ =	swait.ge [sflag:s7], $0x2800  }
0x11c: {  	[sflag:s7] =	ssyncset.done $0x0  }
0x11d: {  	[sflag:s7] =	ssyncadd.s32 $0xFFFFD800  }
0x11e: {  	[tilespmem:s9], [sflag:$0x5] =	stream.linear.gather [spmem:s28], $0x2800, $0x38;
	[tilespmem:$0x1F780] =	vst v63  }
0x11f: {  	_ =	swait.ge [sflag:s7], $0x2800  }
0x120: {  	[sflag:s7] =	ssyncset.done $0x0  }
0x121: {  	s20 =	rddreg [dreg:$0xf];
	[sflag:s7] =	ssyncadd.s32 $0xFFFFD800  }
0x122: {  	[hbm4b:s20+s4] =	stream.linear.scatter [tilespmem:s9], [sflag:$0x5], $0x2800, $0x38;
	[tilespmem:$0x1F780] =	vst v63  }
0x123: {  	_ =	swait.ge [sflag:s7], $0x2800  }
0x124: {  	[sflag:s7] =	ssyncset.done $0x0  }
0x125: {  	[sflag:s7] =	ssyncadd.s32 $0xFFFFD800  }
0x126: {  	[tilespmem:s6], [sflag:$0x5] =	stream.linear.gather [spmem:s29], $0x2800, $0x38;
	[tilespmem:$0x1F780] =	vst v63  }
0x127: {  	_ =	swait.ge [sflag:s7], $0x2800  }
0x128: {  	[sflag:s7] =	ssyncset.done $0x0  }
0x129: {  	s21 =	rddreg [dreg:$0x10];
	[sflag:s7] =	ssyncadd.s32 $0xFFFFD800  }
0x12a: {  	[hbm4b:s21+s4] =	stream.linear.scatter [tilespmem:s6], [sflag:$0x5], $0x2800, $0x38;
	[tilespmem:$0x1F780] =	vst v63  }
0x12b: {  	_ =	swait.ge [sflag:s7], $0x2800  }
0x12c: {  	[sflag:s7] =	ssyncset.done $0x0  }
0x12d: {  	[sflag:s7] =	ssyncadd.s32 $0xFFFFD800  }
0x12e: {  	[tilespmem:s9], [sflag:$0x5] =	stream.linear.gather [spmem:s30], $0x2800, $0x38;
	[tilespmem:$0x1F780] =	vst v63  }
0x12f: {  	_ =	swait.ge [sflag:s7], $0x2800  }
0x130: {  	[sflag:s7] =	ssyncset.done $0x0  }
0x131: {  	s17 =	rddreg [dreg:$0x11];
	[sflag:s7] =	ssyncadd.s32 $0xFFFFD800  }
0x132: {  	[hbm4b:s17+s4] =	stream.linear.scatter [tilespmem:s9], [sflag:$0x5], $0x2800, $0x38;
	[tilespmem:$0x1F780] =	vst v63  }
0x133: {  	_ =	swait.ge [sflag:s7], $0x2800  }
0x134: {  	[sflag:s7] =	ssyncset.done $0x0  }
0x135: {  	[sflag:s7] =	ssyncadd.s32 $0xFFFFD800  }
0x136: {  	[tilespmem:s6], [sflag:$0x5] =	stream.linear.gather [spmem:s31], $0x2800, $0x38;
	[tilespmem:$0x1F780] =	vst v63  }
0x137: {  	_ =	swait.ge [sflag:s7], $0x2800  }
0x138: {  	[sflag:s7] =	ssyncset.done $0x0  }
0x139: {  	s18 =	rddreg [dreg:$0x12];
	[sflag:s7] =	ssyncadd.s32 $0xFFFFD800  }
0x13a: {  	[hbm4b:s18+s4] =	stream.linear.scatter [tilespmem:s6], [sflag:$0x5], $0x2800, $0x38;
	[tilespmem:$0x1F780] =	vst v63  }
0x13b: {  	_ =	swait.ge [sflag:s7], $0x2800  }
0x13c: {  	[sflag:s7] =	ssyncset.done $0x0  }
0x13d: {  	[sflag:s7] =	ssyncadd.s32 $0xFFFFD800  }
0x13e: {  	[tilespmem:s9], [sflag:$0x5] =	stream.linear.gather [spmem:s2], $0x2800, $0x38;
	[tilespmem:$0x1F780] =	vst v63  }
0x13f: {  	_ =	swait.ge [sflag:s7], $0x2800  }
0x140: {  	[sflag:s7] =	ssyncset.done $0x0  }
0x141: {  	s19 =	rddreg [dreg:$0x13];
	[sflag:s7] =	ssyncadd.s32 $0xFFFFD800  }
0x142: {  	[hbm4b:s19+s4] =	stream.linear.scatter [tilespmem:s9], [sflag:$0x5], $0x2800, $0x38;
	[tilespmem:$0x1F780] =	vst v63  }
0x143: {  	_ =	swait.ge [sflag:s7], $0x2800  }
0x144: {  	[sflag:s7] =	ssyncset.done $0x0  }
0x145: {  	[sflag:s7] =	ssyncadd.s32 $0xFFFFD800  }
0x146: {  	[tilespmem:s6], [sflag:$0x5] =	stream.linear.gather [spmem:s0], $0x2800, $0x38;
	[tilespmem:$0x1F780] =	vst v63  }
0x147: {  	_ =	swait.ge [sflag:s7], $0x2800  }
0x148: {  	[sflag:s7] =	ssyncset.done $0x0  }
0x149: {  	s20 =	rddreg [dreg:$0x14];
	[sflag:s7] =	ssyncadd.s32 $0xFFFFD800  }
0x14a: {  	[hbm4b:s20+s4] =	stream.linear.scatter [tilespmem:s6], [sflag:$0x5], $0x2800, $0x38;
	[tilespmem:$0x1F780] =	vst v63  }
0x14b: {  	_ =	swait.ge [sflag:s7], $0x2800  }
0x14c: {  	[sflag:s7] =	ssyncset.done $0x0  }
0x14d: {  	[sflag:s7] =	ssyncadd.s32 $0xFFFFD800  }
0x14e: {  	[tilespmem:s9], [sflag:$0x5] =	stream.linear.gather [spmem:s5], $0x2800, $0x38;
	[tilespmem:$0x1F780] =	vst v63  }
0x14f: {  	s15 =	sadd.s32 $0x1, s15;
	_ =	swait.ge [sflag:s7], $0x2800  }
0x150: {  	p0 =	sne.s32 s15, s26;
	[sflag:s7] =	ssyncset.done $0x0  }
.Ltmp2:
0x151: {  	s21 =	rddreg [dreg:$0x15];
	[sflag:s7] =	ssyncadd.s32 $0xFFFFD800;
	(pc) =	sbr.rel @p0 .LBB2_1-.Ltmp2, $4  }
0x152: {  	[hbm4b:s21+s4] =	stream.linear.scatter [tilespmem:s9], [sflag:$0x5], $0x2800, $0x38;
	[tilespmem:$0x1F780] =	vst v63  }
0x153: {  	_ =	swait.ge [sflag:s7], $0x2800  }
0x154: {  	[sflag:s7] =	ssyncset.done $0x0  }
0x155: {  	[sflag:s7] =	ssyncadd.s32 $0xFFFFD800  }
0x156: {  	_ =	sfence.sel $0x180000  }
0x157: {  	[bflag:$0x0] =	sbarrier.arrive $0xFFFF  }
0x158: {  	_ =	strace $0x90000047  }
0x159: {  	s0 =	stileid.u32;
	[bflag:$0x2] =	sbarrier.arrive $0xFFFF  }
0x15a: {  	p0 =	sne.s32 s0, $0x0;
	s0 =	rddreg [dreg:$0x4]  }
0x15b: {  	s0 =	sadd.s32 @!p0 $0x100000, s0  }
0x15c: {  	[sflag:s0] =	ssyncadd.tile.s32 @!p0 $0x1;
	_ =	shalt  }
.Lfunc_end2:
_tile_overlayer_lowered:
.L_overlay_start_2:
0x15d: {  	(tag) =	ssettag $0x2  }
0x15e: {  	s0 =	rddreg [dreg:$0x0];
	s2 =	stileid.u32  }
0x15f: {  	s1 =	rddreg [dreg:$0x1];
	p0 =	sne.s32 s2, $0x0  }
0x160: {  	s3 =	rddreg [dreg:$0x2];
	[bflag:$0x3] =	sbarrier.arrive $0xFFFF;
	s2 =	simm.s32 @!p0 $0x1C05  }
0x161: {  	[timem:s3], [sflag:s2] =	dma.local @!p0 [hbm:s0], s1  }
0x162: {  	s0 =	simm.s32 @!p0 $0x5  }
0x163: {  	_ =	swait.ge @!p0 [sflag:s0], s1  }
0x164: {  	s1 =	ssub.s32 @!p0 $0x0, s1;
	[sflag:s0] =	ssyncset.done @!p0 $0x0  }
0x165: {  	[sflag:s0] =	ssyncadd.s32 @!p0 s1  }
0x166: {  	[bflag:$0x3] =	sbarrier.arrive $0xFFFF  }
0x167: {  	_ =	shalt  }

// kernel: kernel.9.cloned.1.call-start
scs
__scs_entry_jumppad:
0x0: {  	(pc) =	sbr.rel $0x88, $3  }
0x1: {  	(tag) =	ssettag $0x0;
	lr =	simm.s32 $0x1  }
0x2: {  	[smem:$0x3F9B] =	sst lr;
	_ =	strace $0xD0000000  }
0x3: {  	_ = 	snop  }
0x4: {  	_ = 	snop  }
0x5: {  	_ = 	snop  }
0x6: {  	_ = 	snop  }
0x7: {  	_ = 	snop  }
__scs_overlays_trampoline_lowered:
0x8: {  	[smem:$0x3FAA] =	sst s0  }
0x9: {  	[smem:$0x3FAB] =	sst s1  }
0xa: {  	[smem:$0x3FAC] =	sst s2  }
0xb: {  	[smem:$0x3FAD] =	sst s3  }
0xc: {  	[smem:$0x3FAE] =	sst s4  }
0xd: {  	[smem:$0x3FAF] =	sst s5  }
0xe: {  	[smem:$0x3FB0] =	sst s6  }
0xf: {  	[smem:$0x3FB1] =	sst s7  }
0x10: {  	[smem:$0x3FB2] =	sst s8  }
0x11: {  	[smem:$0x3FB3] =	sst s9;
	s0 =	simm.s32 @!p0 $0x0  }
0x12: {  	s1 =	sld [smem:$0x3F99];
	s0 =	simm.s32 @p0 $0x1  }
0x13: {  	[smem:$0x3FB4] =	sst s0;
	s0 =	simm.s32 @!p1 $0x0  }
0x14: {  	s2 =	sld [smem:$0x3F98];
	s0 =	simm.s32 @p1 $0x1  }
0x15: {  	[smem:$0x3FB5] =	sst s0;
	s0 =	simm.s32 @!p2 $0x0  }
0x16: {  	s3 =	sld [smem:$0x3FDB];
	s0 =	simm.s32 @p2 $0x1  }
0x17: {  	s4 =	simm.s32 $0x1BF5;
	[smem:$0x3FB7] =	sst s0  }
0x18: {  	s0 =	sld [smem:$0x3F9A];
	_ =	swait.ge [sflag:s4], $0x0  }
0x19: {  	s7 =	sld [smem:$0x3F9B]  }
0x1a: {  	s8 =	sadd.s32 $0xFFFFE003, lr  }
0x1b: {  	s9 =	sadd.s32 $0xFFFFFEF7, lr;
	s5 =	simm.s32 $0xFFFFFFFF;
	p2 =	slt.u32 s8, $0xFFFFF086  }
0x1c: {  	p1 =	slt.u32 s9, $0xF7A;
	s5 =	simm.s32 @!p2 $0x0  }
0x1d: {  	s5 =	simm.s32 @p1 $0x1;
	p0 =	seq.s32 s7, s2  }
0x1e: {  	s7 =	smul.u32 @!p0 $0xF7A, s2;
	p2 =	seq.s32 @!p0 s5, $0x0  }
0x1f: {  	s9 =	smul.u32 $0xF7A, s1;
	s8 =	simm.s32 @!p0 $0x1BF5;
	p2 =	por !p2, p0  }
0x20: {  	[sflag:s8] =	ssyncset.s32 @!p0 $0xFFFFF086;
	s6 =	sadd.s32 @!p0 s3, s7;
	s7 =	simm.s32 @!p0 $0x108  }
0x21: {  	s3 =	sadd.s32 s3, s9;
	s6 =	sadd.s32 @!p0 $0x88, s6;
	s7 =	simm.s32 @p2 $0x1082  }
0x22: {  	[simem:s7], [sflag:s8] =	dma.local @!p0 [hbm:s6], $0xF7A  }
0x23: {  	s9 =	sor.u32 $0xD0000000, s2;
	s6 =	simm.s32 $0x108;
	_ =	swait.ge @!p0 [sflag:s8], $0x0  }
0x24: {  	s3 =	sadd.s32 $0x88, s3;
	s6 =	simm.s32 @!p1 $0x1082;
	[sflag:s4] =	ssyncset.s32 $0xFFFFF086  }
0x25: {  	[simem:s6], [sflag:s4] =	dma.local [hbm:s3], $0xF7A  }
0x26: {  	[smem:$0x3F9B] =	sst s1;
	(tag) =	ssettag s2;
	_ =	strace s9  }
0x27: {  	s1 =	sld [smem:$0x3FAB]  }
0x28: {  	s2 =	sld [smem:$0x3FAC]  }
0x29: {  	s4 =	sld [smem:$0x3FAE]  }
0x2a: {  	p0 =	seq.s32 s5, $0x0;
	s5 =	sld [smem:$0x3FAF]  }
0x2b: {  	s6 =	sld [smem:$0x3FB0]  }
0x2c: {  	s7 =	sld [smem:$0x3FB1]  }
0x2d: {  	s3 =	simm.s32 $0x108;
	s8 =	sld [smem:$0x3FB2]  }
0x2e: {  	s3 =	simm.s32 @!p0 $0x1082;
	s9 =	sld [smem:$0x3FB3]  }
0x2f: {  	lr =	sadd.s32 s0, s3;
	s0 =	sld [smem:$0x3FAA]  }
0x30: {  	s3 =	sld [smem:$0x3FAD]  }
0x31: {  	[smem:$0x3FB6] =	sst s10  }
0x32: {  	s10 =	sld [smem:$0x3FB4];
	_ =	sdelay $0x3  }
0x33: {  	p0 =	seq.s32 s10, $0x1;
	s10 =	sld [smem:$0x3FB6];
	_ =	sdelay $0x3  }
0x34: {  	[smem:$0x3FB6] =	sst s10  }
0x35: {  	s10 =	sld [smem:$0x3FB5];
	_ =	sdelay $0x3  }
0x36: {  	p1 =	seq.s32 s10, $0x1;
	s10 =	sld [smem:$0x3FB6];
	_ =	sdelay $0x3  }
0x37: {  	[smem:$0x3FB6] =	sst s10  }
0x38: {  	s10 =	sld [smem:$0x3FB7]  }
0x39: {  	_ = 	snop;
	(pc) =	sbr.ind lr, $3  }
0x3a: {  	_ = 	snop  }
0x3b: {  	_ = 	snop  }
0x3c: {  	p2 =	seq.s32 s10, $0x1;
	s10 =	sld [smem:$0x3FB6]  }
0x3d: {  	_ =	shalt  }
0x3e: {  	_ =	shalt  }
0x3f: {  	_ =	shalt  }
0x40: {  	_ =	shalt  }
0x41: {  	_ =	shalt  }
0x42: {  	_ =	shalt  }
0x43: {  	_ =	shalt  }
0x44: {  	_ =	shalt  }
0x45: {  	_ =	shalt  }
0x46: {  	_ =	shalt  }
0x47: {  	_ =	shalt  }
0x48: {  	_ =	shalt  }
0x49: {  	_ =	shalt  }
0x4a: {  	_ =	shalt  }
0x4b: {  	_ =	shalt  }
0x4c: {  	_ =	shalt  }
0x4d: {  	_ =	shalt  }
0x4e: {  	_ =	shalt  }
0x4f: {  	_ =	shalt  }
0x50: {  	_ =	shalt  }
0x51: {  	_ =	shalt  }
0x52: {  	_ =	shalt  }
0x53: {  	_ =	shalt  }
0x54: {  	_ =	shalt  }
0x55: {  	_ =	shalt  }
0x56: {  	_ =	shalt  }
0x57: {  	_ =	shalt  }
0x58: {  	_ =	shalt  }
0x59: {  	_ =	shalt  }
0x5a: {  	_ =	shalt  }
0x5b: {  	_ =	shalt  }
0x5c: {  	_ =	shalt  }
0x5d: {  	_ =	shalt  }
0x5e: {  	_ =	shalt  }
0x5f: {  	_ =	shalt  }
0x60: {  	_ =	shalt  }
0x61: {  	_ =	shalt  }
0x62: {  	_ =	shalt  }
0x63: {  	_ =	shalt  }
0x64: {  	_ =	shalt  }
0x65: {  	_ =	shalt  }
0x66: {  	_ =	shalt  }
0x67: {  	_ =	shalt  }
0x68: {  	_ =	shalt  }
0x69: {  	_ =	shalt  }
0x6a: {  	_ =	shalt  }
0x6b: {  	_ =	shalt  }
0x6c: {  	_ =	shalt  }
0x6d: {  	_ =	shalt  }
0x6e: {  	_ =	shalt  }
0x6f: {  	_ =	shalt  }
0x70: {  	_ =	shalt  }
0x71: {  	_ =	shalt  }
0x72: {  	_ =	shalt  }
0x73: {  	_ =	shalt  }
0x74: {  	_ =	shalt  }
0x75: {  	_ =	shalt  }
0x76: {  	_ =	shalt  }
0x77: {  	_ =	shalt  }
0x78: {  	_ =	shalt  }
0x79: {  	_ =	shalt  }
0x7a: {  	_ =	shalt  }
0x7b: {  	_ =	shalt  }
0x7c: {  	_ =	shalt  }
0x7d: {  	_ =	shalt  }
0x7e: {  	_ =	shalt  }
0x7f: {  	_ =	shalt  }
0x80: {  	_ =	shalt  }
0x81: {  	_ =	shalt  }
0x82: {  	_ =	shalt  }
0x83: {  	_ =	shalt  }
0x84: {  	_ =	shalt  }
0x85: {  	_ =	shalt  }
0x86: {  	_ =	shalt  }
0x87: {  	_ =	shalt  }
.Lfunc_end0:
.L_simem_size_0:
called_computation.1_lowered:
.L_overlay_start_0:
0x88: {  	s2 =	sld [smem:$0x3FD9]  }
0x89: {  	s3 =	sld [smem:$0x3FFE];
	_ =	sdelay $0x1  }
0x8a: {  	s1 =	srdreg.scid  }
0x8b: {  	s0 =	sand.u32 $0x1, s1  }
0x8c: {  	s17 =	sshll.u32 s0, $0xA;
	s2 =	sadd.s32 s3, s2  }
0x8d: {  	s2 =	sadd.s32 s2, s17  }
0x8e: {  	[smem:$0x3FC2] =	sst s2  }
0x8f: {  	_ = 	snop  }
0x90: {  	s2 =	sld [smem:$0x3FD0];
	(tm) =	ssettm $0x1  }
0x91: {  	s18 =	sld [smem:$0x3FFB];
	_ =	sdelay $0x3  }
0x92: {  	_ =	strace s18  }
0x93: {  	s3 =	sld [smem:$0x3FFC];
	_ =	sdelay $0x3  }
0x94: {  	_ =	strace s3  }
0x95: {  	s3 =	sld [smem:$0x3FFD];
	_ =	sdelay $0x3  }
0x96: {  	_ =	strace s3  }
0x97: {  	_ =	strace $0x8FFFFFFF  }
0x98: {  	s19 =	sld [smem:$0x3FDB];
	_ =	sdelay $0x1  }
0x99: {  	s4 =	simm.s32 $_scs_section_size  }
0x9a: {  	s5 =	simm.s32 $_size__tile_overlayer_lowered;
	s6 =	simm.s32 $_tile_overlayer_lowered  }
0x9b: {  	s22 =	simm.s32 $0x1BFF;
	s21 =	sshll.u32 s6, $0x1;
	s3 =	sadd.s32 s4, s19  }
0x9c: {  	s7 =	simm.s32 $0x0;
	s20 =	sshll.u32 s5, $0x1;
	s5 =	sadd.s32 s21, s3  }
0x9d: {  	[timem:s7], [sflag:s22] =	dma.local [hbm:s5], s20  }
0x9e: {  	_ =	swait.ge [sflag:s22], s20  }
0x9f: {  	s4 =	ssub.s32 $0x0, s20;
	[sflag:s22] =	ssyncset.done $0x0  }
0xa0: {  	[sflag:s22] =	ssyncadd.s32 s4;
	_ =	sdelay $0x1  }
0xa1: {  	s23 =	simm.s32 $0x1B8B  }
0xa2: {  	_ =	swait.ge [sflag:s23], $0x1  }
0xa3: {  	[sflag:s23] =	ssyncset.done $0x0  }
0xa4: {  	s25 =	simm.s32 $0x1B8E;
	s24 =	sld [smem:$0x3FFE];
	[sflag:s23] =	ssyncadd.s32 $0xFFFFFFFF  }
0xa5: {  	s26 =	simm.s32 $execute0_lowered;
	[smem:$0x3FD2] =	sst s25  }
0xa6: {  	s5 =	sshll.u32 s26, $0x1;
	_ =	strace $0x80000049;
	[dreg:$0x1] =	wrdreg $0xFFFFFFFF  }
0xa7: {  	s28 =	simm.s32 $_size_execute0_lowered;
	s3 =	sadd.s32 s3, s5;
	[dreg:$0x0] =	wrdreg $0x0  }
0xa8: {  	s5 =	sshll.u32 s28, $0x1;
	[dreg:$0x2] =	wrdreg s3  }
0xa9: {  	[dreg:$0x3] =	wrdreg s5  }
0xaa: {  	[dreg:$0x4] =	wrdreg $0xC0  }
0xab: {  	_ =	task [dreg:s7], $0x5FFFF  }
0xac: {  	[dreg:$0x1] =	wrdreg $0xFFFFFFFF  }
0xad: {  	[dreg:$0x0] =	wrdreg $0x60  }
0xae: {  	[dreg:$0x2] =	wrdreg s24  }
0xaf: {  	[dreg:$0x3] =	wrdreg s2  }
0xb0: {  	[dreg:$0x4] =	wrdreg $0x0  }
0xb1: {  	[dreg:$0x5] =	wrdreg $0x9  }
0xb2: {  	_ =	task.clear_ibuf [dreg:s7], $0x6FFFF;
	_ =	strace $0x90000049  }
0xb3: {  	s29 =	simm.s32 $0x9;
	_ =	strace $0x8000004B  }
0xb4: {  	_ =	swait.ge [sflag:s29], $0x1  }
0xb5: {  	[sflag:s29] =	ssyncadd.s32 $0xFFFFFFFF  }
0xb6: {  	_ =	strace $0x9000004B  }
0xb7: {  	_ =	sfence  }
0xb8: {  	s30 =	sld [smem:$0x0];
	_ =	sdelay $0x2  }
0xb9: {  	s31 =	sshll.u32 s1, $0xD;
	s1 =	sshrl.u32 s1, $0x2  }
0xba: {  	s3 =	sand.u32 $0x4000, s31;
	s1 =	sadd.s32 s1, s30  }
0xbb: {  	s0 =	sor.u32 s3, s0;
	s1 =	sshll.u32 s1, $0x11  }
0xbc: {  	s0 =	sor.u32 s1, s0  }
0xbd: {  	s0 =	sadd.s32 $0x8F2B, s0  }
0xbe: {  	[sflag:s0] =	ssyncadd.remote.s32 $0x1  }
0xbf: {  	_ =	sfence.sel $0xFFFF  }
0xc0: {  	[dreg:$0x0] =	wrdreg $0xFFFFFFFF;
	(pc) =	sbr.abs _section_cstart, $3  }
0xc1: {  	[dreg:$0x1] =	wrdreg $0xFFFFFFFF  }
0xc2: {  	_ =	task.clear_ibuf [dreg:s7], $0x2FFFF;
	_ =	strace $0x9FFFFFFF  }
0xc3: {  	(tm) =	ssettm $0x7FFFFFFF  }
tec
execute0_lowered:
.L_overlay_start_1:
0x0: {  	(tag) =	ssettag $0x1  }
0x1: {  	s0 =	srdreg.scid;
	s1 =	rddreg [dreg:$0x0]  }
0x2: {  	s4 =	stileid.u32;
	s5 =	rddreg [dreg:$0x1]  }
0x3: {  	s3 =	simm.s32 $0x0;
	s29 =	simm.s32 $0x50;
	s30 =	simm.s32 $0x1CF80  }
0x4: {  	s31 =	simm.s32 $0x1;
	s28 =	simm.s32 $0x4;
	s7 =	smul.u32 $0x280, s4  }
0x5: {  	s0 =	sand.u32 $0x1, s0;
	[smem:$0x7FF] =	sst s3;
	s9 =	smul.u32 $0x50000, s4  }
0x6: {  	s19 =	sadd.s32 $0xCA00, s1;
	s2 =	sshll.u32 s0, $0x4;
	s8 =	smul.u32 $0x2800, s0  }
0x7: {  	s0 =	ssub.s32 $0x2, s0;
	s13 =	sor.u32 s4, s2;
	s2 =	rddreg [dreg:$0x2]  }
0x8: {  	_ =	strace $0x8000004A;
	s4 =	sadd.s32 $0xD000, s1;
	[dreg:$0x4] =	wrdreg s19  }
0x9: {  	s21 =	sshrl.u32 s9, $0x2;
	s22 =	sshrl.u32 s0, $0x1;
	s6 =	smul.u32 $0x4E2, s13  }
0xa: {  	s20 =	sadd.s32 s7, s8;
	s0 =	ssub.s32 s0, s22;
	s15 =	sshll.u32 s13, $0xB  }
0xb: {  	s8 =	sshll.u32 s20, $0x4;
	s5 =	sadd.s32 s5, s15;
	s14 =	sadd.s32 s6, s1  }
0xc: {  	s6 =	sadd.s32 s21, s2;
	s1 =	sadd.s32 s8, s1;
	[dreg:$0x6] =	wrdreg s5  }
0xd: {  	s5 =	simm.s32 $0x0;
	s7 =	sadd.s32 $0x2800, s6;
	s8 =	sadd.s32 $0x5000, s6  }
0xe: {  	s9 =	sadd.s32 $0x7800, s6;
	s10 =	sadd.s32 $0xA000, s6;
	s14 =	sadd.s32 $0x2600, s14  }
0xf: {  	s11 =	sadd.s32 $0xC800, s6;
	s23 =	sadd.s32 $0x84200, s1;
	[dreg:$0x5] =	wrdreg s14  }
0x10: {  	s12 =	sadd.s32 $0xF000, s6;
	s24 =	sadd.s32 $0x84700, s1;
	[dreg:$0x7] =	wrdreg s23  }
0x11: {  	s13 =	sadd.s32 $0x11800, s6;
	s25 =	sadd.s32 $0x84C00, s1;
	[dreg:$0x8] =	wrdreg s24  }
0x12: {  	s26 =	sadd.s32 $0x85100, s1;
	s20 =	sadd.s32 $0x85600, s1;
	[dreg:$0x9] =	wrdreg s25  }
0x13: {  	s21 =	sadd.s32 $0x85B00, s1;
	s22 =	sadd.s32 $0x86000, s1;
	[dreg:$0xa] =	wrdreg s26  }
0x14: {  	s23 =	sadd.s32 $0x86500, s1;
	s24 =	smax.u32 s0, $0x1;
	s25 =	simm.s32 $0x1A780  }
0x15: {  	s26 =	simm.s32 $0x5;
	s1 =	simm.s32 $0x2;
	s0 =	simm.s32 $0x3  }
.LBB2_1:
0x16: {  	s14 =	rddreg [dreg:$0x4]  }
0x17: {  	[tilespmem:s25], [sflag:$0x5] =	stream.linear.gather [hbm4b:s14+s3], $0x2800, $0x38;
	[tilespmem:$0x1F780] =	vst v63  }
0x18: {  	_ =	swait.ge [sflag:s26], $0x2800  }
0x19: {  	[sflag:s26] =	ssyncset.done $0x0  }
0x1a: {  	[sflag:s26] =	ssyncadd.s32 $0xFFFFD800  }
0x1b: {  	[spmem:s6] =	stream.linear.scatter [tilespmem:s25], [sflag:$0x5], $0x2800, $0x38;
	[tilespmem:$0x1F780] =	vst v63  }
0x1c: {  	_ =	swait.ge [sflag:s26], $0x2800  }
0x1d: {  	[sflag:s26] =	ssyncset.done $0x0  }
0x1e: {  	[sflag:s26] =	ssyncadd.s32 $0xFFFFD800  }
0x1f: {  	[spmem:s7] =	stream.linear.scatter [tilespmem:s25], [sflag:$0x5], $0x2800, $0x38;
	[tilespmem:$0x1F780] =	vst v63  }
0x20: {  	_ =	swait.ge [sflag:s26], $0x2800  }
0x21: {  	[sflag:s26] =	ssyncset.done $0x0  }
0x22: {  	[sflag:s26] =	ssyncadd.s32 $0xFFFFD800  }
0x23: {  	[spmem:s8] =	stream.linear.scatter [tilespmem:s25], [sflag:$0x5], $0x2800, $0x38;
	[tilespmem:$0x1F780] =	vst v63  }
0x24: {  	_ =	swait.ge [sflag:s26], $0x2800  }
0x25: {  	[sflag:s26] =	ssyncset.done $0x0  }
0x26: {  	[sflag:s26] =	ssyncadd.s32 $0xFFFFD800  }
0x27: {  	[spmem:s9] =	stream.linear.scatter [tilespmem:s25], [sflag:$0x5], $0x2800, $0x38;
	[tilespmem:$0x1F780] =	vst v63  }
0x28: {  	_ =	swait.ge [sflag:s26], $0x2800  }
0x29: {  	[sflag:s26] =	ssyncset.done $0x0  }
0x2a: {  	[sflag:s26] =	ssyncadd.s32 $0xFFFFD800  }
0x2b: {  	[spmem:s10] =	stream.linear.scatter [tilespmem:s25], [sflag:$0x5], $0x2800, $0x38;
	[tilespmem:$0x1F780] =	vst v63  }
0x2c: {  	_ =	swait.ge [sflag:s26], $0x2800  }
0x2d: {  	[sflag:s26] =	ssyncset.done $0x0  }
0x2e: {  	[sflag:s26] =	ssyncadd.s32 $0xFFFFD800  }
0x2f: {  	[spmem:s11] =	stream.linear.scatter [tilespmem:s25], [sflag:$0x5], $0x2800, $0x38;
	[tilespmem:$0x1F780] =	vst v63  }
0x30: {  	_ =	swait.ge [sflag:s26], $0x2800  }
0x31: {  	[sflag:s26] =	ssyncset.done $0x0  }
0x32: {  	[sflag:s26] =	ssyncadd.s32 $0xFFFFD800  }
0x33: {  	[spmem:s12] =	stream.linear.scatter [tilespmem:s25], [sflag:$0x5], $0x2800, $0x38;
	[tilespmem:$0x1F780] =	vst v63  }
0x34: {  	_ =	swait.ge [sflag:s26], $0x2800  }
0x35: {  	[sflag:s26] =	ssyncset.done $0x0  }
0x36: {  	[sflag:s26] =	ssyncadd.s32 $0xFFFFD800  }
0x37: {  	[spmem:s13] =	stream.linear.scatter [tilespmem:s25], [sflag:$0x5], $0x2800, $0x38;
	[tilespmem:$0x1F780] =	vst v63  }
0x38: {  	_ =	swait.ge [sflag:s26], $0x2800  }
0x39: {  	[sflag:s26] =	ssyncset.done $0x0  }
0x3a: {  	s15 =	simm.s32 $0x14000;
	s18 =	rddreg [dreg:$0x5];
	[sflag:s26] =	ssyncadd.s32 $0xFFFFD800  }
0x3b: {  	[tilespmem:s15], [sflag:$0x5] =	stream.linear.gather [hbm4b:s18+s3], $0x2710, $0x38;
	[tilespmem:$0x1F780] =	vst v63  }
0x3c: {  	_ =	swait.ge [sflag:s26], $0x2710  }
0x3d: {  	[sflag:s26] =	ssyncset.done $0x0  }
0x3e: {  	s19 =	simm.s32 $0x16780;
	s16 =	rddreg [dreg:$0x6];
	[sflag:s26] =	ssyncadd.s32 $0xFFFFD8F0  }
0x3f: {  	[tilespmem:s19], [sflag:$0x5] =	stream.linear.gather [hbm4b:s16+s3], $0x3E80, $0x38;
	[tilespmem:$0x1F780] =	vst v63  }
0x40: {  	_ =	swait.ge [sflag:s26], $0x3E80  }
0x41: {  	[sflag:s26] =	ssyncset.done $0x0  }
0x42: {  	[sflag:s26] =	ssyncadd.s32 $0xFFFFC180  }
0x43: {  	s17 =	simm.s32 $0x14000;
	[bflag:$0x0] =	sbarrier.arrive $0xFFFF  }
0x44: {  	[tilespmem:s25], [sflag:$0x1] =	stream.indirect.gather [hbm4b:s4+s29], $0x80, s17, s29, $0xb8;
	[tilespmem:$0x1F780] =	vst v63  }
0x45: {  	s18 =	simm.s32 $0x14050  }
0x46: {  	[tilespmem:s30], [sflag:$0x2] =	stream.indirect.gather [hbm4b:s4+s29], $0x80, s18, s29, $0xb8;
	[tilespmem:$0x1F780] =	vst v63  }
0x47: {  	_ =	swait.ge [sflag:s31], $0x2800  }
0x48: {  	[sflag:s31] =	ssyncset.done $0x0  }
0x49: {  	[sflag:s31] =	ssyncadd.s32 $0xFFFFD800  }
0x4a: {  	[spmem:s2] =	stream.indirect.scatter.add.f32 [tilespmem:s25], [sflag:$0x3], $0x80, s19, s29, $0xb8;
	[tilespmem:$0x1F780] =	vst v63  }
0x4b: {  	_ =	swait.ge [sflag:s1], $0x2800  }
0x4c: {  	[sflag:s1] =	ssyncset.done $0x0  }
0x4d: {  	s19 =	simm.s32 $0x16800;
	[sflag:s1] =	ssyncadd.s32 $0xFFFFD800  }
0x4e: {  	[spmem:s2] =	stream.indirect.scatter.add.f32 [tilespmem:s30], [sflag:$0x4], $0x80, s19, s29, $0xb8;
	[tilespmem:$0x1F780] =	vst v63  }
0x4f: {  	_ =	swait.ge [sflag:s0], $0x2800  }
0x50: {  	[sflag:s0] =	ssyncset.done $0x0  }
0x51: {  	[sflag:s0] =	ssyncadd.s32 $0xFFFFD800  }
0x52: {  	s14 =	simm.s32 $0x16880;
	_ =	swait.ge [sflag:s28], $0x2800  }
0x53: {  	s15 =	simm.s32 $0xA0;
	s16 =	simm.s32 $0x500;
	[sflag:s28] =	ssyncset.done $0x0  }
.LBB2_2:
0x54: {  	s17 =	sadd.s32 $0x14000, s15  }
0x55: {  	[sflag:s28] =	ssyncadd.s32 $0xFFFFD800;
	s18 =	smov.u32 s16;
	s19 =	sadd.s32 $0x280, s16  }
0x56: {  	[tilespmem:s25], [sflag:$0x1] =	stream.indirect.gather [hbm4b:s4+s29], $0x80, s17, s29, $0xb8;
	[tilespmem:$0x1F780] =	vst v63  }
0x57: {  	p0 =	sne.s32 s16, $0x9880;
	s15 =	sadd.s32 $0x14050, s15  }
0x58: {  	[tilespmem:s30], [sflag:$0x2] =	stream.indirect.gather [hbm4b:s4+s29], $0x80, s15, s29, $0xb8;
	[tilespmem:$0x1F780] =	vst v63  }
0x59: {  	_ =	swait.ge [sflag:s31], $0x2800  }
0x5a: {  	[sflag:s31] =	ssyncset.done $0x0  }
0x5b: {  	[sflag:s31] =	ssyncadd.s32 $0xFFFFD800  }
0x5c: {  	[spmem:s2] =	stream.indirect.scatter.add.f32 [tilespmem:s25], [sflag:$0x3], $0x80, s14, s29, $0xb8;
	[tilespmem:$0x1F780] =	vst v63  }
0x5d: {  	_ =	swait.ge [sflag:s1], $0x2800  }
0x5e: {  	[sflag:s1] =	ssyncset.done $0x0  }
0x5f: {  	s15 =	sadd.s32 $0x80, s14;
	[sflag:s1] =	ssyncadd.s32 $0xFFFFD800  }
0x60: {  	[spmem:s2] =	stream.indirect.scatter.add.f32 [tilespmem:s30], [sflag:$0x4], $0x80, s15, s29, $0xb8;
	[tilespmem:$0x1F780] =	vst v63  }
.Ltmp0:
0x61: {  	_ =	swait.ge [sflag:s0], $0x2800;
	(pc) =	sbr.rel @p0 .LBB2_2-.Ltmp0, $4  }
0x62: {  	[sflag:s0] =	ssyncset.done $0x0  }
0x63: {  	[sflag:s0] =	ssyncadd.s32 $0xFFFFD800  }
0x64: {  	s16 =	smov.u32 s19;
	_ =	swait.ge [sflag:s28], $0x2800  }
0x65: {  	s14 =	sadd.s32 $0x100, s14;
	s15 =	sshra.s32 s18, $0x2;
	[sflag:s28] =	ssyncset.done $0x0  }
0x66: {  	s16 =	sadd.s32 $0x14000, s15;
	[sflag:s28] =	ssyncadd.s32 $0xFFFFD800  }
0x67: {  	[tilespmem:s25], [sflag:$0x1] =	stream.indirect.gather [hbm4b:s4+s29], $0x80, s16, s29, $0xb8;
	[tilespmem:$0x1F780] =	vst v63  }
0x68: {  	s17 =	sadd.s32 $0x14050, s15  }
0x69: {  	[tilespmem:s30], [sflag:$0x2] =	stream.indirect.gather [hbm4b:s4+s29], $0x80, s17, s29, $0xb8;
	[tilespmem:$0x1F780] =	vst v63  }
0x6a: {  	_ =	swait.ge [sflag:s31], $0x2800  }
0x6b: {  	[sflag:s31] =	ssyncset.done $0x0  }
0x6c: {  	[sflag:s31] =	ssyncadd.s32 $0xFFFFD800  }
0x6d: {  	[spmem:s2] =	stream.indirect.scatter.add.f32 [tilespmem:s25], [sflag:$0x3], $0x80, s14, s29, $0xb8;
	[tilespmem:$0x1F780] =	vst v63  }
0x6e: {  	_ =	swait.ge [sflag:s1], $0x2800  }
0x6f: {  	[sflag:s1] =	ssyncset.done $0x0  }
0x70: {  	s18 =	sadd.s32 $0x80, s14;
	[sflag:s1] =	ssyncadd.s32 $0xFFFFD800  }
0x71: {  	[spmem:s2] =	stream.indirect.scatter.add.f32 [tilespmem:s30], [sflag:$0x4], $0x80, s18, s29, $0xb8;
	[tilespmem:$0x1F780] =	vst v63  }
0x72: {  	_ =	swait.ge [sflag:s0], $0x2800  }
0x73: {  	[sflag:s0] =	ssyncset.done $0x0  }
0x74: {  	[sflag:s0] =	ssyncadd.s32 $0xFFFFD800  }
0x75: {  	_ =	swait.ge [sflag:s28], $0x2800  }
0x76: {  	[sflag:s28] =	ssyncset.done $0x0  }
0x77: {  	s19 =	simm.s32 $0x166C0;
	[sflag:s28] =	ssyncadd.s32 $0xFFFFD800  }
0x78: {  	[tilespmem:s25], [sflag:$0x1] =	stream.indirect.gather [hbm4b:s4+s29], $0x80, s19, s29, $0xb8;
	[tilespmem:$0x1F780] =	vst v63  }
0x79: {  	_ =	swait.ge [sflag:s31], $0x2800  }
0x7a: {  	[sflag:s31] =	ssyncset.done $0x0  }
0x7b: {  	s15 =	simm.s32 $0x1A580;
	[sflag:s31] =	ssyncadd.s32 $0xFFFFD800  }
0x7c: {  	[spmem:s2] =	stream.indirect.scatter.add.f32 [tilespmem:s25], [sflag:$0x3], $0x80, s15, s29, $0xb8;
	[tilespmem:$0x1F780] =	vst v63  }
0x7d: {  	_ =	swait.ge [sflag:s0], $0x2800  }
0x7e: {  	[sflag:s0] =	ssyncset.done $0x0  }
0x7f: {  	[sflag:s0] =	ssyncadd.s32 $0xFFFFD800  }
0x80: {  	[bflag:$0x0] =	sbarrier.arrive $0xFFFF  }
0x81: {  	[tilespmem:s25], [sflag:$0x5] =	stream.linear.gather [spmem:s6], $0x2800, $0x38;
	[tilespmem:$0x1F780] =	vst v63  }
0x82: {  	_ =	swait.ge [sflag:s26], $0x2800  }
0x83: {  	[sflag:s26] =	ssyncset.done $0x0  }
0x84: {  	s16 =	rddreg [dreg:$0x7];
	[sflag:s26] =	ssyncadd.s32 $0xFFFFD800  }
0x85: {  	[hbm4b:s16+s3] =	stream.linear.scatter [tilespmem:s25], [sflag:$0x5], $0x2800, $0x38;
	[tilespmem:$0x1F780] =	vst v63  }
0x86: {  	_ =	swait.ge [sflag:s26], $0x2800  }
0x87: {  	[sflag:s26] =	ssyncset.done $0x0  }
0x88: {  	[sflag:s26] =	ssyncadd.s32 $0xFFFFD800  }
0x89: {  	[tilespmem:s30], [sflag:$0x5] =	stream.linear.gather [spmem:s7], $0x2800, $0x38;
	[tilespmem:$0x1F780] =	vst v63  }
0x8a: {  	_ =	swait.ge [sflag:s26], $0x2800  }
0x8b: {  	[sflag:s26] =	ssyncset.done $0x0  }
0x8c: {  	s17 =	rddreg [dreg:$0x8];
	[sflag:s26] =	ssyncadd.s32 $0xFFFFD800  }
0x8d: {  	[hbm4b:s17+s3] =	stream.linear.scatter [tilespmem:s30], [sflag:$0x5], $0x2800, $0x38;
	[tilespmem:$0x1F780] =	vst v63  }
0x8e: {  	_ =	swait.ge [sflag:s26], $0x2800  }
0x8f: {  	[sflag:s26] =	ssyncset.done $0x0  }
0x90: {  	[sflag:s26] =	ssyncadd.s32 $0xFFFFD800  }
0x91: {  	[tilespmem:s25], [sflag:$0x5] =	stream.linear.gather [spmem:s8], $0x2800, $0x38;
	[tilespmem:$0x1F780] =	vst v63  }
0x92: {  	_ =	swait.ge [sflag:s26], $0x2800  }
0x93: {  	[sflag:s26] =	ssyncset.done $0x0  }
0x94: {  	s18 =	rddreg [dreg:$0x9];
	[sflag:s26] =	ssyncadd.s32 $0xFFFFD800  }
0x95: {  	[hbm4b:s18+s3] =	stream.linear.scatter [tilespmem:s25], [sflag:$0x5], $0x2800, $0x38;
	[tilespmem:$0x1F780] =	vst v63  }
0x96: {  	_ =	swait.ge [sflag:s26], $0x2800  }
0x97: {  	[sflag:s26] =	ssyncset.done $0x0  }
0x98: {  	[sflag:s26] =	ssyncadd.s32 $0xFFFFD800  }
0x99: {  	[tilespmem:s30], [sflag:$0x5] =	stream.linear.gather [spmem:s9], $0x2800, $0x38;
	[tilespmem:$0x1F780] =	vst v63  }
0x9a: {  	_ =	swait.ge [sflag:s26], $0x2800  }
0x9b: {  	[sflag:s26] =	ssyncset.done $0x0  }
0x9c: {  	s19 =	rddreg [dreg:$0xa];
	[sflag:s26] =	ssyncadd.s32 $0xFFFFD800  }
0x9d: {  	[hbm4b:s19+s3] =	stream.linear.scatter [tilespmem:s30], [sflag:$0x5], $0x2800, $0x38;
	[tilespmem:$0x1F780] =	vst v63  }
0x9e: {  	_ =	swait.ge [sflag:s26], $0x2800  }
0x9f: {  	[sflag:s26] =	ssyncset.done $0x0  }
0xa0: {  	[sflag:s26] =	ssyncadd.s32 $0xFFFFD800  }
0xa1: {  	[tilespmem:s25], [sflag:$0x5] =	stream.linear.gather [spmem:s10], $0x2800, $0x38;
	[tilespmem:$0x1F780] =	vst v63  }
0xa2: {  	_ =	swait.ge [sflag:s26], $0x2800  }
0xa3: {  	[sflag:s26] =	ssyncset.done $0x0  }
0xa4: {  	[sflag:s26] =	ssyncadd.s32 $0xFFFFD800  }
0xa5: {  	[hbm4b:s20+s3] =	stream.linear.scatter [tilespmem:s25], [sflag:$0x5], $0x2800, $0x38;
	[tilespmem:$0x1F780] =	vst v63  }
0xa6: {  	_ =	swait.ge [sflag:s26], $0x2800  }
0xa7: {  	[sflag:s26] =	ssyncset.done $0x0  }
0xa8: {  	[sflag:s26] =	ssyncadd.s32 $0xFFFFD800  }
0xa9: {  	[tilespmem:s30], [sflag:$0x5] =	stream.linear.gather [spmem:s11], $0x2800, $0x38;
	[tilespmem:$0x1F780] =	vst v63  }
0xaa: {  	_ =	swait.ge [sflag:s26], $0x2800  }
0xab: {  	[sflag:s26] =	ssyncset.done $0x0  }
0xac: {  	[sflag:s26] =	ssyncadd.s32 $0xFFFFD800  }
0xad: {  	[hbm4b:s21+s3] =	stream.linear.scatter [tilespmem:s30], [sflag:$0x5], $0x2800, $0x38;
	[tilespmem:$0x1F780] =	vst v63  }
0xae: {  	_ =	swait.ge [sflag:s26], $0x2800  }
0xaf: {  	[sflag:s26] =	ssyncset.done $0x0  }
0xb0: {  	[sflag:s26] =	ssyncadd.s32 $0xFFFFD800  }
0xb1: {  	[tilespmem:s25], [sflag:$0x5] =	stream.linear.gather [spmem:s12], $0x2800, $0x38;
	[tilespmem:$0x1F780] =	vst v63  }
0xb2: {  	_ =	swait.ge [sflag:s26], $0x2800  }
0xb3: {  	[sflag:s26] =	ssyncset.done $0x0  }
0xb4: {  	[sflag:s26] =	ssyncadd.s32 $0xFFFFD800  }
0xb5: {  	[hbm4b:s22+s3] =	stream.linear.scatter [tilespmem:s25], [sflag:$0x5], $0x2800, $0x38;
	[tilespmem:$0x1F780] =	vst v63  }
0xb6: {  	_ =	swait.ge [sflag:s26], $0x2800  }
0xb7: {  	[sflag:s26] =	ssyncset.done $0x0  }
0xb8: {  	[sflag:s26] =	ssyncadd.s32 $0xFFFFD800  }
0xb9: {  	[tilespmem:s30], [sflag:$0x5] =	stream.linear.gather [spmem:s13], $0x2800, $0x38;
	[tilespmem:$0x1F780] =	vst v63  }
0xba: {  	s5 =	sadd.s32 $0x1, s5;
	_ =	swait.ge [sflag:s26], $0x2800  }
0xbb: {  	p0 =	sne.s32 s5, s24;
	[sflag:s26] =	ssyncset.done $0x0  }
.Ltmp1:
0xbc: {  	[sflag:s26] =	ssyncadd.s32 $0xFFFFD800;
	(pc) =	sbr.rel @p0 .LBB2_1-.Ltmp1, $4  }
0xbd: {  	[hbm4b:s23+s3] =	stream.linear.scatter [tilespmem:s30], [sflag:$0x5], $0x2800, $0x38;
	[tilespmem:$0x1F780] =	vst v63  }
0xbe: {  	_ =	swait.ge [sflag:s26], $0x2800  }
0xbf: {  	[sflag:s26] =	ssyncset.done $0x0  }
0xc0: {  	[sflag:s26] =	ssyncadd.s32 $0xFFFFD800  }
0xc1: {  	_ =	sfence.sel $0x180000  }
0xc2: {  	[bflag:$0x0] =	sbarrier.arrive $0xFFFF  }
0xc3: {  	_ =	strace $0x9000004A  }
0xc4: {  	s0 =	stileid.u32;
	[bflag:$0x2] =	sbarrier.arrive $0xFFFF  }
0xc5: {  	p0 =	sne.s32 s0, $0x0;
	s0 =	rddreg [dreg:$0x3]  }
0xc6: {  	s0 =	sadd.s32 @!p0 $0x100000, s0  }
0xc7: {  	[sflag:s0] =	ssyncadd.tile.s32 @!p0 $0x1;
	_ =	shalt  }
.Lfunc_end2:
_tile_overlayer_lowered:
.L_overlay_start_2:
0xc8: {  	(tag) =	ssettag $0x2  }
0xc9: {  	s0 =	rddreg [dreg:$0x0];
	s2 =	stileid.u32  }
0xca: {  	s1 =	rddreg [dreg:$0x1];
	p0 =	sne.s32 s2, $0x0  }
0xcb: {  	s3 =	rddreg [dreg:$0x2];
	[bflag:$0x3] =	sbarrier.arrive $0xFFFF;
	s2 =	simm.s32 @!p0 $0x1C05  }
0xcc: {  	[timem:s3], [sflag:s2] =	dma.local @!p0 [hbm:s0], s1  }
0xcd: {  	s0 =	simm.s32 @!p0 $0x5  }
0xce: {  	_ =	swait.ge @!p0 [sflag:s0], s1  }
0xcf: {  	s1 =	ssub.s32 @!p0 $0x0, s1;
	[sflag:s0] =	ssyncset.done @!p0 $0x0  }
0xd0: {  	[sflag:s0] =	ssyncadd.s32 @!p0 s1  }
0xd1: {  	[bflag:$0x3] =	sbarrier.arrive $0xFFFF  }
0xd2: {  	_ =	shalt  }

</sc_bundles>
